<compile_context>
chip_gen: v7x
topology: tpu7x:2x2x1
jax: 0.10.2.dev20260603
libtpu: 0.0.44.dev20260713+nightly
codegen_flags: <defaults>
</compile_context>

<pallas_src>
import jax
import jax.numpy as jnp
from jax import lax
from jax.experimental import pallas as pl
from jax.experimental.pallas import tpu as pltpu
from jax.experimental.pallas import tpu_sc as plsc

BATCH = 16384
HIST_LEN = 50
EMBEDDING_K = 32

_NW = 32
_CB = BATCH // _NW
_L = 16


def _transpose_block(rows_v, trans_v):
    iota = lax.iota(jnp.int32, _L)
    cols = [jnp.full((_L,), k, dtype=jnp.int32) for k in range(EMBEDDING_K)]

    @plsc.parallel_loop(0, _CB, _L, unroll=2)
    def _(j0):
        block = rows_v.at[pl.ds(j0, _L)]
        bgl = j0 // 128
        br = j0 % 128
        for k in range(EMBEDDING_K):
            vals = plsc.load_gather(block, [iota, cols[k]])
            trans_v[k // 8, bgl, k % 8, pl.ds(br, _L)] = vals


def _gather_kernel(table_hbm, idx_hbm, out_hbm,
                   idx_a, idx_b, rows_a, rows_b, trans_a, trans_b,
                   gsem_a, gsem_b, osem_a, osem_b):
    wid = lax.axis_index("s") * 2 + lax.axis_index("c")
    b0 = wid * _CB
    bg0 = wid * (_CB // 128)

    idx_bufs = (idx_a, idx_b)
    row_bufs = (rows_a, rows_b)
    trans_bufs = (trans_a, trans_b)
    gsems = (gsem_a, gsem_b)
    osems = (osem_a, osem_b)

    pltpu.sync_copy(idx_hbm.at[0, pl.ds(b0, _CB)], idx_a)
    pltpu.async_copy(table_hbm.at[idx_a], rows_a, gsem_a)

    @pl.loop(0, HIST_LEN, step=2)
    def _(l0):
        for p in range(2):
            l = l0 + p
            cur = p
            nxt = 1 - p

            @pl.when(l + 1 < HIST_LEN)
            def _():
                pltpu.sync_copy(idx_hbm.at[l + 1, pl.ds(b0, _CB)],
                                idx_bufs[nxt])
                pltpu.async_copy(table_hbm.at[idx_bufs[nxt]],
                                 row_bufs[nxt], gsems[nxt])

            pltpu.make_async_copy(table_hbm.at[idx_bufs[cur]],
                                  row_bufs[cur], gsems[cur]).wait()

            @pl.when(l >= 2)
            def _():
                pltpu.make_async_copy(
                    trans_bufs[cur],
                    out_hbm.at[l - 2, :, pl.ds(bg0, 4), :, :],
                    osems[cur],
                ).wait()

            _transpose_block(row_bufs[cur], trans_bufs[cur])
            pltpu.async_copy(trans_bufs[cur],
                             out_hbm.at[l, :, pl.ds(bg0, 4), :, :],
                             osems[cur])

    for l in (HIST_LEN - 2, HIST_LEN - 1):
        pltpu.make_async_copy(
            trans_bufs[l % 2],
            out_hbm.at[l, :, pl.ds(bg0, 4), :, :],
            osems[l % 2],
        ).wait()


@jax.jit
def _sc_gather(item_table, idx_t):
    mesh = plsc.VectorSubcoreMesh(core_axis_name="c", subcore_axis_name="s")
    return pl.kernel(
        _gather_kernel,
        out_type=jax.ShapeDtypeStruct((HIST_LEN, 4, BATCH // 128, 8, 128),
                                      jnp.float32),
        mesh=mesh,
        compiler_params=pltpu.CompilerParams(use_tc_tiling_on_sc=False,
                                             needs_layout_passes=False),
        scratch_types=[
            pltpu.VMEM((_CB,), jnp.int32),
            pltpu.VMEM((_CB,), jnp.int32),
            pltpu.VMEM((_CB, EMBEDDING_K), jnp.float32),
            pltpu.VMEM((_CB, EMBEDDING_K), jnp.float32),
            pltpu.VMEM((4, 4, 8, 128), jnp.float32),
            pltpu.VMEM((4, 4, 8, 128), jnp.float32),
            pltpu.SemaphoreType.DMA,
            pltpu.SemaphoreType.DMA,
            pltpu.SemaphoreType.DMA,
            pltpu.SemaphoreType.DMA,
        ],
    )(item_table, idx_t)


def kernel(item_table, item_idx):
    idx_t = item_idx.T.astype(jnp.int32)
    p = _sc_gather(item_table, idx_t)
    return p.transpose(2, 4, 0, 1, 3).reshape(BATCH, HIST_LEN, EMBEDDING_K)

# --- scband reference (transcript-rebuilt; emitter-appended) ---
"""Pipeline reference for scband-residual-base-7301444403201 (READ-ONLY COPY).

The authoritative reference and input builder live on the scoring server;
editing this copy changes nothing except your own understanding.
"""

import jax, jax.numpy as jnp
import numpy as np

NUM_ITEMS = 1000000
EMBEDDING_K = 32
BATCH = 16384
HIST_LEN = 50
PADDING_ITEM_ID = NUM_ITEMS


def setup_inputs(seed: int = 0) -> dict:
    key = jax.random.key(seed)
    k_idx, k_tbl = jax.random.split(key)
    # forward arg: item_idx int64[B, L], values in [0, num_items)
    item_idx = jax.random.randint(k_idx, (BATCH, HIST_LEN), 0, NUM_ITEMS, dtype=jnp.int32)
    # learned parameter: item embedding table [num_items + 1, embedding_k],
    # last row is the padding row (zeros, per padding_idx semantics)
    item_table = jax.random.normal(k_tbl, (NUM_ITEMS + 1, EMBEDDING_K), dtype=jnp.float32) * 0.02
    item_table = item_table.at[PADDING_ITEM_ID].set(0.0)
    return {"item_table": item_table, "item_idx": item_idx}


def reference(item_table, item_idx):
    # ResidualBase.get_item_repr: plain embedding lookup (gather rows)
    return jnp.take(item_table, item_idx, axis=0)

if __name__ == "__main__":
    import jax
    _d = setup_inputs()
    print(jax.jit(kernel)(*tuple(_d.values())))

</pallas_src>

<mosaic_0001>
#map = affine_map<(d0, d1) -> (0, 0)>
#map1 = affine_map<(d0, d1) -> (0, 0, 0, 0, 0)>
module attributes {stable_mosaic.version = 14 : i64} {
  func.func @_gather_kernel(%arg0: i32, %arg1: i32, %arg2: memref<1000001x32xf32, #tpu.memory_space<hbm>>, %arg3: memref<50x16384xi32, #tpu.memory_space<hbm>>, %arg4: memref<50x4x128x8x128xf32, #tpu.memory_space<hbm>>, %arg5: memref<512xi32, #tpu.memory_space<vmem>>, %arg6: memref<512xi32, #tpu.memory_space<vmem>>, %arg7: memref<512x32xf32, #tpu.memory_space<vmem>>, %arg8: memref<512x32xf32, #tpu.memory_space<vmem>>, %arg9: memref<4x4x8x128xf32, #tpu.memory_space<vmem>>, %arg10: memref<4x4x8x128xf32, #tpu.memory_space<vmem>>, %arg11: memref<!tpu.dma_semaphore, #tpu.memory_space<semaphore_mem>>, %arg12: memref<!tpu.dma_semaphore, #tpu.memory_space<semaphore_mem>>, %arg13: memref<!tpu.dma_semaphore, #tpu.memory_space<semaphore_mem>>, %arg14: memref<!tpu.dma_semaphore, #tpu.memory_space<semaphore_mem>>) attributes {dimension_semantics = [#tpu.dimension_semantics<core_parallel>, #tpu.dimension_semantics<subcore_parallel>], iteration_bounds = array<i64: 2, 16>, scalar_prefetch = 0 : i64, scratch_operands = 10 : i64, tpu.core_type = #tpu.core_type<sc_vector_subcore>, window_params = [{transform_indices = #map}, {transform_indices = #map}, {transform_indices = #map1}]} {
    %mul3A = arith.constant 2 : i32
    %mul3A_0 = arith.muli %arg1, %mul3A : i32
    %add3A = arith.addi %mul3A_0, %arg0 : i32
    %mul3A_1 = arith.constant 512 : i32
    %mul3A_2 = arith.muli %add3A, %mul3A_1 : i32
    %mul3A_3 = arith.constant 4 : i32
    %mul3A_4 = arith.muli %add3A, %mul3A_3 : i32
    %run_scoped3A = arith.constant 0 : i32
    "tpu.region"() ({
      %run_scoped3A_32 = tpu.sem_alloc : memref<!tpu.dma_semaphore, #tpu.memory_space<semaphore_mem>>
      %dma_start3A_33 = tpu.memref_slice %arg3[%run_scoped3A, %mul3A_2] : memref<50x16384xi32, #tpu.memory_space<hbm>> -> memref<1x512xi32, #tpu.memory_space<hbm>>
      %dma_start3A_34 = tpu.memref_squeeze %dma_start3A_33 : memref<1x512xi32, #tpu.memory_space<hbm>> -> memref<512xi32, #tpu.memory_space<hbm>>
      %dma_start3A_35 = tpu.memref_slice %arg3[%run_scoped3A, %mul3A_2] : memref<50x16384xi32, #tpu.memory_space<hbm>> -> memref<1x512xi32, #tpu.memory_space<hbm>>
      %dma_start3A_36 = tpu.memref_squeeze %dma_start3A_35 : memref<1x512xi32, #tpu.memory_space<hbm>> -> memref<512xi32, #tpu.memory_space<hbm>>
      tpu.enqueue_dma source(%dma_start3A_36 : memref<512xi32, #tpu.memory_space<hbm>>) target(%arg5 : memref<512xi32, #tpu.memory_space<vmem>>) target_semaphore(%run_scoped3A_32 : memref<!tpu.dma_semaphore, #tpu.memory_space<semaphore_mem>>)
      %dma_wait3A_37 = tpu.memref_slice %arg3[%run_scoped3A, %mul3A_2] : memref<50x16384xi32, #tpu.memory_space<hbm>> -> memref<1x512xi32, #tpu.memory_space<hbm>>
      %dma_wait3A_38 = tpu.memref_squeeze %dma_wait3A_37 : memref<1x512xi32, #tpu.memory_space<hbm>> -> memref<512xi32, #tpu.memory_space<hbm>>
      %dma_wait3A_39 = tpu.memref_slice %arg3[%run_scoped3A, %mul3A_2] : memref<50x16384xi32, #tpu.memory_space<hbm>> -> memref<1x512xi32, #tpu.memory_space<hbm>>
      %dma_wait3A_40 = tpu.memref_squeeze %dma_wait3A_39 : memref<1x512xi32, #tpu.memory_space<hbm>> -> memref<512xi32, #tpu.memory_space<hbm>>
      tpu.wait_dma2 semaphore(%run_scoped3A_32 : memref<!tpu.dma_semaphore, #tpu.memory_space<semaphore_mem>>) src(%dma_wait3A_40 : memref<512xi32, #tpu.memory_space<hbm>>) dst(%arg5 : memref<512xi32, #tpu.memory_space<vmem>>)
      tpu.yield
    }) : () -> ()
    %dma_start3A = arith.constant 0 : i32
    %dma_start3A_5 = arith.constant 0 : i32
    %dma_start3A_6 = tpu.memref_slice %arg2[%dma_start3A, %dma_start3A_5] : memref<1000001x32xf32, #tpu.memory_space<hbm>> -> memref<1000001x32xf32, #tpu.memory_space<hbm>>
    tpu.enqueue_indirect_dma source(%dma_start3A_6 : memref<1000001x32xf32, #tpu.memory_space<hbm>>) target(%arg7 : memref<512x32xf32, #tpu.memory_space<vmem>>) offsets(%arg5 : memref<512xi32, #tpu.memory_space<vmem>>) semaphore(%arg11 : memref<!tpu.dma_semaphore, #tpu.memory_space<semaphore_mem>>)
    %scan3A = arith.constant 0 : i32
    %scan3A_7 = arith.constant 25 : i32
    %scan3A_8 = arith.addi %scan3A, %scan3A_7 : i32
    %scan3A_9 = arith.constant 1 : i32
    scf.for %scan3A_32 = %scan3A to %scan3A_8 step %scan3A_9  : i32 {
      %mul3A_33 = arith.constant 2 : i32
      %mul3A_34 = arith.muli %scan3A_32, %mul3A_33 : i32
      %add3A_35 = arith.constant 0 : i32
      %add3A_36 = arith.addi %add3A_35, %mul3A_34 : i32
      %add3A_37 = arith.constant 0 : i32
      %add3A_38 = arith.addi %add3A_36, %add3A_37 : i32
      %add3A_39 = arith.constant 1 : i32
      %add3A_40 = arith.addi %add3A_38, %add3A_39 : i32
      %lt3A = arith.constant 50 : i32
      %lt3A_41 = arith.cmpi slt, %add3A_40, %lt3A : i32
      %convert_element_type3A = arith.extui %lt3A_41 : i1 to i32
      %cond3A = arith.constant 0 : i32
      %cond3A_42 = arith.cmpi ne, %convert_element_type3A, %cond3A : i32
      scf.if %cond3A_42 {
        %add3A_220 = arith.constant 1 : i32
        %add3A_221 = arith.addi %add3A_38, %add3A_220 : i32
        "tpu.region"() ({
          %run_scoped3A_225 = tpu.sem_alloc : memref<!tpu.dma_semaphore, #tpu.memory_space<semaphore_mem>>
          %dma_start3A_226 = tpu.memref_slice %arg3[%add3A_221, %mul3A_2] : memref<50x16384xi32, #tpu.memory_space<hbm>> -> memref<1x512xi32, #tpu.memory_space<hbm>>
          %dma_start3A_227 = tpu.memref_squeeze %dma_start3A_226 : memref<1x512xi32, #tpu.memory_space<hbm>> -> memref<512xi32, #tpu.memory_space<hbm>>
          %dma_start3A_228 = tpu.memref_slice %arg3[%add3A_221, %mul3A_2] : memref<50x16384xi32, #tpu.memory_space<hbm>> -> memref<1x512xi32, #tpu.memory_space<hbm>>
          %dma_start3A_229 = tpu.memref_squeeze %dma_start3A_228 : memref<1x512xi32, #tpu.memory_space<hbm>> -> memref<512xi32, #tpu.memory_space<hbm>>
          tpu.enqueue_dma source(%dma_start3A_229 : memref<512xi32, #tpu.memory_space<hbm>>) target(%arg6 : memref<512xi32, #tpu.memory_space<vmem>>) target_semaphore(%run_scoped3A_225 : memref<!tpu.dma_semaphore, #tpu.memory_space<semaphore_mem>>)
          %dma_wait3A_230 = tpu.memref_slice %arg3[%add3A_221, %mul3A_2] : memref<50x16384xi32, #tpu.memory_space<hbm>> -> memref<1x512xi32, #tpu.memory_space<hbm>>
          %dma_wait3A_231 = tpu.memref_squeeze %dma_wait3A_230 : memref<1x512xi32, #tpu.memory_space<hbm>> -> memref<512xi32, #tpu.memory_space<hbm>>
          %dma_wait3A_232 = tpu.memref_slice %arg3[%add3A_221, %mul3A_2] : memref<50x16384xi32, #tpu.memory_space<hbm>> -> memref<1x512xi32, #tpu.memory_space<hbm>>
          %dma_wait3A_233 = tpu.memref_squeeze %dma_wait3A_232 : memref<1x512xi32, #tpu.memory_space<hbm>> -> memref<512xi32, #tpu.memory_space<hbm>>
          tpu.wait_dma2 semaphore(%run_scoped3A_225 : memref<!tpu.dma_semaphore, #tpu.memory_space<semaphore_mem>>) src(%dma_wait3A_233 : memref<512xi32, #tpu.memory_space<hbm>>) dst(%arg6 : memref<512xi32, #tpu.memory_space<vmem>>)
          tpu.yield
        }) : () -> ()
        %dma_start3A_222 = arith.constant 0 : i32
        %dma_start3A_223 = arith.constant 0 : i32
        %dma_start3A_224 = tpu.memref_slice %arg2[%dma_start3A_222, %dma_start3A_223] : memref<1000001x32xf32, #tpu.memory_space<hbm>> -> memref<1000001x32xf32, #tpu.memory_space<hbm>>
        tpu.enqueue_indirect_dma source(%dma_start3A_224 : memref<1000001x32xf32, #tpu.memory_space<hbm>>) target(%arg8 : memref<512x32xf32, #tpu.memory_space<vmem>>) offsets(%arg6 : memref<512xi32, #tpu.memory_space<vmem>>) semaphore(%arg12 : memref<!tpu.dma_semaphore, #tpu.memory_space<semaphore_mem>>)
      } else {
      }
      %dma_wait3A_43 = arith.constant 0 : i32
      %dma_wait3A_44 = arith.constant 0 : i32
      %dma_wait3A_45 = tpu.memref_slice %arg2[%dma_wait3A_43, %dma_wait3A_44] : memref<1000001x32xf32, #tpu.memory_space<hbm>> -> memref<1000001x32xf32, #tpu.memory_space<hbm>>
      tpu.wait_indirect_dma semaphore(%arg11 : memref<!tpu.dma_semaphore, #tpu.memory_space<semaphore_mem>>) src(%dma_wait3A_45 : memref<1000001x32xf32, #tpu.memory_space<hbm>>) dst(%arg7 : memref<512x32xf32, #tpu.memory_space<vmem>>)
      %ge3A = arith.constant 2 : i32
      %ge3A_46 = arith.cmpi sge, %add3A_38, %ge3A : i32
      %convert_element_type3A_47 = arith.extui %ge3A_46 : i1 to i32
      %cond3A_48 = arith.constant 0 : i32
      %cond3A_49 = arith.cmpi ne, %convert_element_type3A_47, %cond3A_48 : i32
      scf.if %cond3A_49 {
        %sub3A = arith.constant 2 : i32
        %sub3A_220 = arith.subi %add3A_38, %sub3A : i32
        %dma_wait3A_221 = arith.constant 0 : i32
        %dma_wait3A_222 = arith.constant 0 : i32
        %dma_wait3A_223 = arith.constant 0 : i32
        %dma_wait3A_224 = tpu.memref_slice %arg4[%sub3A_220, %dma_wait3A_221, %mul3A_4, %dma_wait3A_222, %dma_wait3A_223] : memref<50x4x128x8x128xf32, #tpu.memory_space<hbm>> -> memref<1x4x4x8x128xf32, #tpu.memory_space<hbm>>
        %dma_wait3A_225 = tpu.memref_squeeze %dma_wait3A_224 : memref<1x4x4x8x128xf32, #tpu.memory_space<hbm>> -> memref<4x4x8x128xf32, #tpu.memory_space<hbm>>
        %dma_wait3A_226 = arith.constant 0 : i32
        %dma_wait3A_227 = arith.constant 0 : i32
        %dma_wait3A_228 = arith.constant 0 : i32
        %dma_wait3A_229 = tpu.memref_slice %arg4[%sub3A_220, %dma_wait3A_226, %mul3A_4, %dma_wait3A_227, %dma_wait3A_228] : memref<50x4x128x8x128xf32, #tpu.memory_space<hbm>> -> memref<1x4x4x8x128xf32, #tpu.memory_space<hbm>>
        %dma_wait3A_230 = tpu.memref_squeeze %dma_wait3A_229 : memref<1x4x4x8x128xf32, #tpu.memory_space<hbm>> -> memref<4x4x8x128xf32, #tpu.memory_space<hbm>>
        tpu.wait_dma2 semaphore(%arg13 : memref<!tpu.dma_semaphore, #tpu.memory_space<semaphore_mem>>) src(%arg9 : memref<4x4x8x128xf32, #tpu.memory_space<vmem>>) dst(%dma_wait3A_230 : memref<4x4x8x128xf32, #tpu.memory_space<hbm>>)
      } else {
      }
      %iota3A = tpu.iota {dimensions = array<i32: 0>} : vector<16xi32>
      %broadcast_in_dim3A = arith.constant 0 : i32
      %broadcast_in_dim3A_50 = vector.broadcast %broadcast_in_dim3A : i32 to vector<16xi32>
      %broadcast_in_dim3A_51 = arith.constant 1 : i32
      %broadcast_in_dim3A_52 = vector.broadcast %broadcast_in_dim3A_51 : i32 to vector<16xi32>
      %broadcast_in_dim3A_53 = arith.constant 2 : i32
      %broadcast_in_dim3A_54 = vector.broadcast %broadcast_in_dim3A_53 : i32 to vector<16xi32>
      %broadcast_in_dim3A_55 = arith.constant 3 : i32
      %broadcast_in_dim3A_56 = vector.broadcast %broadcast_in_dim3A_55 : i32 to vector<16xi32>
      %broadcast_in_dim3A_57 = arith.constant 4 : i32
      %broadcast_in_dim3A_58 = vector.broadcast %broadcast_in_dim3A_57 : i32 to vector<16xi32>
      %broadcast_in_dim3A_59 = arith.constant 5 : i32
      %broadcast_in_dim3A_60 = vector.broadcast %broadcast_in_dim3A_59 : i32 to vector<16xi32>
      %broadcast_in_dim3A_61 = arith.constant 6 : i32
      %broadcast_in_dim3A_62 = vector.broadcast %broadcast_in_dim3A_61 : i32 to vector<16xi32>
      %broadcast_in_dim3A_63 = arith.constant 7 : i32
      %broadcast_in_dim3A_64 = vector.broadcast %broadcast_in_dim3A_63 : i32 to vector<16xi32>
      %broadcast_in_dim3A_65 = arith.constant 8 : i32
      %broadcast_in_dim3A_66 = vector.broadcast %broadcast_in_dim3A_65 : i32 to vector<16xi32>
      %broadcast_in_dim3A_67 = arith.constant 9 : i32
      %broadcast_in_dim3A_68 = vector.broadcast %broadcast_in_dim3A_67 : i32 to vector<16xi32>
      %broadcast_in_dim3A_69 = arith.constant 10 : i32
      %broadcast_in_dim3A_70 = vector.broadcast %broadcast_in_dim3A_69 : i32 to vector<16xi32>
      %broadcast_in_dim3A_71 = arith.constant 11 : i32
      %broadcast_in_dim3A_72 = vector.broadcast %broadcast_in_dim3A_71 : i32 to vector<16xi32>
      %broadcast_in_dim3A_73 = arith.constant 12 : i32
      %broadcast_in_dim3A_74 = vector.broadcast %broadcast_in_dim3A_73 : i32 to vector<16xi32>
      %broadcast_in_dim3A_75 = arith.constant 13 : i32
      %broadcast_in_dim3A_76 = vector.broadcast %broadcast_in_dim3A_75 : i32 to vector<16xi32>
      %broadcast_in_dim3A_77 = arith.constant 14 : i32
      %broadcast_in_dim3A_78 = vector.broadcast %broadcast_in_dim3A_77 : i32 to vector<16xi32>
      %broadcast_in_dim3A_79 = arith.constant 15 : i32
      %broadcast_in_dim3A_80 = vector.broadcast %broadcast_in_dim3A_79 : i32 to vector<16xi32>
      %broadcast_in_dim3A_81 = arith.constant 16 : i32
      %broadcast_in_dim3A_82 = vector.broadcast %broadcast_in_dim3A_81 : i32 to vector<16xi32>
      %broadcast_in_dim3A_83 = arith.constant 17 : i32
      %broadcast_in_dim3A_84 = vector.broadcast %broadcast_in_dim3A_83 : i32 to vector<16xi32>
      %broadcast_in_dim3A_85 = arith.constant 18 : i32
      %broadcast_in_dim3A_86 = vector.broadcast %broadcast_in_dim3A_85 : i32 to vector<16xi32>
      %broadcast_in_dim3A_87 = arith.constant 19 : i32
      %broadcast_in_dim3A_88 = vector.broadcast %broadcast_in_dim3A_87 : i32 to vector<16xi32>
      %broadcast_in_dim3A_89 = arith.constant 20 : i32
      %broadcast_in_dim3A_90 = vector.broadcast %broadcast_in_dim3A_89 : i32 to vector<16xi32>
      %broadcast_in_dim3A_91 = arith.constant 21 : i32
      %broadcast_in_dim3A_92 = vector.broadcast %broadcast_in_dim3A_91 : i32 to vector<16xi32>
      %broadcast_in_dim3A_93 = arith.constant 22 : i32
      %broadcast_in_dim3A_94 = vector.broadcast %broadcast_in_dim3A_93 : i32 to vector<16xi32>
      %broadcast_in_dim3A_95 = arith.constant 23 : i32
      %broadcast_in_dim3A_96 = vector.broadcast %broadcast_in_dim3A_95 : i32 to vector<16xi32>
      %broadcast_in_dim3A_97 = arith.constant 24 : i32
      %broadcast_in_dim3A_98 = vector.broadcast %broadcast_in_dim3A_97 : i32 to vector<16xi32>
      %broadcast_in_dim3A_99 = arith.constant 25 : i32
      %broadcast_in_dim3A_100 = vector.broadcast %broadcast_in_dim3A_99 : i32 to vector<16xi32>
      %broadcast_in_dim3A_101 = arith.constant 26 : i32
      %broadcast_in_dim3A_102 = vector.broadcast %broadcast_in_dim3A_101 : i32 to vector<16xi32>
      %broadcast_in_dim3A_103 = arith.constant 27 : i32
      %broadcast_in_dim3A_104 = vector.broadcast %broadcast_in_dim3A_103 : i32 to vector<16xi32>
      %broadcast_in_dim3A_105 = arith.constant 28 : i32
      %broadcast_in_dim3A_106 = vector.broadcast %broadcast_in_dim3A_105 : i32 to vector<16xi32>
      %broadcast_in_dim3A_107 = arith.constant 29 : i32
      %broadcast_in_dim3A_108 = vector.broadcast %broadcast_in_dim3A_107 : i32 to vector<16xi32>
      %broadcast_in_dim3A_109 = arith.constant 30 : i32
      %broadcast_in_dim3A_110 = vector.broadcast %broadcast_in_dim3A_109 : i32 to vector<16xi32>
      %broadcast_in_dim3A_111 = arith.constant 31 : i32
      %broadcast_in_dim3A_112 = vector.broadcast %broadcast_in_dim3A_111 : i32 to vector<16xi32>
      %parallel_loop3A = arith.constant 0 : i32
      %parallel_loop3A_113 = arith.constant 512 : i32
      %parallel_loop3A_114 = arith.constant 16 : i32
      scf.for %parallel_loop3A_220 = %parallel_loop3A to %parallel_loop3A_113 step %parallel_loop3A_114  : i32 {
        %parallel_loop3A_221 = arith.constant 128 : i32
        %parallel_loop3A_222 = arith.divsi %parallel_loop3A_220, %parallel_loop3A_221 : i32
        %parallel_loop3A_223 = arith.constant 0 : i32
        %parallel_loop3A_224 = arith.cmpi sgt, %parallel_loop3A_220, %parallel_loop3A_223 : i32
        %parallel_loop3A_225 = arith.extui %parallel_loop3A_224 : i1 to i32
        %parallel_loop3A_226 = arith.constant 0 : i32
        %parallel_loop3A_227 = arith.cmpi slt, %parallel_loop3A_220, %parallel_loop3A_226 : i32
        %parallel_loop3A_228 = arith.extui %parallel_loop3A_227 : i1 to i32
        %parallel_loop3A_229 = arith.subi %parallel_loop3A_225, %parallel_loop3A_228 : i32
        %parallel_loop3A_230 = arith.constant 0 : i32
        %parallel_loop3A_231 = arith.cmpi sgt, %parallel_loop3A_221, %parallel_loop3A_230 : i32
        %parallel_loop3A_232 = arith.extui %parallel_loop3A_231 : i1 to i32
        %parallel_loop3A_233 = arith.constant 0 : i32
        %parallel_loop3A_234 = arith.cmpi slt, %parallel_loop3A_221, %parallel_loop3A_233 : i32
        %parallel_loop3A_235 = arith.extui %parallel_loop3A_234 : i1 to i32
        %parallel_loop3A_236 = arith.subi %parallel_loop3A_232, %parallel_loop3A_235 : i32
        %parallel_loop3A_237 = arith.cmpi ne, %parallel_loop3A_229, %parallel_loop3A_236 : i32
        %parallel_loop3A_238 = arith.remsi %parallel_loop3A_220, %parallel_loop3A_221 : i32
        %parallel_loop3A_239 = arith.constant 0 : i32
        %parallel_loop3A_240 = arith.cmpi ne, %parallel_loop3A_238, %parallel_loop3A_239 : i32
        %parallel_loop3A_241 = arith.andi %parallel_loop3A_237, %parallel_loop3A_240 : i1
        %parallel_loop3A_242 = arith.constant 1 : i32
        %parallel_loop3A_243 = arith.subi %parallel_loop3A_222, %parallel_loop3A_242 : i32
        %parallel_loop3A_244 = arith.select %parallel_loop3A_241, %parallel_loop3A_243, %parallel_loop3A_222 : i32
        %parallel_loop3A_245 = arith.constant 128 : i32
        %parallel_loop3A_246 = arith.constant 0 : i32
        %parallel_loop3A_247 = arith.cmpi eq, %parallel_loop3A_245, %parallel_loop3A_246 : i32
        %parallel_loop3A_248 = arith.constant 1 : i32
        %parallel_loop3A_249 = arith.select %parallel_loop3A_247, %parallel_loop3A_248, %parallel_loop3A_245 : i32
        %parallel_loop3A_250 = arith.remsi %parallel_loop3A_220, %parallel_loop3A_249 : i32
        %parallel_loop3A_251 = arith.constant 0 : i32
        %parallel_loop3A_252 = arith.cmpi ne, %parallel_loop3A_250, %parallel_loop3A_251 : i32
        %parallel_loop3A_253 = arith.constant 0 : i32
        %parallel_loop3A_254 = arith.cmpi slt, %parallel_loop3A_250, %parallel_loop3A_253 : i32
        %parallel_loop3A_255 = arith.constant 0 : i32
        %parallel_loop3A_256 = arith.cmpi slt, %parallel_loop3A_249, %parallel_loop3A_255 : i32
        %parallel_loop3A_257 = arith.xori %parallel_loop3A_254, %parallel_loop3A_256 : i1
        %parallel_loop3A_258 = arith.andi %parallel_loop3A_257, %parallel_loop3A_252 : i1
        %parallel_loop3A_259 = arith.addi %parallel_loop3A_250, %parallel_loop3A_249 : i32
        %parallel_loop3A_260 = arith.select %parallel_loop3A_258, %parallel_loop3A_259, %parallel_loop3A_250 : i32
        %parallel_loop3A_261 = arith.constant 0 : i32
        %parallel_loop3A_262 = tpu.memref_slice %arg7[%parallel_loop3A_220, %parallel_loop3A_261] : memref<512x32xf32, #tpu.memory_space<vmem>> -> memref<16x32xf32, #tpu.memory_space<vmem>>
        %parallel_loop3A_263 = tpu.vector_load_idx %parallel_loop3A_262[%iota3A, %broadcast_in_dim3A_50] : memref<16x32xf32, #tpu.memory_space<vmem>>[vector<16xi32>, vector<16xi32>], vector<16xf32>,
        %parallel_loop3A_264 = arith.constant 0 : i32
        %parallel_loop3A_265 = arith.constant 0 : i32
        %parallel_loop3A_266 = arith.index_cast %parallel_loop3A_264 : i32 to index
        %parallel_loop3A_267 = arith.index_cast %parallel_loop3A_244 : i32 to index
        %parallel_loop3A_268 = arith.index_cast %parallel_loop3A_265 : i32 to index
        %parallel_loop3A_269 = arith.index_cast %parallel_loop3A_260 : i32 to index
        %parallel_loop3A_270 = tpu.vector_load %arg9[%parallel_loop3A_266, %parallel_loop3A_267, %parallel_loop3A_268, %parallel_loop3A_269] {strides = array<i32>} : memref<4x4x8x128xf32, #tpu.memory_space<vmem>>, vector<16xf32>,
        tpu.vector_store %arg9[%parallel_loop3A_266, %parallel_loop3A_267, %parallel_loop3A_268, %parallel_loop3A_269], %parallel_loop3A_263 {strides = array<i32>} : memref<4x4x8x128xf32, #tpu.memory_space<vmem>>, vector<16xf32>,
        %parallel_loop3A_271 = arith.constant 0 : i32
        %parallel_loop3A_272 = tpu.memref_slice %arg7[%parallel_loop3A_220, %parallel_loop3A_271] : memref<512x32xf32, #tpu.memory_space<vmem>> -> memref<16x32xf32, #tpu.memory_space<vmem>>
        %parallel_loop3A_273 = tpu.vector_load_idx %parallel_loop3A_272[%iota3A, %broadcast_in_dim3A_52] : memref<16x32xf32, #tpu.memory_space<vmem>>[vector<16xi32>, vector<16xi32>], vector<16xf32>,
        %parallel_loop3A_274 = arith.constant 0 : i32
        %parallel_loop3A_275 = arith.constant 1 : i32
        %parallel_loop3A_276 = arith.index_cast %parallel_loop3A_274 : i32 to index
        %parallel_loop3A_277 = arith.index_cast %parallel_loop3A_244 : i32 to index
        %parallel_loop3A_278 = arith.index_cast %parallel_loop3A_275 : i32 to index
        %parallel_loop3A_279 = arith.index_cast %parallel_loop3A_260 : i32 to index
        %parallel_loop3A_280 = tpu.vector_load %arg9[%parallel_loop3A_276, %parallel_loop3A_277, %parallel_loop3A_278, %parallel_loop3A_279] {strides = array<i32>} : memref<4x4x8x128xf32, #tpu.memory_space<vmem>>, vector<16xf32>,
        tpu.vector_store %arg9[%parallel_loop3A_276, %parallel_loop3A_277, %parallel_loop3A_278, %parallel_loop3A_279], %parallel_loop3A_273 {strides = array<i32>} : memref<4x4x8x128xf32, #tpu.memory_space<vmem>>, vector<16xf32>,
        %parallel_loop3A_281 = arith.constant 0 : i32
        %parallel_loop3A_282 = tpu.memref_slice %arg7[%parallel_loop3A_220, %parallel_loop3A_281] : memref<512x32xf32, #tpu.memory_space<vmem>> -> memref<16x32xf32, #tpu.memory_space<vmem>>
        %parallel_loop3A_283 = tpu.vector_load_idx %parallel_loop3A_282[%iota3A, %broadcast_in_dim3A_54] : memref<16x32xf32, #tpu.memory_space<vmem>>[vector<16xi32>, vector<16xi32>], vector<16xf32>,
        %parallel_loop3A_284 = arith.constant 0 : i32
        %parallel_loop3A_285 = arith.constant 2 : i32
        %parallel_loop3A_286 = arith.index_cast %parallel_loop3A_284 : i32 to index
        %parallel_loop3A_287 = arith.index_cast %parallel_loop3A_244 : i32 to index
        %parallel_loop3A_288 = arith.index_cast %parallel_loop3A_285 : i32 to index
        %parallel_loop3A_289 = arith.index_cast %parallel_loop3A_260 : i32 to index
        %parallel_loop3A_290 = tpu.vector_load %arg9[%parallel_loop3A_286, %parallel_loop3A_287, %parallel_loop3A_288, %parallel_loop3A_289] {strides = array<i32>} : memref<4x4x8x128xf32, #tpu.memory_space<vmem>>, vector<16xf32>,
        tpu.vector_store %arg9[%parallel_loop3A_286, %parallel_loop3A_287, %parallel_loop3A_288, %parallel_loop3A_289], %parallel_loop3A_283 {strides = array<i32>} : memref<4x4x8x128xf32, #tpu.memory_space<vmem>>, vector<16xf32>,
        %parallel_loop3A_291 = arith.constant 0 : i32
        %parallel_loop3A_292 = tpu.memref_slice %arg7[%parallel_loop3A_220, %parallel_loop3A_291] : memref<512x32xf32, #tpu.memory_space<vmem>> -> memref<16x32xf32, #tpu.memory_space<vmem>>
        %parallel_loop3A_293 = tpu.vector_load_idx %parallel_loop3A_292[%iota3A, %broadcast_in_dim3A_56] : memref<16x32xf32, #tpu.memory_space<vmem>>[vector<16xi32>, vector<16xi32>], vector<16xf32>,
        %parallel_loop3A_294 = arith.constant 0 : i32
        %parallel_loop3A_295 = arith.constant 3 : i32
        %parallel_loop3A_296 = arith.index_cast %parallel_loop3A_294 : i32 to index
        %parallel_loop3A_297 = arith.index_cast %parallel_loop3A_244 : i32 to index
        %parallel_loop3A_298 = arith.index_cast %parallel_loop3A_295 : i32 to index
        %parallel_loop3A_299 = arith.index_cast %parallel_loop3A_260 : i32 to index
        %parallel_loop3A_300 = tpu.vector_load %arg9[%parallel_loop3A_296, %parallel_loop3A_297, %parallel_loop3A_298, %parallel_loop3A_299] {strides = array<i32>} : memref<4x4x8x128xf32, #tpu.memory_space<vmem>>, vector<16xf32>,
        tpu.vector_store %arg9[%parallel_loop3A_296, %parallel_loop3A_297, %parallel_loop3A_298, %parallel_loop3A_299], %parallel_loop3A_293 {strides = array<i32>} : memref<4x4x8x128xf32, #tpu.memory_space<vmem>>, vector<16xf32>,
        %parallel_loop3A_301 = arith.constant 0 : i32
        %parallel_loop3A_302 = tpu.memref_slice %arg7[%parallel_loop3A_220, %parallel_loop3A_301] : memref<512x32xf32, #tpu.memory_space<vmem>> -> memref<16x32xf32, #tpu.memory_space<vmem>>
        %parallel_loop3A_303 = tpu.vector_load_idx %parallel_loop3A_302[%iota3A, %broadcast_in_dim3A_58] : memref<16x32xf32, #tpu.memory_space<vmem>>[vector<16xi32>, vector<16xi32>], vector<16xf32>,
        %parallel_loop3A_304 = arith.constant 0 : i32
        %parallel_loop3A_305 = arith.constant 4 : i32
        %parallel_loop3A_306 = arith.index_cast %parallel_loop3A_304 : i32 to index
        %parallel_loop3A_307 = arith.index_cast %parallel_loop3A_244 : i32 to index
        %parallel_loop3A_308 = arith.index_cast %parallel_loop3A_305 : i32 to index
        %parallel_loop3A_309 = arith.index_cast %parallel_loop3A_260 : i32 to index
        %parallel_loop3A_310 = tpu.vector_load %arg9[%parallel_loop3A_306, %parallel_loop3A_307, %parallel_loop3A_308, %parallel_loop3A_309] {strides = array<i32>} : memref<4x4x8x128xf32, #tpu.memory_space<vmem>>, vector<16xf32>,
        tpu.vector_store %arg9[%parallel_loop3A_306, %parallel_loop3A_307, %parallel_loop3A_308, %parallel_loop3A_309], %parallel_loop3A_303 {strides = array<i32>} : memref<4x4x8x128xf32, #tpu.memory_space<vmem>>, vector<16xf32>,
        %parallel_loop3A_311 = arith.constant 0 : i32
        %parallel_loop3A_312 = tpu.memref_slice %arg7[%parallel_loop3A_220, %parallel_loop3A_311] : memref<512x32xf32, #tpu.memory_space<vmem>> -> memref<16x32xf32, #tpu.memory_space<vmem>>
        %parallel_loop3A_313 = tpu.vector_load_idx %parallel_loop3A_312[%iota3A, %broadcast_in_dim3A_60] : memref<16x32xf32, #tpu.memory_space<vmem>>[vector<16xi32>, vector<16xi32>], vector<16xf32>,
        %parallel_loop3A_314 = arith.constant 0 : i32
        %parallel_loop3A_315 = arith.constant 5 : i32
        %parallel_loop3A_316 = arith.index_cast %parallel_loop3A_314 : i32 to index
        %parallel_loop3A_317 = arith.index_cast %parallel_loop3A_244 : i32 to index
        %parallel_loop3A_318 = arith.index_cast %parallel_loop3A_315 : i32 to index
        %parallel_loop3A_319 = arith.index_cast %parallel_loop3A_260 : i32 to index
        %parallel_loop3A_320 = tpu.vector_load %arg9[%parallel_loop3A_316, %parallel_loop3A_317, %parallel_loop3A_318, %parallel_loop3A_319] {strides = array<i32>} : memref<4x4x8x128xf32, #tpu.memory_space<vmem>>, vector<16xf32>,
        tpu.vector_store %arg9[%parallel_loop3A_316, %parallel_loop3A_317, %parallel_loop3A_318, %parallel_loop3A_319], %parallel_loop3A_313 {strides = array<i32>} : memref<4x4x8x128xf32, #tpu.memory_space<vmem>>, vector<16xf32>,
        %parallel_loop3A_321 = arith.constant 0 : i32
        %parallel_loop3A_322 = tpu.memref_slice %arg7[%parallel_loop3A_220, %parallel_loop3A_321] : memref<512x32xf32, #tpu.memory_space<vmem>> -> memref<16x32xf32, #tpu.memory_space<vmem>>
        %parallel_loop3A_323 = tpu.vector_load_idx %parallel_loop3A_322[%iota3A, %broadcast_in_dim3A_62] : memref<16x32xf32, #tpu.memory_space<vmem>>[vector<16xi32>, vector<16xi32>], vector<16xf32>,
        %parallel_loop3A_324 = arith.constant 0 : i32
        %parallel_loop3A_325 = arith.constant 6 : i32
        %parallel_loop3A_326 = arith.index_cast %parallel_loop3A_324 : i32 to index
        %parallel_loop3A_327 = arith.index_cast %parallel_loop3A_244 : i32 to index
        %parallel_loop3A_328 = arith.index_cast %parallel_loop3A_325 : i32 to index
        %parallel_loop3A_329 = arith.index_cast %parallel_loop3A_260 : i32 to index
        %parallel_loop3A_330 = tpu.vector_load %arg9[%parallel_loop3A_326, %parallel_loop3A_327, %parallel_loop3A_328, %parallel_loop3A_329] {strides = array<i32>} : memref<4x4x8x128xf32, #tpu.memory_space<vmem>>, vector<16xf32>,
        tpu.vector_store %arg9[%parallel_loop3A_326, %parallel_loop3A_327, %parallel_loop3A_328, %parallel_loop3A_329], %parallel_loop3A_323 {strides = array<i32>} : memref<4x4x8x128xf32, #tpu.memory_space<vmem>>, vector<16xf32>,
        %parallel_loop3A_331 = arith.constant 0 : i32
        %parallel_loop3A_332 = tpu.memref_slice %arg7[%parallel_loop3A_220, %parallel_loop3A_331] : memref<512x32xf32, #tpu.memory_space<vmem>> -> memref<16x32xf32, #tpu.memory_space<vmem>>
        %parallel_loop3A_333 = tpu.vector_load_idx %parallel_loop3A_332[%iota3A, %broadcast_in_dim3A_64] : memref<16x32xf32, #tpu.memory_space<vmem>>[vector<16xi32>, vector<16xi32>], vector<16xf32>,
        %parallel_loop3A_334 = arith.constant 0 : i32
        %parallel_loop3A_335 = arith.constant 7 : i32
        %parallel_loop3A_336 = arith.index_cast %parallel_loop3A_334 : i32 to index
        %parallel_loop3A_337 = arith.index_cast %parallel_loop3A_244 : i32 to index
        %parallel_loop3A_338 = arith.index_cast %parallel_loop3A_335 : i32 to index
        %parallel_loop3A_339 = arith.index_cast %parallel_loop3A_260 : i32 to index
        %parallel_loop3A_340 = tpu.vector_load %arg9[%parallel_loop3A_336, %parallel_loop3A_337, %parallel_loop3A_338, %parallel_loop3A_339] {strides = array<i32>} : memref<4x4x8x128xf32, #tpu.memory_space<vmem>>, vector<16xf32>,
        tpu.vector_store %arg9[%parallel_loop3A_336, %parallel_loop3A_337, %parallel_loop3A_338, %parallel_loop3A_339], %parallel_loop3A_333 {strides = array<i32>} : memref<4x4x8x128xf32, #tpu.memory_space<vmem>>, vector<16xf32>,
        %parallel_loop3A_341 = arith.constant 0 : i32
        %parallel_loop3A_342 = tpu.memref_slice %arg7[%parallel_loop3A_220, %parallel_loop3A_341] : memref<512x32xf32, #tpu.memory_space<vmem>> -> memref<16x32xf32, #tpu.memory_space<vmem>>
        %parallel_loop3A_343 = tpu.vector_load_idx %parallel_loop3A_342[%iota3A, %broadcast_in_dim3A_66] : memref<16x32xf32, #tpu.memory_space<vmem>>[vector<16xi32>, vector<16xi32>], vector<16xf32>,
        %parallel_loop3A_344 = arith.constant 1 : i32
        %parallel_loop3A_345 = arith.constant 0 : i32
        %parallel_loop3A_346 = arith.index_cast %parallel_loop3A_344 : i32 to index
        %parallel_loop3A_347 = arith.index_cast %parallel_loop3A_244 : i32 to index
        %parallel_loop3A_348 = arith.index_cast %parallel_loop3A_345 : i32 to index
        %parallel_loop3A_349 = arith.index_cast %parallel_loop3A_260 : i32 to index
        %parallel_loop3A_350 = tpu.vector_load %arg9[%parallel_loop3A_346, %parallel_loop3A_347, %parallel_loop3A_348, %parallel_loop3A_349] {strides = array<i32>} : memref<4x4x8x128xf32, #tpu.memory_space<vmem>>, vector<16xf32>,
        tpu.vector_store %arg9[%parallel_loop3A_346, %parallel_loop3A_347, %parallel_loop3A_348, %parallel_loop3A_349], %parallel_loop3A_343 {strides = array<i32>} : memref<4x4x8x128xf32, #tpu.memory_space<vmem>>, vector<16xf32>,
        %parallel_loop3A_351 = arith.constant 0 : i32
        %parallel_loop3A_352 = tpu.memref_slice %arg7[%parallel_loop3A_220, %parallel_loop3A_351] : memref<512x32xf32, #tpu.memory_space<vmem>> -> memref<16x32xf32, #tpu.memory_space<vmem>>
        %parallel_loop3A_353 = tpu.vector_load_idx %parallel_loop3A_352[%iota3A, %broadcast_in_dim3A_68] : memref<16x32xf32, #tpu.memory_space<vmem>>[vector<16xi32>, vector<16xi32>], vector<16xf32>,
        %parallel_loop3A_354 = arith.constant 1 : i32
        %parallel_loop3A_355 = arith.constant 1 : i32
        %parallel_loop3A_356 = arith.index_cast %parallel_loop3A_354 : i32 to index
        %parallel_loop3A_357 = arith.index_cast %parallel_loop3A_244 : i32 to index
        %parallel_loop3A_358 = arith.index_cast %parallel_loop3A_355 : i32 to index
        %parallel_loop3A_359 = arith.index_cast %parallel_loop3A_260 : i32 to index
        %parallel_loop3A_360 = tpu.vector_load %arg9[%parallel_loop3A_356, %parallel_loop3A_357, %parallel_loop3A_358, %parallel_loop3A_359] {strides = array<i32>} : memref<4x4x8x128xf32, #tpu.memory_space<vmem>>, vector<16xf32>,
        tpu.vector_store %arg9[%parallel_loop3A_356, %parallel_loop3A_357, %parallel_loop3A_358, %parallel_loop3A_359], %parallel_loop3A_353 {strides = array<i32>} : memref<4x4x8x128xf32, #tpu.memory_space<vmem>>, vector<16xf32>,
        %parallel_loop3A_361 = arith.constant 0 : i32
        %parallel_loop3A_362 = tpu.memref_slice %arg7[%parallel_loop3A_220, %parallel_loop3A_361] : memref<512x32xf32, #tpu.memory_space<vmem>> -> memref<16x32xf32, #tpu.memory_space<vmem>>
        %parallel_loop3A_363 = tpu.vector_load_idx %parallel_loop3A_362[%iota3A, %broadcast_in_dim3A_70] : memref<16x32xf32, #tpu.memory_space<vmem>>[vector<16xi32>, vector<16xi32>], vector<16xf32>,
        %parallel_loop3A_364 = arith.constant 1 : i32
        %parallel_loop3A_365 = arith.constant 2 : i32
        %parallel_loop3A_366 = arith.index_cast %parallel_loop3A_364 : i32 to index
        %parallel_loop3A_367 = arith.index_cast %parallel_loop3A_244 : i32 to index
        %parallel_loop3A_368 = arith.index_cast %parallel_loop3A_365 : i32 to index
        %parallel_loop3A_369 = arith.index_cast %parallel_loop3A_260 : i32 to index
        %parallel_loop3A_370 = tpu.vector_load %arg9[%parallel_loop3A_366, %parallel_loop3A_367, %parallel_loop3A_368, %parallel_loop3A_369] {strides = array<i32>} : memref<4x4x8x128xf32, #tpu.memory_space<vmem>>, vector<16xf32>,
        tpu.vector_store %arg9[%parallel_loop3A_366, %parallel_loop3A_367, %parallel_loop3A_368, %parallel_loop3A_369], %parallel_loop3A_363 {strides = array<i32>} : memref<4x4x8x128xf32, #tpu.memory_space<vmem>>, vector<16xf32>,
        %parallel_loop3A_371 = arith.constant 0 : i32
        %parallel_loop3A_372 = tpu.memref_slice %arg7[%parallel_loop3A_220, %parallel_loop3A_371] : memref<512x32xf32, #tpu.memory_space<vmem>> -> memref<16x32xf32, #tpu.memory_space<vmem>>
        %parallel_loop3A_373 = tpu.vector_load_idx %parallel_loop3A_372[%iota3A, %broadcast_in_dim3A_72] : memref<16x32xf32, #tpu.memory_space<vmem>>[vector<16xi32>, vector<16xi32>], vector<16xf32>,
        %parallel_loop3A_374 = arith.constant 1 : i32
        %parallel_loop3A_375 = arith.constant 3 : i32
        %parallel_loop3A_376 = arith.index_cast %parallel_loop3A_374 : i32 to index
        %parallel_loop3A_377 = arith.index_cast %parallel_loop3A_244 : i32 to index
        %parallel_loop3A_378 = arith.index_cast %parallel_loop3A_375 : i32 to index
        %parallel_loop3A_379 = arith.index_cast %parallel_loop3A_260 : i32 to index
        %parallel_loop3A_380 = tpu.vector_load %arg9[%parallel_loop3A_376, %parallel_loop3A_377, %parallel_loop3A_378, %parallel_loop3A_379] {strides = array<i32>} : memref<4x4x8x128xf32, #tpu.memory_space<vmem>>, vector<16xf32>,
        tpu.vector_store %arg9[%parallel_loop3A_376, %parallel_loop3A_377, %parallel_loop3A_378, %parallel_loop3A_379], %parallel_loop3A_373 {strides = array<i32>} : memref<4x4x8x128xf32, #tpu.memory_space<vmem>>, vector<16xf32>,
        %parallel_loop3A_381 = arith.constant 0 : i32
        %parallel_loop3A_382 = tpu.memref_slice %arg7[%parallel_loop3A_220, %parallel_loop3A_381] : memref<512x32xf32, #tpu.memory_space<vmem>> -> memref<16x32xf32, #tpu.memory_space<vmem>>
        %parallel_loop3A_383 = tpu.vector_load_idx %parallel_loop3A_382[%iota3A, %broadcast_in_dim3A_74] : memref<16x32xf32, #tpu.memory_space<vmem>>[vector<16xi32>, vector<16xi32>], vector<16xf32>,
        %parallel_loop3A_384 = arith.constant 1 : i32
        %parallel_loop3A_385 = arith.constant 4 : i32
        %parallel_loop3A_386 = arith.index_cast %parallel_loop3A_384 : i32 to index
        %parallel_loop3A_387 = arith.index_cast %parallel_loop3A_244 : i32 to index
        %parallel_loop3A_388 = arith.index_cast %parallel_loop3A_385 : i32 to index
        %parallel_loop3A_389 = arith.index_cast %parallel_loop3A_260 : i32 to index
        %parallel_loop3A_390 = tpu.vector_load %arg9[%parallel_loop3A_386, %parallel_loop3A_387, %parallel_loop3A_388, %parallel_loop3A_389] {strides = array<i32>} : memref<4x4x8x128xf32, #tpu.memory_space<vmem>>, vector<16xf32>,
        tpu.vector_store %arg9[%parallel_loop3A_386, %parallel_loop3A_387, %parallel_loop3A_388, %parallel_loop3A_389], %parallel_loop3A_383 {strides = array<i32>} : memref<4x4x8x128xf32, #tpu.memory_space<vmem>>, vector<16xf32>,
        %parallel_loop3A_391 = arith.constant 0 : i32
        %parallel_loop3A_392 = tpu.memref_slice %arg7[%parallel_loop3A_220, %parallel_loop3A_391] : memref<512x32xf32, #tpu.memory_space<vmem>> -> memref<16x32xf32, #tpu.memory_space<vmem>>
        %parallel_loop3A_393 = tpu.vector_load_idx %parallel_loop3A_392[%iota3A, %broadcast_in_dim3A_76] : memref<16x32xf32, #tpu.memory_space<vmem>>[vector<16xi32>, vector<16xi32>], vector<16xf32>,
        %parallel_loop3A_394 = arith.constant 1 : i32
        %parallel_loop3A_395 = arith.constant 5 : i32
        %parallel_loop3A_396 = arith.index_cast %parallel_loop3A_394 : i32 to index
        %parallel_loop3A_397 = arith.index_cast %parallel_loop3A_244 : i32 to index
        %parallel_loop3A_398 = arith.index_cast %parallel_loop3A_395 : i32 to index
        %parallel_loop3A_399 = arith.index_cast %parallel_loop3A_260 : i32 to index
        %parallel_loop3A_400 = tpu.vector_load %arg9[%parallel_loop3A_396, %parallel_loop3A_397, %parallel_loop3A_398, %parallel_loop3A_399] {strides = array<i32>} : memref<4x4x8x128xf32, #tpu.memory_space<vmem>>, vector<16xf32>,
        tpu.vector_store %arg9[%parallel_loop3A_396, %parallel_loop3A_397, %parallel_loop3A_398, %parallel_loop3A_399], %parallel_loop3A_393 {strides = array<i32>} : memref<4x4x8x128xf32, #tpu.memory_space<vmem>>, vector<16xf32>,
        %parallel_loop3A_401 = arith.constant 0 : i32
        %parallel_loop3A_402 = tpu.memref_slice %arg7[%parallel_loop3A_220, %parallel_loop3A_401] : memref<512x32xf32, #tpu.memory_space<vmem>> -> memref<16x32xf32, #tpu.memory_space<vmem>>
        %parallel_loop3A_403 = tpu.vector_load_idx %parallel_loop3A_402[%iota3A, %broadcast_in_dim3A_78] : memref<16x32xf32, #tpu.memory_space<vmem>>[vector<16xi32>, vector<16xi32>], vector<16xf32>,
        %parallel_loop3A_404 = arith.constant 1 : i32
        %parallel_loop3A_405 = arith.constant 6 : i32
        %parallel_loop3A_406 = arith.index_cast %parallel_loop3A_404 : i32 to index
        %parallel_loop3A_407 = arith.index_cast %parallel_loop3A_244 : i32 to index
        %parallel_loop3A_408 = arith.index_cast %parallel_loop3A_405 : i32 to index
        %parallel_loop3A_409 = arith.index_cast %parallel_loop3A_260 : i32 to index
        %parallel_loop3A_410 = tpu.vector_load %arg9[%parallel_loop3A_406, %parallel_loop3A_407, %parallel_loop3A_408, %parallel_loop3A_409] {strides = array<i32>} : memref<4x4x8x128xf32, #tpu.memory_space<vmem>>, vector<16xf32>,
        tpu.vector_store %arg9[%parallel_loop3A_406, %parallel_loop3A_407, %parallel_loop3A_408, %parallel_loop3A_409], %parallel_loop3A_403 {strides = array<i32>} : memref<4x4x8x128xf32, #tpu.memory_space<vmem>>, vector<16xf32>,
        %parallel_loop3A_411 = arith.constant 0 : i32
        %parallel_loop3A_412 = tpu.memref_slice %arg7[%parallel_loop3A_220, %parallel_loop3A_411] : memref<512x32xf32, #tpu.memory_space<vmem>> -> memref<16x32xf32, #tpu.memory_space<vmem>>
        %parallel_loop3A_413 = tpu.vector_load_idx %parallel_loop3A_412[%iota3A, %broadcast_in_dim3A_80] : memref<16x32xf32, #tpu.memory_space<vmem>>[vector<16xi32>, vector<16xi32>], vector<16xf32>,
        %parallel_loop3A_414 = arith.constant 1 : i32
        %parallel_loop3A_415 = arith.constant 7 : i32
        %parallel_loop3A_416 = arith.index_cast %parallel_loop3A_414 : i32 to index
        %parallel_loop3A_417 = arith.index_cast %parallel_loop3A_244 : i32 to index
        %parallel_loop3A_418 = arith.index_cast %parallel_loop3A_415 : i32 to index
        %parallel_loop3A_419 = arith.index_cast %parallel_loop3A_260 : i32 to index
        %parallel_loop3A_420 = tpu.vector_load %arg9[%parallel_loop3A_416, %parallel_loop3A_417, %parallel_loop3A_418, %parallel_loop3A_419] {strides = array<i32>} : memref<4x4x8x128xf32, #tpu.memory_space<vmem>>, vector<16xf32>,
        tpu.vector_store %arg9[%parallel_loop3A_416, %parallel_loop3A_417, %parallel_loop3A_418, %parallel_loop3A_419], %parallel_loop3A_413 {strides = array<i32>} : memref<4x4x8x128xf32, #tpu.memory_space<vmem>>, vector<16xf32>,
        %parallel_loop3A_421 = arith.constant 0 : i32
        %parallel_loop3A_422 = tpu.memref_slice %arg7[%parallel_loop3A_220, %parallel_loop3A_421] : memref<512x32xf32, #tpu.memory_space<vmem>> -> memref<16x32xf32, #tpu.memory_space<vmem>>
        %parallel_loop3A_423 = tpu.vector_load_idx %parallel_loop3A_422[%iota3A, %broadcast_in_dim3A_82] : memref<16x32xf32, #tpu.memory_space<vmem>>[vector<16xi32>, vector<16xi32>], vector<16xf32>,
        %parallel_loop3A_424 = arith.constant 2 : i32
        %parallel_loop3A_425 = arith.constant 0 : i32
        %parallel_loop3A_426 = arith.index_cast %parallel_loop3A_424 : i32 to index
        %parallel_loop3A_427 = arith.index_cast %parallel_loop3A_244 : i32 to index
        %parallel_loop3A_428 = arith.index_cast %parallel_loop3A_425 : i32 to index
        %parallel_loop3A_429 = arith.index_cast %parallel_loop3A_260 : i32 to index
        %parallel_loop3A_430 = tpu.vector_load %arg9[%parallel_loop3A_426, %parallel_loop3A_427, %parallel_loop3A_428, %parallel_loop3A_429] {strides = array<i32>} : memref<4x4x8x128xf32, #tpu.memory_space<vmem>>, vector<16xf32>,
        tpu.vector_store %arg9[%parallel_loop3A_426, %parallel_loop3A_427, %parallel_loop3A_428, %parallel_loop3A_429], %parallel_loop3A_423 {strides = array<i32>} : memref<4x4x8x128xf32, #tpu.memory_space<vmem>>, vector<16xf32>,
        %parallel_loop3A_431 = arith.constant 0 : i32
        %parallel_loop3A_432 = tpu.memref_slice %arg7[%parallel_loop3A_220, %parallel_loop3A_431] : memref<512x32xf32, #tpu.memory_space<vmem>> -> memref<16x32xf32, #tpu.memory_space<vmem>>
        %parallel_loop3A_433 = tpu.vector_load_idx %parallel_loop3A_432[%iota3A, %broadcast_in_dim3A_84] : memref<16x32xf32, #tpu.memory_space<vmem>>[vector<16xi32>, vector<16xi32>], vector<16xf32>,
        %parallel_loop3A_434 = arith.constant 2 : i32
        %parallel_loop3A_435 = arith.constant 1 : i32
        %parallel_loop3A_436 = arith.index_cast %parallel_loop3A_434 : i32 to index
        %parallel_loop3A_437 = arith.index_cast %parallel_loop3A_244 : i32 to index
        %parallel_loop3A_438 = arith.index_cast %parallel_loop3A_435 : i32 to index
        %parallel_loop3A_439 = arith.index_cast %parallel_loop3A_260 : i32 to index
        %parallel_loop3A_440 = tpu.vector_load %arg9[%parallel_loop3A_436, %parallel_loop3A_437, %parallel_loop3A_438, %parallel_loop3A_439] {strides = array<i32>} : memref<4x4x8x128xf32, #tpu.memory_space<vmem>>, vector<16xf32>,
        tpu.vector_store %arg9[%parallel_loop3A_436, %parallel_loop3A_437, %parallel_loop3A_438, %parallel_loop3A_439], %parallel_loop3A_433 {strides = array<i32>} : memref<4x4x8x128xf32, #tpu.memory_space<vmem>>, vector<16xf32>,
        %parallel_loop3A_441 = arith.constant 0 : i32
        %parallel_loop3A_442 = tpu.memref_slice %arg7[%parallel_loop3A_220, %parallel_loop3A_441] : memref<512x32xf32, #tpu.memory_space<vmem>> -> memref<16x32xf32, #tpu.memory_space<vmem>>
        %parallel_loop3A_443 = tpu.vector_load_idx %parallel_loop3A_442[%iota3A, %broadcast_in_dim3A_86] : memref<16x32xf32, #tpu.memory_space<vmem>>[vector<16xi32>, vector<16xi32>], vector<16xf32>,
        %parallel_loop3A_444 = arith.constant 2 : i32
        %parallel_loop3A_445 = arith.constant 2 : i32
        %parallel_loop3A_446 = arith.index_cast %parallel_loop3A_444 : i32 to index
        %parallel_loop3A_447 = arith.index_cast %parallel_loop3A_244 : i32 to index
        %parallel_loop3A_448 = arith.index_cast %parallel_loop3A_445 : i32 to index
        %parallel_loop3A_449 = arith.index_cast %parallel_loop3A_260 : i32 to index
        %parallel_loop3A_450 = tpu.vector_load %arg9[%parallel_loop3A_446, %parallel_loop3A_447, %parallel_loop3A_448, %parallel_loop3A_449] {strides = array<i32>} : memref<4x4x8x128xf32, #tpu.memory_space<vmem>>, vector<16xf32>,
        tpu.vector_store %arg9[%parallel_loop3A_446, %parallel_loop3A_447, %parallel_loop3A_448, %parallel_loop3A_449], %parallel_loop3A_443 {strides = array<i32>} : memref<4x4x8x128xf32, #tpu.memory_space<vmem>>, vector<16xf32>,
        %parallel_loop3A_451 = arith.constant 0 : i32
        %parallel_loop3A_452 = tpu.memref_slice %arg7[%parallel_loop3A_220, %parallel_loop3A_451] : memref<512x32xf32, #tpu.memory_space<vmem>> -> memref<16x32xf32, #tpu.memory_space<vmem>>
        %parallel_loop3A_453 = tpu.vector_load_idx %parallel_loop3A_452[%iota3A, %broadcast_in_dim3A_88] : memref<16x32xf32, #tpu.memory_space<vmem>>[vector<16xi32>, vector<16xi32>], vector<16xf32>,
        %parallel_loop3A_454 = arith.constant 2 : i32
        %parallel_loop3A_455 = arith.constant 3 : i32
        %parallel_loop3A_456 = arith.index_cast %parallel_loop3A_454 : i32 to index
        %parallel_loop3A_457 = arith.index_cast %parallel_loop3A_244 : i32 to index
        %parallel_loop3A_458 = arith.index_cast %parallel_loop3A_455 : i32 to index
        %parallel_loop3A_459 = arith.index_cast %parallel_loop3A_260 : i32 to index
        %parallel_loop3A_460 = tpu.vector_load %arg9[%parallel_loop3A_456, %parallel_loop3A_457, %parallel_loop3A_458, %parallel_loop3A_459] {strides = array<i32>} : memref<4x4x8x128xf32, #tpu.memory_space<vmem>>, vector<16xf32>,
        tpu.vector_store %arg9[%parallel_loop3A_456, %parallel_loop3A_457, %parallel_loop3A_458, %parallel_loop3A_459], %parallel_loop3A_453 {strides = array<i32>} : memref<4x4x8x128xf32, #tpu.memory_space<vmem>>, vector<16xf32>,
        %parallel_loop3A_461 = arith.constant 0 : i32
        %parallel_loop3A_462 = tpu.memref_slice %arg7[%parallel_loop3A_220, %parallel_loop3A_461] : memref<512x32xf32, #tpu.memory_space<vmem>> -> memref<16x32xf32, #tpu.memory_space<vmem>>
        %parallel_loop3A_463 = tpu.vector_load_idx %parallel_loop3A_462[%iota3A, %broadcast_in_dim3A_90] : memref<16x32xf32, #tpu.memory_space<vmem>>[vector<16xi32>, vector<16xi32>], vector<16xf32>,
        %parallel_loop3A_464 = arith.constant 2 : i32
        %parallel_loop3A_465 = arith.constant 4 : i32
        %parallel_loop3A_466 = arith.index_cast %parallel_loop3A_464 : i32 to index
        %parallel_loop3A_467 = arith.index_cast %parallel_loop3A_244 : i32 to index
        %parallel_loop3A_468 = arith.index_cast %parallel_loop3A_465 : i32 to index
        %parallel_loop3A_469 = arith.index_cast %parallel_loop3A_260 : i32 to index
        %parallel_loop3A_470 = tpu.vector_load %arg9[%parallel_loop3A_466, %parallel_loop3A_467, %parallel_loop3A_468, %parallel_loop3A_469] {strides = array<i32>} : memref<4x4x8x128xf32, #tpu.memory_space<vmem>>, vector<16xf32>,
        tpu.vector_store %arg9[%parallel_loop3A_466, %parallel_loop3A_467, %parallel_loop3A_468, %parallel_loop3A_469], %parallel_loop3A_463 {strides = array<i32>} : memref<4x4x8x128xf32, #tpu.memory_space<vmem>>, vector<16xf32>,
        %parallel_loop3A_471 = arith.constant 0 : i32
        %parallel_loop3A_472 = tpu.memref_slice %arg7[%parallel_loop3A_220, %parallel_loop3A_471] : memref<512x32xf32, #tpu.memory_space<vmem>> -> memref<16x32xf32, #tpu.memory_space<vmem>>
        %parallel_loop3A_473 = tpu.vector_load_idx %parallel_loop3A_472[%iota3A, %broadcast_in_dim3A_92] : memref<16x32xf32, #tpu.memory_space<vmem>>[vector<16xi32>, vector<16xi32>], vector<16xf32>,
        %parallel_loop3A_474 = arith.constant 2 : i32
        %parallel_loop3A_475 = arith.constant 5 : i32
        %parallel_loop3A_476 = arith.index_cast %parallel_loop3A_474 : i32 to index
        %parallel_loop3A_477 = arith.index_cast %parallel_loop3A_244 : i32 to index
        %parallel_loop3A_478 = arith.index_cast %parallel_loop3A_475 : i32 to index
        %parallel_loop3A_479 = arith.index_cast %parallel_loop3A_260 : i32 to index
        %parallel_loop3A_480 = tpu.vector_load %arg9[%parallel_loop3A_476, %parallel_loop3A_477, %parallel_loop3A_478, %parallel_loop3A_479] {strides = array<i32>} : memref<4x4x8x128xf32, #tpu.memory_space<vmem>>, vector<16xf32>,
        tpu.vector_store %arg9[%parallel_loop3A_476, %parallel_loop3A_477, %parallel_loop3A_478, %parallel_loop3A_479], %parallel_loop3A_473 {strides = array<i32>} : memref<4x4x8x128xf32, #tpu.memory_space<vmem>>, vector<16xf32>,
        %parallel_loop3A_481 = arith.constant 0 : i32
        %parallel_loop3A_482 = tpu.memref_slice %arg7[%parallel_loop3A_220, %parallel_loop3A_481] : memref<512x32xf32, #tpu.memory_space<vmem>> -> memref<16x32xf32, #tpu.memory_space<vmem>>
        %parallel_loop3A_483 = tpu.vector_load_idx %parallel_loop3A_482[%iota3A, %broadcast_in_dim3A_94] : memref<16x32xf32, #tpu.memory_space<vmem>>[vector<16xi32>, vector<16xi32>], vector<16xf32>,
        %parallel_loop3A_484 = arith.constant 2 : i32
        %parallel_loop3A_485 = arith.constant 6 : i32
        %parallel_loop3A_486 = arith.index_cast %parallel_loop3A_484 : i32 to index
        %parallel_loop3A_487 = arith.index_cast %parallel_loop3A_244 : i32 to index
        %parallel_loop3A_488 = arith.index_cast %parallel_loop3A_485 : i32 to index
        %parallel_loop3A_489 = arith.index_cast %parallel_loop3A_260 : i32 to index
        %parallel_loop3A_490 = tpu.vector_load %arg9[%parallel_loop3A_486, %parallel_loop3A_487, %parallel_loop3A_488, %parallel_loop3A_489] {strides = array<i32>} : memref<4x4x8x128xf32, #tpu.memory_space<vmem>>, vector<16xf32>,
        tpu.vector_store %arg9[%parallel_loop3A_486, %parallel_loop3A_487, %parallel_loop3A_488, %parallel_loop3A_489], %parallel_loop3A_483 {strides = array<i32>} : memref<4x4x8x128xf32, #tpu.memory_space<vmem>>, vector<16xf32>,
        %parallel_loop3A_491 = arith.constant 0 : i32
        %parallel_loop3A_492 = tpu.memref_slice %arg7[%parallel_loop3A_220, %parallel_loop3A_491] : memref<512x32xf32, #tpu.memory_space<vmem>> -> memref<16x32xf32, #tpu.memory_space<vmem>>
        %parallel_loop3A_493 = tpu.vector_load_idx %parallel_loop3A_492[%iota3A, %broadcast_in_dim3A_96] : memref<16x32xf32, #tpu.memory_space<vmem>>[vector<16xi32>, vector<16xi32>], vector<16xf32>,
        %parallel_loop3A_494 = arith.constant 2 : i32
        %parallel_loop3A_495 = arith.constant 7 : i32
        %parallel_loop3A_496 = arith.index_cast %parallel_loop3A_494 : i32 to index
        %parallel_loop3A_497 = arith.index_cast %parallel_loop3A_244 : i32 to index
        %parallel_loop3A_498 = arith.index_cast %parallel_loop3A_495 : i32 to index
        %parallel_loop3A_499 = arith.index_cast %parallel_loop3A_260 : i32 to index
        %parallel_loop3A_500 = tpu.vector_load %arg9[%parallel_loop3A_496, %parallel_loop3A_497, %parallel_loop3A_498, %parallel_loop3A_499] {strides = array<i32>} : memref<4x4x8x128xf32, #tpu.memory_space<vmem>>, vector<16xf32>,
        tpu.vector_store %arg9[%parallel_loop3A_496, %parallel_loop3A_497, %parallel_loop3A_498, %parallel_loop3A_499], %parallel_loop3A_493 {strides = array<i32>} : memref<4x4x8x128xf32, #tpu.memory_space<vmem>>, vector<16xf32>,
        %parallel_loop3A_501 = arith.constant 0 : i32
        %parallel_loop3A_502 = tpu.memref_slice %arg7[%parallel_loop3A_220, %parallel_loop3A_501] : memref<512x32xf32, #tpu.memory_space<vmem>> -> memref<16x32xf32, #tpu.memory_space<vmem>>
        %parallel_loop3A_503 = tpu.vector_load_idx %parallel_loop3A_502[%iota3A, %broadcast_in_dim3A_98] : memref<16x32xf32, #tpu.memory_space<vmem>>[vector<16xi32>, vector<16xi32>], vector<16xf32>,
        %parallel_loop3A_504 = arith.constant 3 : i32
        %parallel_loop3A_505 = arith.constant 0 : i32
        %parallel_loop3A_506 = arith.index_cast %parallel_loop3A_504 : i32 to index
        %parallel_loop3A_507 = arith.index_cast %parallel_loop3A_244 : i32 to index
        %parallel_loop3A_508 = arith.index_cast %parallel_loop3A_505 : i32 to index
        %parallel_loop3A_509 = arith.index_cast %parallel_loop3A_260 : i32 to index
        %parallel_loop3A_510 = tpu.vector_load %arg9[%parallel_loop3A_506, %parallel_loop3A_507, %parallel_loop3A_508, %parallel_loop3A_509] {strides = array<i32>} : memref<4x4x8x128xf32, #tpu.memory_space<vmem>>, vector<16xf32>,
        tpu.vector_store %arg9[%parallel_loop3A_506, %parallel_loop3A_507, %parallel_loop3A_508, %parallel_loop3A_509], %parallel_loop3A_503 {strides = array<i32>} : memref<4x4x8x128xf32, #tpu.memory_space<vmem>>, vector<16xf32>,
        %parallel_loop3A_511 = arith.constant 0 : i32
        %parallel_loop3A_512 = tpu.memref_slice %arg7[%parallel_loop3A_220, %parallel_loop3A_511] : memref<512x32xf32, #tpu.memory_space<vmem>> -> memref<16x32xf32, #tpu.memory_space<vmem>>
        %parallel_loop3A_513 = tpu.vector_load_idx %parallel_loop3A_512[%iota3A, %broadcast_in_dim3A_100] : memref<16x32xf32, #tpu.memory_space<vmem>>[vector<16xi32>, vector<16xi32>], vector<16xf32>,
        %parallel_loop3A_514 = arith.constant 3 : i32
        %parallel_loop3A_515 = arith.constant 1 : i32
        %parallel_loop3A_516 = arith.index_cast %parallel_loop3A_514 : i32 to index
        %parallel_loop3A_517 = arith.index_cast %parallel_loop3A_244 : i32 to index
        %parallel_loop3A_518 = arith.index_cast %parallel_loop3A_515 : i32 to index
        %parallel_loop3A_519 = arith.index_cast %parallel_loop3A_260 : i32 to index
        %parallel_loop3A_520 = tpu.vector_load %arg9[%parallel_loop3A_516, %parallel_loop3A_517, %parallel_loop3A_518, %parallel_loop3A_519] {strides = array<i32>} : memref<4x4x8x128xf32, #tpu.memory_space<vmem>>, vector<16xf32>,
        tpu.vector_store %arg9[%parallel_loop3A_516, %parallel_loop3A_517, %parallel_loop3A_518, %parallel_loop3A_519], %parallel_loop3A_513 {strides = array<i32>} : memref<4x4x8x128xf32, #tpu.memory_space<vmem>>, vector<16xf32>,
        %parallel_loop3A_521 = arith.constant 0 : i32
        %parallel_loop3A_522 = tpu.memref_slice %arg7[%parallel_loop3A_220, %parallel_loop3A_521] : memref<512x32xf32, #tpu.memory_space<vmem>> -> memref<16x32xf32, #tpu.memory_space<vmem>>
        %parallel_loop3A_523 = tpu.vector_load_idx %parallel_loop3A_522[%iota3A, %broadcast_in_dim3A_102] : memref<16x32xf32, #tpu.memory_space<vmem>>[vector<16xi32>, vector<16xi32>], vector<16xf32>,
        %parallel_loop3A_524 = arith.constant 3 : i32
        %parallel_loop3A_525 = arith.constant 2 : i32
        %parallel_loop3A_526 = arith.index_cast %parallel_loop3A_524 : i32 to index
        %parallel_loop3A_527 = arith.index_cast %parallel_loop3A_244 : i32 to index
        %parallel_loop3A_528 = arith.index_cast %parallel_loop3A_525 : i32 to index
        %parallel_loop3A_529 = arith.index_cast %parallel_loop3A_260 : i32 to index
        %parallel_loop3A_530 = tpu.vector_load %arg9[%parallel_loop3A_526, %parallel_loop3A_527, %parallel_loop3A_528, %parallel_loop3A_529] {strides = array<i32>} : memref<4x4x8x128xf32, #tpu.memory_space<vmem>>, vector<16xf32>,
        tpu.vector_store %arg9[%parallel_loop3A_526, %parallel_loop3A_527, %parallel_loop3A_528, %parallel_loop3A_529], %parallel_loop3A_523 {strides = array<i32>} : memref<4x4x8x128xf32, #tpu.memory_space<vmem>>, vector<16xf32>,
        %parallel_loop3A_531 = arith.constant 0 : i32
        %parallel_loop3A_532 = tpu.memref_slice %arg7[%parallel_loop3A_220, %parallel_loop3A_531] : memref<512x32xf32, #tpu.memory_space<vmem>> -> memref<16x32xf32, #tpu.memory_space<vmem>>
        %parallel_loop3A_533 = tpu.vector_load_idx %parallel_loop3A_532[%iota3A, %broadcast_in_dim3A_104] : memref<16x32xf32, #tpu.memory_space<vmem>>[vector<16xi32>, vector<16xi32>], vector<16xf32>,
        %parallel_loop3A_534 = arith.constant 3 : i32
        %parallel_loop3A_535 = arith.constant 3 : i32
        %parallel_loop3A_536 = arith.index_cast %parallel_loop3A_534 : i32 to index
        %parallel_loop3A_537 = arith.index_cast %parallel_loop3A_244 : i32 to index
        %parallel_loop3A_538 = arith.index_cast %parallel_loop3A_535 : i32 to index
        %parallel_loop3A_539 = arith.index_cast %parallel_loop3A_260 : i32 to index
        %parallel_loop3A_540 = tpu.vector_load %arg9[%parallel_loop3A_536, %parallel_loop3A_537, %parallel_loop3A_538, %parallel_loop3A_539] {strides = array<i32>} : memref<4x4x8x128xf32, #tpu.memory_space<vmem>>, vector<16xf32>,
        tpu.vector_store %arg9[%parallel_loop3A_536, %parallel_loop3A_537, %parallel_loop3A_538, %parallel_loop3A_539], %parallel_loop3A_533 {strides = array<i32>} : memref<4x4x8x128xf32, #tpu.memory_space<vmem>>, vector<16xf32>,
        %parallel_loop3A_541 = arith.constant 0 : i32
        %parallel_loop3A_542 = tpu.memref_slice %arg7[%parallel_loop3A_220, %parallel_loop3A_541] : memref<512x32xf32, #tpu.memory_space<vmem>> -> memref<16x32xf32, #tpu.memory_space<vmem>>
        %parallel_loop3A_543 = tpu.vector_load_idx %parallel_loop3A_542[%iota3A, %broadcast_in_dim3A_106] : memref<16x32xf32, #tpu.memory_space<vmem>>[vector<16xi32>, vector<16xi32>], vector<16xf32>,
        %parallel_loop3A_544 = arith.constant 3 : i32
        %parallel_loop3A_545 = arith.constant 4 : i32
        %parallel_loop3A_546 = arith.index_cast %parallel_loop3A_544 : i32 to index
        %parallel_loop3A_547 = arith.index_cast %parallel_loop3A_244 : i32 to index
        %parallel_loop3A_548 = arith.index_cast %parallel_loop3A_545 : i32 to index
        %parallel_loop3A_549 = arith.index_cast %parallel_loop3A_260 : i32 to index
        %parallel_loop3A_550 = tpu.vector_load %arg9[%parallel_loop3A_546, %parallel_loop3A_547, %parallel_loop3A_548, %parallel_loop3A_549] {strides = array<i32>} : memref<4x4x8x128xf32, #tpu.memory_space<vmem>>, vector<16xf32>,
        tpu.vector_store %arg9[%parallel_loop3A_546, %parallel_loop3A_547, %parallel_loop3A_548, %parallel_loop3A_549], %parallel_loop3A_543 {strides = array<i32>} : memref<4x4x8x128xf32, #tpu.memory_space<vmem>>, vector<16xf32>,
        %parallel_loop3A_551 = arith.constant 0 : i32
        %parallel_loop3A_552 = tpu.memref_slice %arg7[%parallel_loop3A_220, %parallel_loop3A_551] : memref<512x32xf32, #tpu.memory_space<vmem>> -> memref<16x32xf32, #tpu.memory_space<vmem>>
        %parallel_loop3A_553 = tpu.vector_load_idx %parallel_loop3A_552[%iota3A, %broadcast_in_dim3A_108] : memref<16x32xf32, #tpu.memory_space<vmem>>[vector<16xi32>, vector<16xi32>], vector<16xf32>,
        %parallel_loop3A_554 = arith.constant 3 : i32
        %parallel_loop3A_555 = arith.constant 5 : i32
        %parallel_loop3A_556 = arith.index_cast %parallel_loop3A_554 : i32 to index
        %parallel_loop3A_557 = arith.index_cast %parallel_loop3A_244 : i32 to index
        %parallel_loop3A_558 = arith.index_cast %parallel_loop3A_555 : i32 to index
        %parallel_loop3A_559 = arith.index_cast %parallel_loop3A_260 : i32 to index
        %parallel_loop3A_560 = tpu.vector_load %arg9[%parallel_loop3A_556, %parallel_loop3A_557, %parallel_loop3A_558, %parallel_loop3A_559] {strides = array<i32>} : memref<4x4x8x128xf32, #tpu.memory_space<vmem>>, vector<16xf32>,
        tpu.vector_store %arg9[%parallel_loop3A_556, %parallel_loop3A_557, %parallel_loop3A_558, %parallel_loop3A_559], %parallel_loop3A_553 {strides = array<i32>} : memref<4x4x8x128xf32, #tpu.memory_space<vmem>>, vector<16xf32>,
        %parallel_loop3A_561 = arith.constant 0 : i32
        %parallel_loop3A_562 = tpu.memref_slice %arg7[%parallel_loop3A_220, %parallel_loop3A_561] : memref<512x32xf32, #tpu.memory_space<vmem>> -> memref<16x32xf32, #tpu.memory_space<vmem>>
        %parallel_loop3A_563 = tpu.vector_load_idx %parallel_loop3A_562[%iota3A, %broadcast_in_dim3A_110] : memref<16x32xf32, #tpu.memory_space<vmem>>[vector<16xi32>, vector<16xi32>], vector<16xf32>,
        %parallel_loop3A_564 = arith.constant 3 : i32
        %parallel_loop3A_565 = arith.constant 6 : i32
        %parallel_loop3A_566 = arith.index_cast %parallel_loop3A_564 : i32 to index
        %parallel_loop3A_567 = arith.index_cast %parallel_loop3A_244 : i32 to index
        %parallel_loop3A_568 = arith.index_cast %parallel_loop3A_565 : i32 to index
        %parallel_loop3A_569 = arith.index_cast %parallel_loop3A_260 : i32 to index
        %parallel_loop3A_570 = tpu.vector_load %arg9[%parallel_loop3A_566, %parallel_loop3A_567, %parallel_loop3A_568, %parallel_loop3A_569] {strides = array<i32>} : memref<4x4x8x128xf32, #tpu.memory_space<vmem>>, vector<16xf32>,
        tpu.vector_store %arg9[%parallel_loop3A_566, %parallel_loop3A_567, %parallel_loop3A_568, %parallel_loop3A_569], %parallel_loop3A_563 {strides = array<i32>} : memref<4x4x8x128xf32, #tpu.memory_space<vmem>>, vector<16xf32>,
        %parallel_loop3A_571 = arith.constant 0 : i32
        %parallel_loop3A_572 = tpu.memref_slice %arg7[%parallel_loop3A_220, %parallel_loop3A_571] : memref<512x32xf32, #tpu.memory_space<vmem>> -> memref<16x32xf32, #tpu.memory_space<vmem>>
        %parallel_loop3A_573 = tpu.vector_load_idx %parallel_loop3A_572[%iota3A, %broadcast_in_dim3A_112] : memref<16x32xf32, #tpu.memory_space<vmem>>[vector<16xi32>, vector<16xi32>], vector<16xf32>,
        %parallel_loop3A_574 = arith.constant 3 : i32
        %parallel_loop3A_575 = arith.constant 7 : i32
        %parallel_loop3A_576 = arith.index_cast %parallel_loop3A_574 : i32 to index
        %parallel_loop3A_577 = arith.index_cast %parallel_loop3A_244 : i32 to index
        %parallel_loop3A_578 = arith.index_cast %parallel_loop3A_575 : i32 to index
        %parallel_loop3A_579 = arith.index_cast %parallel_loop3A_260 : i32 to index
        %parallel_loop3A_580 = tpu.vector_load %arg9[%parallel_loop3A_576, %parallel_loop3A_577, %parallel_loop3A_578, %parallel_loop3A_579] {strides = array<i32>} : memref<4x4x8x128xf32, #tpu.memory_space<vmem>>, vector<16xf32>,
        tpu.vector_store %arg9[%parallel_loop3A_576, %parallel_loop3A_577, %parallel_loop3A_578, %parallel_loop3A_579], %parallel_loop3A_573 {strides = array<i32>} : memref<4x4x8x128xf32, #tpu.memory_space<vmem>>, vector<16xf32>,
      } {sc.loop_unroll_factor = 2 : i64, sc.parallel_access}
      %dma_start3A_115 = arith.constant 0 : i32
      %dma_start3A_116 = arith.constant 0 : i32
      %dma_start3A_117 = arith.constant 0 : i32
      %dma_start3A_118 = tpu.memref_slice %arg4[%add3A_38, %dma_start3A_115, %mul3A_4, %dma_start3A_116, %dma_start3A_117] : memref<50x4x128x8x128xf32, #tpu.memory_space<hbm>> -> memref<1x4x4x8x128xf32, #tpu.memory_space<hbm>>
      %dma_start3A_119 = tpu.memref_squeeze %dma_start3A_118 : memref<1x4x4x8x128xf32, #tpu.memory_space<hbm>> -> memref<4x4x8x128xf32, #tpu.memory_space<hbm>>
      %dma_start3A_120 = arith.constant 0 : i32
      %dma_start3A_121 = arith.constant 0 : i32
      %dma_start3A_122 = arith.constant 0 : i32
      %dma_start3A_123 = tpu.memref_slice %arg4[%add3A_38, %dma_start3A_120, %mul3A_4, %dma_start3A_121, %dma_start3A_122] : memref<50x4x128x8x128xf32, #tpu.memory_space<hbm>> -> memref<1x4x4x8x128xf32, #tpu.memory_space<hbm>>
      %dma_start3A_124 = tpu.memref_squeeze %dma_start3A_123 : memref<1x4x4x8x128xf32, #tpu.memory_space<hbm>> -> memref<4x4x8x128xf32, #tpu.memory_space<hbm>>
      tpu.enqueue_dma source(%arg9 : memref<4x4x8x128xf32, #tpu.memory_space<vmem>>) target(%dma_start3A_124 : memref<4x4x8x128xf32, #tpu.memory_space<hbm>>) target_semaphore(%arg13 : memref<!tpu.dma_semaphore, #tpu.memory_space<semaphore_mem>>)
      %add3A_125 = arith.constant 1 : i32
      %add3A_126 = arith.addi %add3A_36, %add3A_125 : i32
      %add3A_127 = arith.constant 1 : i32
      %add3A_128 = arith.addi %add3A_126, %add3A_127 : i32
      %lt3A_129 = arith.constant 50 : i32
      %lt3A_130 = arith.cmpi slt, %add3A_128, %lt3A_129 : i32
      %convert_element_type3A_131 = arith.extui %lt3A_130 : i1 to i32
      %cond3A_132 = arith.constant 0 : i32
      %cond3A_133 = arith.cmpi ne, %convert_element_type3A_131, %cond3A_132 : i32
      scf.if %cond3A_133 {
        %add3A_220 = arith.constant 1 : i32
        %add3A_221 = arith.addi %add3A_126, %add3A_220 : i32
        "tpu.region"() ({
          %run_scoped3A_225 = tpu.sem_alloc : memref<!tpu.dma_semaphore, #tpu.memory_space<semaphore_mem>>
          %dma_start3A_226 = tpu.memref_slice %arg3[%add3A_221, %mul3A_2] : memref<50x16384xi32, #tpu.memory_space<hbm>> -> memref<1x512xi32, #tpu.memory_space<hbm>>
          %dma_start3A_227 = tpu.memref_squeeze %dma_start3A_226 : memref<1x512xi32, #tpu.memory_space<hbm>> -> memref<512xi32, #tpu.memory_space<hbm>>
          %dma_start3A_228 = tpu.memref_slice %arg3[%add3A_221, %mul3A_2] : memref<50x16384xi32, #tpu.memory_space<hbm>> -> memref<1x512xi32, #tpu.memory_space<hbm>>
          %dma_start3A_229 = tpu.memref_squeeze %dma_start3A_228 : memref<1x512xi32, #tpu.memory_space<hbm>> -> memref<512xi32, #tpu.memory_space<hbm>>
          tpu.enqueue_dma source(%dma_start3A_229 : memref<512xi32, #tpu.memory_space<hbm>>) target(%arg5 : memref<512xi32, #tpu.memory_space<vmem>>) target_semaphore(%run_scoped3A_225 : memref<!tpu.dma_semaphore, #tpu.memory_space<semaphore_mem>>)
          %dma_wait3A_230 = tpu.memref_slice %arg3[%add3A_221, %mul3A_2] : memref<50x16384xi32, #tpu.memory_space<hbm>> -> memref<1x512xi32, #tpu.memory_space<hbm>>
          %dma_wait3A_231 = tpu.memref_squeeze %dma_wait3A_230 : memref<1x512xi32, #tpu.memory_space<hbm>> -> memref<512xi32, #tpu.memory_space<hbm>>
          %dma_wait3A_232 = tpu.memref_slice %arg3[%add3A_221, %mul3A_2] : memref<50x16384xi32, #tpu.memory_space<hbm>> -> memref<1x512xi32, #tpu.memory_space<hbm>>
          %dma_wait3A_233 = tpu.memref_squeeze %dma_wait3A_232 : memref<1x512xi32, #tpu.memory_space<hbm>> -> memref<512xi32, #tpu.memory_space<hbm>>
          tpu.wait_dma2 semaphore(%run_scoped3A_225 : memref<!tpu.dma_semaphore, #tpu.memory_space<semaphore_mem>>) src(%dma_wait3A_233 : memref<512xi32, #tpu.memory_space<hbm>>) dst(%arg5 : memref<512xi32, #tpu.memory_space<vmem>>)
          tpu.yield
        }) : () -> ()
        %dma_start3A_222 = arith.constant 0 : i32
        %dma_start3A_223 = arith.constant 0 : i32
        %dma_start3A_224 = tpu.memref_slice %arg2[%dma_start3A_222, %dma_start3A_223] : memref<1000001x32xf32, #tpu.memory_space<hbm>> -> memref<1000001x32xf32, #tpu.memory_space<hbm>>
        tpu.enqueue_indirect_dma source(%dma_start3A_224 : memref<1000001x32xf32, #tpu.memory_space<hbm>>) target(%arg7 : memref<512x32xf32, #tpu.memory_space<vmem>>) offsets(%arg5 : memref<512xi32, #tpu.memory_space<vmem>>) semaphore(%arg11 : memref<!tpu.dma_semaphore, #tpu.memory_space<semaphore_mem>>)
      } else {
      }
      %dma_wait3A_134 = arith.constant 0 : i32
      %dma_wait3A_135 = arith.constant 0 : i32
      %dma_wait3A_136 = tpu.memref_slice %arg2[%dma_wait3A_134, %dma_wait3A_135] : memref<1000001x32xf32, #tpu.memory_space<hbm>> -> memref<1000001x32xf32, #tpu.memory_space<hbm>>
      tpu.wait_indirect_dma semaphore(%arg12 : memref<!tpu.dma_semaphore, #tpu.memory_space<semaphore_mem>>) src(%dma_wait3A_136 : memref<1000001x32xf32, #tpu.memory_space<hbm>>) dst(%arg8 : memref<512x32xf32, #tpu.memory_space<vmem>>)
      %ge3A_137 = arith.constant 2 : i32
      %ge3A_138 = arith.cmpi sge, %add3A_126, %ge3A_137 : i32
      %convert_element_type3A_139 = arith.extui %ge3A_138 : i1 to i32
      %cond3A_140 = arith.constant 0 : i32
      %cond3A_141 = arith.cmpi ne, %convert_element_type3A_139, %cond3A_140 : i32
      scf.if %cond3A_141 {
        %sub3A = arith.constant 2 : i32
        %sub3A_220 = arith.subi %add3A_126, %sub3A : i32
        %dma_wait3A_221 = arith.constant 0 : i32
        %dma_wait3A_222 = arith.constant 0 : i32
        %dma_wait3A_223 = arith.constant 0 : i32
        %dma_wait3A_224 = tpu.memref_slice %arg4[%sub3A_220, %dma_wait3A_221, %mul3A_4, %dma_wait3A_222, %dma_wait3A_223] : memref<50x4x128x8x128xf32, #tpu.memory_space<hbm>> -> memref<1x4x4x8x128xf32, #tpu.memory_space<hbm>>
        %dma_wait3A_225 = tpu.memref_squeeze %dma_wait3A_224 : memref<1x4x4x8x128xf32, #tpu.memory_space<hbm>> -> memref<4x4x8x128xf32, #tpu.memory_space<hbm>>
        %dma_wait3A_226 = arith.constant 0 : i32
        %dma_wait3A_227 = arith.constant 0 : i32
        %dma_wait3A_228 = arith.constant 0 : i32
        %dma_wait3A_229 = tpu.memref_slice %arg4[%sub3A_220, %dma_wait3A_226, %mul3A_4, %dma_wait3A_227, %dma_wait3A_228] : memref<50x4x128x8x128xf32, #tpu.memory_space<hbm>> -> memref<1x4x4x8x128xf32, #tpu.memory_space<hbm>>
        %dma_wait3A_230 = tpu.memref_squeeze %dma_wait3A_229 : memref<1x4x4x8x128xf32, #tpu.memory_space<hbm>> -> memref<4x4x8x128xf32, #tpu.memory_space<hbm>>
        tpu.wait_dma2 semaphore(%arg14 : memref<!tpu.dma_semaphore, #tpu.memory_space<semaphore_mem>>) src(%arg10 : memref<4x4x8x128xf32, #tpu.memory_space<vmem>>) dst(%dma_wait3A_230 : memref<4x4x8x128xf32, #tpu.memory_space<hbm>>)
      } else {
      }
      %iota3A_142 = tpu.iota {dimensions = array<i32: 0>} : vector<16xi32>
      %broadcast_in_dim3A_143 = arith.constant 0 : i32
      %broadcast_in_dim3A_144 = vector.broadcast %broadcast_in_dim3A_143 : i32 to vector<16xi32>
      %broadcast_in_dim3A_145 = arith.constant 1 : i32
      %broadcast_in_dim3A_146 = vector.broadcast %broadcast_in_dim3A_145 : i32 to vector<16xi32>
      %broadcast_in_dim3A_147 = arith.constant 2 : i32
      %broadcast_in_dim3A_148 = vector.broadcast %broadcast_in_dim3A_147 : i32 to vector<16xi32>
      %broadcast_in_dim3A_149 = arith.constant 3 : i32
      %broadcast_in_dim3A_150 = vector.broadcast %broadcast_in_dim3A_149 : i32 to vector<16xi32>
      %broadcast_in_dim3A_151 = arith.constant 4 : i32
      %broadcast_in_dim3A_152 = vector.broadcast %broadcast_in_dim3A_151 : i32 to vector<16xi32>
      %broadcast_in_dim3A_153 = arith.constant 5 : i32
      %broadcast_in_dim3A_154 = vector.broadcast %broadcast_in_dim3A_153 : i32 to vector<16xi32>
      %broadcast_in_dim3A_155 = arith.constant 6 : i32
      %broadcast_in_dim3A_156 = vector.broadcast %broadcast_in_dim3A_155 : i32 to vector<16xi32>
      %broadcast_in_dim3A_157 = arith.constant 7 : i32
      %broadcast_in_dim3A_158 = vector.broadcast %broadcast_in_dim3A_157 : i32 to vector<16xi32>
      %broadcast_in_dim3A_159 = arith.constant 8 : i32
      %broadcast_in_dim3A_160 = vector.broadcast %broadcast_in_dim3A_159 : i32 to vector<16xi32>
      %broadcast_in_dim3A_161 = arith.constant 9 : i32
      %broadcast_in_dim3A_162 = vector.broadcast %broadcast_in_dim3A_161 : i32 to vector<16xi32>
      %broadcast_in_dim3A_163 = arith.constant 10 : i32
      %broadcast_in_dim3A_164 = vector.broadcast %broadcast_in_dim3A_163 : i32 to vector<16xi32>
      %broadcast_in_dim3A_165 = arith.constant 11 : i32
      %broadcast_in_dim3A_166 = vector.broadcast %broadcast_in_dim3A_165 : i32 to vector<16xi32>
      %broadcast_in_dim3A_167 = arith.constant 12 : i32
      %broadcast_in_dim3A_168 = vector.broadcast %broadcast_in_dim3A_167 : i32 to vector<16xi32>
      %broadcast_in_dim3A_169 = arith.constant 13 : i32
      %broadcast_in_dim3A_170 = vector.broadcast %broadcast_in_dim3A_169 : i32 to vector<16xi32>
      %broadcast_in_dim3A_171 = arith.constant 14 : i32
      %broadcast_in_dim3A_172 = vector.broadcast %broadcast_in_dim3A_171 : i32 to vector<16xi32>
      %broadcast_in_dim3A_173 = arith.constant 15 : i32
      %broadcast_in_dim3A_174 = vector.broadcast %broadcast_in_dim3A_173 : i32 to vector<16xi32>
      %broadcast_in_dim3A_175 = arith.constant 16 : i32
      %broadcast_in_dim3A_176 = vector.broadcast %broadcast_in_dim3A_175 : i32 to vector<16xi32>
      %broadcast_in_dim3A_177 = arith.constant 17 : i32
      %broadcast_in_dim3A_178 = vector.broadcast %broadcast_in_dim3A_177 : i32 to vector<16xi32>
      %broadcast_in_dim3A_179 = arith.constant 18 : i32
      %broadcast_in_dim3A_180 = vector.broadcast %broadcast_in_dim3A_179 : i32 to vector<16xi32>
      %broadcast_in_dim3A_181 = arith.constant 19 : i32
      %broadcast_in_dim3A_182 = vector.broadcast %broadcast_in_dim3A_181 : i32 to vector<16xi32>
      %broadcast_in_dim3A_183 = arith.constant 20 : i32
      %broadcast_in_dim3A_184 = vector.broadcast %broadcast_in_dim3A_183 : i32 to vector<16xi32>
      %broadcast_in_dim3A_185 = arith.constant 21 : i32
      %broadcast_in_dim3A_186 = vector.broadcast %broadcast_in_dim3A_185 : i32 to vector<16xi32>
      %broadcast_in_dim3A_187 = arith.constant 22 : i32
      %broadcast_in_dim3A_188 = vector.broadcast %broadcast_in_dim3A_187 : i32 to vector<16xi32>
      %broadcast_in_dim3A_189 = arith.constant 23 : i32
      %broadcast_in_dim3A_190 = vector.broadcast %broadcast_in_dim3A_189 : i32 to vector<16xi32>
      %broadcast_in_dim3A_191 = arith.constant 24 : i32
      %broadcast_in_dim3A_192 = vector.broadcast %broadcast_in_dim3A_191 : i32 to vector<16xi32>
      %broadcast_in_dim3A_193 = arith.constant 25 : i32
      %broadcast_in_dim3A_194 = vector.broadcast %broadcast_in_dim3A_193 : i32 to vector<16xi32>
      %broadcast_in_dim3A_195 = arith.constant 26 : i32
      %broadcast_in_dim3A_196 = vector.broadcast %broadcast_in_dim3A_195 : i32 to vector<16xi32>
      %broadcast_in_dim3A_197 = arith.constant 27 : i32
      %broadcast_in_dim3A_198 = vector.broadcast %broadcast_in_dim3A_197 : i32 to vector<16xi32>
      %broadcast_in_dim3A_199 = arith.constant 28 : i32
      %broadcast_in_dim3A_200 = vector.broadcast %broadcast_in_dim3A_199 : i32 to vector<16xi32>
      %broadcast_in_dim3A_201 = arith.constant 29 : i32
      %broadcast_in_dim3A_202 = vector.broadcast %broadcast_in_dim3A_201 : i32 to vector<16xi32>
      %broadcast_in_dim3A_203 = arith.constant 30 : i32
      %broadcast_in_dim3A_204 = vector.broadcast %broadcast_in_dim3A_203 : i32 to vector<16xi32>
      %broadcast_in_dim3A_205 = arith.constant 31 : i32
      %broadcast_in_dim3A_206 = vector.broadcast %broadcast_in_dim3A_205 : i32 to vector<16xi32>
      %parallel_loop3A_207 = arith.constant 0 : i32
      %parallel_loop3A_208 = arith.constant 512 : i32
      %parallel_loop3A_209 = arith.constant 16 : i32
      scf.for %parallel_loop3A_220 = %parallel_loop3A_207 to %parallel_loop3A_208 step %parallel_loop3A_209  : i32 {
        %parallel_loop3A_221 = arith.constant 128 : i32
        %parallel_loop3A_222 = arith.divsi %parallel_loop3A_220, %parallel_loop3A_221 : i32
        %parallel_loop3A_223 = arith.constant 0 : i32
        %parallel_loop3A_224 = arith.cmpi sgt, %parallel_loop3A_220, %parallel_loop3A_223 : i32
        %parallel_loop3A_225 = arith.extui %parallel_loop3A_224 : i1 to i32
        %parallel_loop3A_226 = arith.constant 0 : i32
        %parallel_loop3A_227 = arith.cmpi slt, %parallel_loop3A_220, %parallel_loop3A_226 : i32
        %parallel_loop3A_228 = arith.extui %parallel_loop3A_227 : i1 to i32
        %parallel_loop3A_229 = arith.subi %parallel_loop3A_225, %parallel_loop3A_228 : i32
        %parallel_loop3A_230 = arith.constant 0 : i32
        %parallel_loop3A_231 = arith.cmpi sgt, %parallel_loop3A_221, %parallel_loop3A_230 : i32
        %parallel_loop3A_232 = arith.extui %parallel_loop3A_231 : i1 to i32
        %parallel_loop3A_233 = arith.constant 0 : i32
        %parallel_loop3A_234 = arith.cmpi slt, %parallel_loop3A_221, %parallel_loop3A_233 : i32
        %parallel_loop3A_235 = arith.extui %parallel_loop3A_234 : i1 to i32
        %parallel_loop3A_236 = arith.subi %parallel_loop3A_232, %parallel_loop3A_235 : i32
        %parallel_loop3A_237 = arith.cmpi ne, %parallel_loop3A_229, %parallel_loop3A_236 : i32
        %parallel_loop3A_238 = arith.remsi %parallel_loop3A_220, %parallel_loop3A_221 : i32
        %parallel_loop3A_239 = arith.constant 0 : i32
        %parallel_loop3A_240 = arith.cmpi ne, %parallel_loop3A_238, %parallel_loop3A_239 : i32
        %parallel_loop3A_241 = arith.andi %parallel_loop3A_237, %parallel_loop3A_240 : i1
        %parallel_loop3A_242 = arith.constant 1 : i32
        %parallel_loop3A_243 = arith.subi %parallel_loop3A_222, %parallel_loop3A_242 : i32
        %parallel_loop3A_244 = arith.select %parallel_loop3A_241, %parallel_loop3A_243, %parallel_loop3A_222 : i32
        %parallel_loop3A_245 = arith.constant 128 : i32
        %parallel_loop3A_246 = arith.constant 0 : i32
        %parallel_loop3A_247 = arith.cmpi eq, %parallel_loop3A_245, %parallel_loop3A_246 : i32
        %parallel_loop3A_248 = arith.constant 1 : i32
        %parallel_loop3A_249 = arith.select %parallel_loop3A_247, %parallel_loop3A_248, %parallel_loop3A_245 : i32
        %parallel_loop3A_250 = arith.remsi %parallel_loop3A_220, %parallel_loop3A_249 : i32
        %parallel_loop3A_251 = arith.constant 0 : i32
        %parallel_loop3A_252 = arith.cmpi ne, %parallel_loop3A_250, %parallel_loop3A_251 : i32
        %parallel_loop3A_253 = arith.constant 0 : i32
        %parallel_loop3A_254 = arith.cmpi slt, %parallel_loop3A_250, %parallel_loop3A_253 : i32
        %parallel_loop3A_255 = arith.constant 0 : i32
        %parallel_loop3A_256 = arith.cmpi slt, %parallel_loop3A_249, %parallel_loop3A_255 : i32
        %parallel_loop3A_257 = arith.xori %parallel_loop3A_254, %parallel_loop3A_256 : i1
        %parallel_loop3A_258 = arith.andi %parallel_loop3A_257, %parallel_loop3A_252 : i1
        %parallel_loop3A_259 = arith.addi %parallel_loop3A_250, %parallel_loop3A_249 : i32
        %parallel_loop3A_260 = arith.select %parallel_loop3A_258, %parallel_loop3A_259, %parallel_loop3A_250 : i32
        %parallel_loop3A_261 = arith.constant 0 : i32
        %parallel_loop3A_262 = tpu.memref_slice %arg8[%parallel_loop3A_220, %parallel_loop3A_261] : memref<512x32xf32, #tpu.memory_space<vmem>> -> memref<16x32xf32, #tpu.memory_space<vmem>>
        %parallel_loop3A_263 = tpu.vector_load_idx %parallel_loop3A_262[%iota3A_142, %broadcast_in_dim3A_144] : memref<16x32xf32, #tpu.memory_space<vmem>>[vector<16xi32>, vector<16xi32>], vector<16xf32>,
        %parallel_loop3A_264 = arith.constant 0 : i32
        %parallel_loop3A_265 = arith.constant 0 : i32
        %parallel_loop3A_266 = arith.index_cast %parallel_loop3A_264 : i32 to index
        %parallel_loop3A_267 = arith.index_cast %parallel_loop3A_244 : i32 to index
        %parallel_loop3A_268 = arith.index_cast %parallel_loop3A_265 : i32 to index
        %parallel_loop3A_269 = arith.index_cast %parallel_loop3A_260 : i32 to index
        %parallel_loop3A_270 = tpu.vector_load %arg10[%parallel_loop3A_266, %parallel_loop3A_267, %parallel_loop3A_268, %parallel_loop3A_269] {strides = array<i32>} : memref<4x4x8x128xf32, #tpu.memory_space<vmem>>, vector<16xf32>,
        tpu.vector_store %arg10[%parallel_loop3A_266, %parallel_loop3A_267, %parallel_loop3A_268, %parallel_loop3A_269], %parallel_loop3A_263 {strides = array<i32>} : memref<4x4x8x128xf32, #tpu.memory_space<vmem>>, vector<16xf32>,
        %parallel_loop3A_271 = arith.constant 0 : i32
        %parallel_loop3A_272 = tpu.memref_slice %arg8[%parallel_loop3A_220, %parallel_loop3A_271] : memref<512x32xf32, #tpu.memory_space<vmem>> -> memref<16x32xf32, #tpu.memory_space<vmem>>
        %parallel_loop3A_273 = tpu.vector_load_idx %parallel_loop3A_272[%iota3A_142, %broadcast_in_dim3A_146] : memref<16x32xf32, #tpu.memory_space<vmem>>[vector<16xi32>, vector<16xi32>], vector<16xf32>,
        %parallel_loop3A_274 = arith.constant 0 : i32
        %parallel_loop3A_275 = arith.constant 1 : i32
        %parallel_loop3A_276 = arith.index_cast %parallel_loop3A_274 : i32 to index
        %parallel_loop3A_277 = arith.index_cast %parallel_loop3A_244 : i32 to index
        %parallel_loop3A_278 = arith.index_cast %parallel_loop3A_275 : i32 to index
        %parallel_loop3A_279 = arith.index_cast %parallel_loop3A_260 : i32 to index
        %parallel_loop3A_280 = tpu.vector_load %arg10[%parallel_loop3A_276, %parallel_loop3A_277, %parallel_loop3A_278, %parallel_loop3A_279] {strides = array<i32>} : memref<4x4x8x128xf32, #tpu.memory_space<vmem>>, vector<16xf32>,
        tpu.vector_store %arg10[%parallel_loop3A_276, %parallel_loop3A_277, %parallel_loop3A_278, %parallel_loop3A_279], %parallel_loop3A_273 {strides = array<i32>} : memref<4x4x8x128xf32, #tpu.memory_space<vmem>>, vector<16xf32>,
        %parallel_loop3A_281 = arith.constant 0 : i32
        %parallel_loop3A_282 = tpu.memref_slice %arg8[%parallel_loop3A_220, %parallel_loop3A_281] : memref<512x32xf32, #tpu.memory_space<vmem>> -> memref<16x32xf32, #tpu.memory_space<vmem>>
        %parallel_loop3A_283 = tpu.vector_load_idx %parallel_loop3A_282[%iota3A_142, %broadcast_in_dim3A_148] : memref<16x32xf32, #tpu.memory_space<vmem>>[vector<16xi32>, vector<16xi32>], vector<16xf32>,
        %parallel_loop3A_284 = arith.constant 0 : i32
        %parallel_loop3A_285 = arith.constant 2 : i32
        %parallel_loop3A_286 = arith.index_cast %parallel_loop3A_284 : i32 to index
        %parallel_loop3A_287 = arith.index_cast %parallel_loop3A_244 : i32 to index
        %parallel_loop3A_288 = arith.index_cast %parallel_loop3A_285 : i32 to index
        %parallel_loop3A_289 = arith.index_cast %parallel_loop3A_260 : i32 to index
        %parallel_loop3A_290 = tpu.vector_load %arg10[%parallel_loop3A_286, %parallel_loop3A_287, %parallel_loop3A_288, %parallel_loop3A_289] {strides = array<i32>} : memref<4x4x8x128xf32, #tpu.memory_space<vmem>>, vector<16xf32>,
        tpu.vector_store %arg10[%parallel_loop3A_286, %parallel_loop3A_287, %parallel_loop3A_288, %parallel_loop3A_289], %parallel_loop3A_283 {strides = array<i32>} : memref<4x4x8x128xf32, #tpu.memory_space<vmem>>, vector<16xf32>,
        %parallel_loop3A_291 = arith.constant 0 : i32
        %parallel_loop3A_292 = tpu.memref_slice %arg8[%parallel_loop3A_220, %parallel_loop3A_291] : memref<512x32xf32, #tpu.memory_space<vmem>> -> memref<16x32xf32, #tpu.memory_space<vmem>>
        %parallel_loop3A_293 = tpu.vector_load_idx %parallel_loop3A_292[%iota3A_142, %broadcast_in_dim3A_150] : memref<16x32xf32, #tpu.memory_space<vmem>>[vector<16xi32>, vector<16xi32>], vector<16xf32>,
        %parallel_loop3A_294 = arith.constant 0 : i32
        %parallel_loop3A_295 = arith.constant 3 : i32
        %parallel_loop3A_296 = arith.index_cast %parallel_loop3A_294 : i32 to index
        %parallel_loop3A_297 = arith.index_cast %parallel_loop3A_244 : i32 to index
        %parallel_loop3A_298 = arith.index_cast %parallel_loop3A_295 : i32 to index
        %parallel_loop3A_299 = arith.index_cast %parallel_loop3A_260 : i32 to index
        %parallel_loop3A_300 = tpu.vector_load %arg10[%parallel_loop3A_296, %parallel_loop3A_297, %parallel_loop3A_298, %parallel_loop3A_299] {strides = array<i32>} : memref<4x4x8x128xf32, #tpu.memory_space<vmem>>, vector<16xf32>,
        tpu.vector_store %arg10[%parallel_loop3A_296, %parallel_loop3A_297, %parallel_loop3A_298, %parallel_loop3A_299], %parallel_loop3A_293 {strides = array<i32>} : memref<4x4x8x128xf32, #tpu.memory_space<vmem>>, vector<16xf32>,
        %parallel_loop3A_301 = arith.constant 0 : i32
        %parallel_loop3A_302 = tpu.memref_slice %arg8[%parallel_loop3A_220, %parallel_loop3A_301] : memref<512x32xf32, #tpu.memory_space<vmem>> -> memref<16x32xf32, #tpu.memory_space<vmem>>
        %parallel_loop3A_303 = tpu.vector_load_idx %parallel_loop3A_302[%iota3A_142, %broadcast_in_dim3A_152] : memref<16x32xf32, #tpu.memory_space<vmem>>[vector<16xi32>, vector<16xi32>], vector<16xf32>,
        %parallel_loop3A_304 = arith.constant 0 : i32
        %parallel_loop3A_305 = arith.constant 4 : i32
        %parallel_loop3A_306 = arith.index_cast %parallel_loop3A_304 : i32 to index
        %parallel_loop3A_307 = arith.index_cast %parallel_loop3A_244 : i32 to index
        %parallel_loop3A_308 = arith.index_cast %parallel_loop3A_305 : i32 to index
        %parallel_loop3A_309 = arith.index_cast %parallel_loop3A_260 : i32 to index
        %parallel_loop3A_310 = tpu.vector_load %arg10[%parallel_loop3A_306, %parallel_loop3A_307, %parallel_loop3A_308, %parallel_loop3A_309] {strides = array<i32>} : memref<4x4x8x128xf32, #tpu.memory_space<vmem>>, vector<16xf32>,
        tpu.vector_store %arg10[%parallel_loop3A_306, %parallel_loop3A_307, %parallel_loop3A_308, %parallel_loop3A_309], %parallel_loop3A_303 {strides = array<i32>} : memref<4x4x8x128xf32, #tpu.memory_space<vmem>>, vector<16xf32>,
        %parallel_loop3A_311 = arith.constant 0 : i32
        %parallel_loop3A_312 = tpu.memref_slice %arg8[%parallel_loop3A_220, %parallel_loop3A_311] : memref<512x32xf32, #tpu.memory_space<vmem>> -> memref<16x32xf32, #tpu.memory_space<vmem>>
        %parallel_loop3A_313 = tpu.vector_load_idx %parallel_loop3A_312[%iota3A_142, %broadcast_in_dim3A_154] : memref<16x32xf32, #tpu.memory_space<vmem>>[vector<16xi32>, vector<16xi32>], vector<16xf32>,
        %parallel_loop3A_314 = arith.constant 0 : i32
        %parallel_loop3A_315 = arith.constant 5 : i32
        %parallel_loop3A_316 = arith.index_cast %parallel_loop3A_314 : i32 to index
        %parallel_loop3A_317 = arith.index_cast %parallel_loop3A_244 : i32 to index
        %parallel_loop3A_318 = arith.index_cast %parallel_loop3A_315 : i32 to index
        %parallel_loop3A_319 = arith.index_cast %parallel_loop3A_260 : i32 to index
        %parallel_loop3A_320 = tpu.vector_load %arg10[%parallel_loop3A_316, %parallel_loop3A_317, %parallel_loop3A_318, %parallel_loop3A_319] {strides = array<i32>} : memref<4x4x8x128xf32, #tpu.memory_space<vmem>>, vector<16xf32>,
        tpu.vector_store %arg10[%parallel_loop3A_316, %parallel_loop3A_317, %parallel_loop3A_318, %parallel_loop3A_319], %parallel_loop3A_313 {strides = array<i32>} : memref<4x4x8x128xf32, #tpu.memory_space<vmem>>, vector<16xf32>,
        %parallel_loop3A_321 = arith.constant 0 : i32
        %parallel_loop3A_322 = tpu.memref_slice %arg8[%parallel_loop3A_220, %parallel_loop3A_321] : memref<512x32xf32, #tpu.memory_space<vmem>> -> memref<16x32xf32, #tpu.memory_space<vmem>>
        %parallel_loop3A_323 = tpu.vector_load_idx %parallel_loop3A_322[%iota3A_142, %broadcast_in_dim3A_156] : memref<16x32xf32, #tpu.memory_space<vmem>>[vector<16xi32>, vector<16xi32>], vector<16xf32>,
        %parallel_loop3A_324 = arith.constant 0 : i32
        %parallel_loop3A_325 = arith.constant 6 : i32
        %parallel_loop3A_326 = arith.index_cast %parallel_loop3A_324 : i32 to index
        %parallel_loop3A_327 = arith.index_cast %parallel_loop3A_244 : i32 to index
        %parallel_loop3A_328 = arith.index_cast %parallel_loop3A_325 : i32 to index
        %parallel_loop3A_329 = arith.index_cast %parallel_loop3A_260 : i32 to index
        %parallel_loop3A_330 = tpu.vector_load %arg10[%parallel_loop3A_326, %parallel_loop3A_327, %parallel_loop3A_328, %parallel_loop3A_329] {strides = array<i32>} : memref<4x4x8x128xf32, #tpu.memory_space<vmem>>, vector<16xf32>,
        tpu.vector_store %arg10[%parallel_loop3A_326, %parallel_loop3A_327, %parallel_loop3A_328, %parallel_loop3A_329], %parallel_loop3A_323 {strides = array<i32>} : memref<4x4x8x128xf32, #tpu.memory_space<vmem>>, vector<16xf32>,
        %parallel_loop3A_331 = arith.constant 0 : i32
        %parallel_loop3A_332 = tpu.memref_slice %arg8[%parallel_loop3A_220, %parallel_loop3A_331] : memref<512x32xf32, #tpu.memory_space<vmem>> -> memref<16x32xf32, #tpu.memory_space<vmem>>
        %parallel_loop3A_333 = tpu.vector_load_idx %parallel_loop3A_332[%iota3A_142, %broadcast_in_dim3A_158] : memref<16x32xf32, #tpu.memory_space<vmem>>[vector<16xi32>, vector<16xi32>], vector<16xf32>,
        %parallel_loop3A_334 = arith.constant 0 : i32
        %parallel_loop3A_335 = arith.constant 7 : i32
        %parallel_loop3A_336 = arith.index_cast %parallel_loop3A_334 : i32 to index
        %parallel_loop3A_337 = arith.index_cast %parallel_loop3A_244 : i32 to index
        %parallel_loop3A_338 = arith.index_cast %parallel_loop3A_335 : i32 to index
        %parallel_loop3A_339 = arith.index_cast %parallel_loop3A_260 : i32 to index
        %parallel_loop3A_340 = tpu.vector_load %arg10[%parallel_loop3A_336, %parallel_loop3A_337, %parallel_loop3A_338, %parallel_loop3A_339] {strides = array<i32>} : memref<4x4x8x128xf32, #tpu.memory_space<vmem>>, vector<16xf32>,
        tpu.vector_store %arg10[%parallel_loop3A_336, %parallel_loop3A_337, %parallel_loop3A_338, %parallel_loop3A_339], %parallel_loop3A_333 {strides = array<i32>} : memref<4x4x8x128xf32, #tpu.memory_space<vmem>>, vector<16xf32>,
        %parallel_loop3A_341 = arith.constant 0 : i32
        %parallel_loop3A_342 = tpu.memref_slice %arg8[%parallel_loop3A_220, %parallel_loop3A_341] : memref<512x32xf32, #tpu.memory_space<vmem>> -> memref<16x32xf32, #tpu.memory_space<vmem>>
        %parallel_loop3A_343 = tpu.vector_load_idx %parallel_loop3A_342[%iota3A_142, %broadcast_in_dim3A_160] : memref<16x32xf32, #tpu.memory_space<vmem>>[vector<16xi32>, vector<16xi32>], vector<16xf32>,
        %parallel_loop3A_344 = arith.constant 1 : i32
        %parallel_loop3A_345 = arith.constant 0 : i32
        %parallel_loop3A_346 = arith.index_cast %parallel_loop3A_344 : i32 to index
        %parallel_loop3A_347 = arith.index_cast %parallel_loop3A_244 : i32 to index
        %parallel_loop3A_348 = arith.index_cast %parallel_loop3A_345 : i32 to index
        %parallel_loop3A_349 = arith.index_cast %parallel_loop3A_260 : i32 to index
        %parallel_loop3A_350 = tpu.vector_load %arg10[%parallel_loop3A_346, %parallel_loop3A_347, %parallel_loop3A_348, %parallel_loop3A_349] {strides = array<i32>} : memref<4x4x8x128xf32, #tpu.memory_space<vmem>>, vector<16xf32>,
        tpu.vector_store %arg10[%parallel_loop3A_346, %parallel_loop3A_347, %parallel_loop3A_348, %parallel_loop3A_349], %parallel_loop3A_343 {strides = array<i32>} : memref<4x4x8x128xf32, #tpu.memory_space<vmem>>, vector<16xf32>,
        %parallel_loop3A_351 = arith.constant 0 : i32
        %parallel_loop3A_352 = tpu.memref_slice %arg8[%parallel_loop3A_220, %parallel_loop3A_351] : memref<512x32xf32, #tpu.memory_space<vmem>> -> memref<16x32xf32, #tpu.memory_space<vmem>>
        %parallel_loop3A_353 = tpu.vector_load_idx %parallel_loop3A_352[%iota3A_142, %broadcast_in_dim3A_162] : memref<16x32xf32, #tpu.memory_space<vmem>>[vector<16xi32>, vector<16xi32>], vector<16xf32>,
        %parallel_loop3A_354 = arith.constant 1 : i32
        %parallel_loop3A_355 = arith.constant 1 : i32
        %parallel_loop3A_356 = arith.index_cast %parallel_loop3A_354 : i32 to index
        %parallel_loop3A_357 = arith.index_cast %parallel_loop3A_244 : i32 to index
        %parallel_loop3A_358 = arith.index_cast %parallel_loop3A_355 : i32 to index
        %parallel_loop3A_359 = arith.index_cast %parallel_loop3A_260 : i32 to index
        %parallel_loop3A_360 = tpu.vector_load %arg10[%parallel_loop3A_356, %parallel_loop3A_357, %parallel_loop3A_358, %parallel_loop3A_359] {strides = array<i32>} : memref<4x4x8x128xf32, #tpu.memory_space<vmem>>, vector<16xf32>,
        tpu.vector_store %arg10[%parallel_loop3A_356, %parallel_loop3A_357, %parallel_loop3A_358, %parallel_loop3A_359], %parallel_loop3A_353 {strides = array<i32>} : memref<4x4x8x128xf32, #tpu.memory_space<vmem>>, vector<16xf32>,
        %parallel_loop3A_361 = arith.constant 0 : i32
        %parallel_loop3A_362 = tpu.memref_slice %arg8[%parallel_loop3A_220, %parallel_loop3A_361] : memref<512x32xf32, #tpu.memory_space<vmem>> -> memref<16x32xf32, #tpu.memory_space<vmem>>
        %parallel_loop3A_363 = tpu.vector_load_idx %parallel_loop3A_362[%iota3A_142, %broadcast_in_dim3A_164] : memref<16x32xf32, #tpu.memory_space<vmem>>[vector<16xi32>, vector<16xi32>], vector<16xf32>,
        %parallel_loop3A_364 = arith.constant 1 : i32
        %parallel_loop3A_365 = arith.constant 2 : i32
        %parallel_loop3A_366 = arith.index_cast %parallel_loop3A_364 : i32 to index
        %parallel_loop3A_367 = arith.index_cast %parallel_loop3A_244 : i32 to index
        %parallel_loop3A_368 = arith.index_cast %parallel_loop3A_365 : i32 to index
        %parallel_loop3A_369 = arith.index_cast %parallel_loop3A_260 : i32 to index
        %parallel_loop3A_370 = tpu.vector_load %arg10[%parallel_loop3A_366, %parallel_loop3A_367, %parallel_loop3A_368, %parallel_loop3A_369] {strides = array<i32>} : memref<4x4x8x128xf32, #tpu.memory_space<vmem>>, vector<16xf32>,
        tpu.vector_store %arg10[%parallel_loop3A_366, %parallel_loop3A_367, %parallel_loop3A_368, %parallel_loop3A_369], %parallel_loop3A_363 {strides = array<i32>} : memref<4x4x8x128xf32, #tpu.memory_space<vmem>>, vector<16xf32>,
        %parallel_loop3A_371 = arith.constant 0 : i32
        %parallel_loop3A_372 = tpu.memref_slice %arg8[%parallel_loop3A_220, %parallel_loop3A_371] : memref<512x32xf32, #tpu.memory_space<vmem>> -> memref<16x32xf32, #tpu.memory_space<vmem>>
        %parallel_loop3A_373 = tpu.vector_load_idx %parallel_loop3A_372[%iota3A_142, %broadcast_in_dim3A_166] : memref<16x32xf32, #tpu.memory_space<vmem>>[vector<16xi32>, vector<16xi32>], vector<16xf32>,
        %parallel_loop3A_374 = arith.constant 1 : i32
        %parallel_loop3A_375 = arith.constant 3 : i32
        %parallel_loop3A_376 = arith.index_cast %parallel_loop3A_374 : i32 to index
        %parallel_loop3A_377 = arith.index_cast %parallel_loop3A_244 : i32 to index
        %parallel_loop3A_378 = arith.index_cast %parallel_loop3A_375 : i32 to index
        %parallel_loop3A_379 = arith.index_cast %parallel_loop3A_260 : i32 to index
        %parallel_loop3A_380 = tpu.vector_load %arg10[%parallel_loop3A_376, %parallel_loop3A_377, %parallel_loop3A_378, %parallel_loop3A_379] {strides = array<i32>} : memref<4x4x8x128xf32, #tpu.memory_space<vmem>>, vector<16xf32>,
        tpu.vector_store %arg10[%parallel_loop3A_376, %parallel_loop3A_377, %parallel_loop3A_378, %parallel_loop3A_379], %parallel_loop3A_373 {strides = array<i32>} : memref<4x4x8x128xf32, #tpu.memory_space<vmem>>, vector<16xf32>,
        %parallel_loop3A_381 = arith.constant 0 : i32
        %parallel_loop3A_382 = tpu.memref_slice %arg8[%parallel_loop3A_220, %parallel_loop3A_381] : memref<512x32xf32, #tpu.memory_space<vmem>> -> memref<16x32xf32, #tpu.memory_space<vmem>>
        %parallel_loop3A_383 = tpu.vector_load_idx %parallel_loop3A_382[%iota3A_142, %broadcast_in_dim3A_168] : memref<16x32xf32, #tpu.memory_space<vmem>>[vector<16xi32>, vector<16xi32>], vector<16xf32>,
        %parallel_loop3A_384 = arith.constant 1 : i32
        %parallel_loop3A_385 = arith.constant 4 : i32
        %parallel_loop3A_386 = arith.index_cast %parallel_loop3A_384 : i32 to index
        %parallel_loop3A_387 = arith.index_cast %parallel_loop3A_244 : i32 to index
        %parallel_loop3A_388 = arith.index_cast %parallel_loop3A_385 : i32 to index
        %parallel_loop3A_389 = arith.index_cast %parallel_loop3A_260 : i32 to index
        %parallel_loop3A_390 = tpu.vector_load %arg10[%parallel_loop3A_386, %parallel_loop3A_387, %parallel_loop3A_388, %parallel_loop3A_389] {strides = array<i32>} : memref<4x4x8x128xf32, #tpu.memory_space<vmem>>, vector<16xf32>,
        tpu.vector_store %arg10[%parallel_loop3A_386, %parallel_loop3A_387, %parallel_loop3A_388, %parallel_loop3A_389], %parallel_loop3A_383 {strides = array<i32>} : memref<4x4x8x128xf32, #tpu.memory_space<vmem>>, vector<16xf32>,
        %parallel_loop3A_391 = arith.constant 0 : i32
        %parallel_loop3A_392 = tpu.memref_slice %arg8[%parallel_loop3A_220, %parallel_loop3A_391] : memref<512x32xf32, #tpu.memory_space<vmem>> -> memref<16x32xf32, #tpu.memory_space<vmem>>
        %parallel_loop3A_393 = tpu.vector_load_idx %parallel_loop3A_392[%iota3A_142, %broadcast_in_dim3A_170] : memref<16x32xf32, #tpu.memory_space<vmem>>[vector<16xi32>, vector<16xi32>], vector<16xf32>,
        %parallel_loop3A_394 = arith.constant 1 : i32
        %parallel_loop3A_395 = arith.constant 5 : i32
        %parallel_loop3A_396 = arith.index_cast %parallel_loop3A_394 : i32 to index
        %parallel_loop3A_397 = arith.index_cast %parallel_loop3A_244 : i32 to index
        %parallel_loop3A_398 = arith.index_cast %parallel_loop3A_395 : i32 to index
        %parallel_loop3A_399 = arith.index_cast %parallel_loop3A_260 : i32 to index
        %parallel_loop3A_400 = tpu.vector_load %arg10[%parallel_loop3A_396, %parallel_loop3A_397, %parallel_loop3A_398, %parallel_loop3A_399] {strides = array<i32>} : memref<4x4x8x128xf32, #tpu.memory_space<vmem>>, vector<16xf32>,
        tpu.vector_store %arg10[%parallel_loop3A_396, %parallel_loop3A_397, %parallel_loop3A_398, %parallel_loop3A_399], %parallel_loop3A_393 {strides = array<i32>} : memref<4x4x8x128xf32, #tpu.memory_space<vmem>>, vector<16xf32>,
        %parallel_loop3A_401 = arith.constant 0 : i32
        %parallel_loop3A_402 = tpu.memref_slice %arg8[%parallel_loop3A_220, %parallel_loop3A_401] : memref<512x32xf32, #tpu.memory_space<vmem>> -> memref<16x32xf32, #tpu.memory_space<vmem>>
        %parallel_loop3A_403 = tpu.vector_load_idx %parallel_loop3A_402[%iota3A_142, %broadcast_in_dim3A_172] : memref<16x32xf32, #tpu.memory_space<vmem>>[vector<16xi32>, vector<16xi32>], vector<16xf32>,
        %parallel_loop3A_404 = arith.constant 1 : i32
        %parallel_loop3A_405 = arith.constant 6 : i32
        %parallel_loop3A_406 = arith.index_cast %parallel_loop3A_404 : i32 to index
        %parallel_loop3A_407 = arith.index_cast %parallel_loop3A_244 : i32 to index
        %parallel_loop3A_408 = arith.index_cast %parallel_loop3A_405 : i32 to index
        %parallel_loop3A_409 = arith.index_cast %parallel_loop3A_260 : i32 to index
        %parallel_loop3A_410 = tpu.vector_load %arg10[%parallel_loop3A_406, %parallel_loop3A_407, %parallel_loop3A_408, %parallel_loop3A_409] {strides = array<i32>} : memref<4x4x8x128xf32, #tpu.memory_space<vmem>>, vector<16xf32>,
        tpu.vector_store %arg10[%parallel_loop3A_406, %parallel_loop3A_407, %parallel_loop3A_408, %parallel_loop3A_409], %parallel_loop3A_403 {strides = array<i32>} : memref<4x4x8x128xf32, #tpu.memory_space<vmem>>, vector<16xf32>,
        %parallel_loop3A_411 = arith.constant 0 : i32
        %parallel_loop3A_412 = tpu.memref_slice %arg8[%parallel_loop3A_220, %parallel_loop3A_411] : memref<512x32xf32, #tpu.memory_space<vmem>> -> memref<16x32xf32, #tpu.memory_space<vmem>>
        %parallel_loop3A_413 = tpu.vector_load_idx %parallel_loop3A_412[%iota3A_142, %broadcast_in_dim3A_174] : memref<16x32xf32, #tpu.memory_space<vmem>>[vector<16xi32>, vector<16xi32>], vector<16xf32>,
        %parallel_loop3A_414 = arith.constant 1 : i32
        %parallel_loop3A_415 = arith.constant 7 : i32
        %parallel_loop3A_416 = arith.index_cast %parallel_loop3A_414 : i32 to index
        %parallel_loop3A_417 = arith.index_cast %parallel_loop3A_244 : i32 to index
        %parallel_loop3A_418 = arith.index_cast %parallel_loop3A_415 : i32 to index
        %parallel_loop3A_419 = arith.index_cast %parallel_loop3A_260 : i32 to index
        %parallel_loop3A_420 = tpu.vector_load %arg10[%parallel_loop3A_416, %parallel_loop3A_417, %parallel_loop3A_418, %parallel_loop3A_419] {strides = array<i32>} : memref<4x4x8x128xf32, #tpu.memory_space<vmem>>, vector<16xf32>,
        tpu.vector_store %arg10[%parallel_loop3A_416, %parallel_loop3A_417, %parallel_loop3A_418, %parallel_loop3A_419], %parallel_loop3A_413 {strides = array<i32>} : memref<4x4x8x128xf32, #tpu.memory_space<vmem>>, vector<16xf32>,
        %parallel_loop3A_421 = arith.constant 0 : i32
        %parallel_loop3A_422 = tpu.memref_slice %arg8[%parallel_loop3A_220, %parallel_loop3A_421] : memref<512x32xf32, #tpu.memory_space<vmem>> -> memref<16x32xf32, #tpu.memory_space<vmem>>
        %parallel_loop3A_423 = tpu.vector_load_idx %parallel_loop3A_422[%iota3A_142, %broadcast_in_dim3A_176] : memref<16x32xf32, #tpu.memory_space<vmem>>[vector<16xi32>, vector<16xi32>], vector<16xf32>,
        %parallel_loop3A_424 = arith.constant 2 : i32
        %parallel_loop3A_425 = arith.constant 0 : i32
        %parallel_loop3A_426 = arith.index_cast %parallel_loop3A_424 : i32 to index
        %parallel_loop3A_427 = arith.index_cast %parallel_loop3A_244 : i32 to index
        %parallel_loop3A_428 = arith.index_cast %parallel_loop3A_425 : i32 to index
        %parallel_loop3A_429 = arith.index_cast %parallel_loop3A_260 : i32 to index
        %parallel_loop3A_430 = tpu.vector_load %arg10[%parallel_loop3A_426, %parallel_loop3A_427, %parallel_loop3A_428, %parallel_loop3A_429] {strides = array<i32>} : memref<4x4x8x128xf32, #tpu.memory_space<vmem>>, vector<16xf32>,
        tpu.vector_store %arg10[%parallel_loop3A_426, %parallel_loop3A_427, %parallel_loop3A_428, %parallel_loop3A_429], %parallel_loop3A_423 {strides = array<i32>} : memref<4x4x8x128xf32, #tpu.memory_space<vmem>>, vector<16xf32>,
        %parallel_loop3A_431 = arith.constant 0 : i32
        %parallel_loop3A_432 = tpu.memref_slice %arg8[%parallel_loop3A_220, %parallel_loop3A_431] : memref<512x32xf32, #tpu.memory_space<vmem>> -> memref<16x32xf32, #tpu.memory_space<vmem>>
        %parallel_loop3A_433 = tpu.vector_load_idx %parallel_loop3A_432[%iota3A_142, %broadcast_in_dim3A_178] : memref<16x32xf32, #tpu.memory_space<vmem>>[vector<16xi32>, vector<16xi32>], vector<16xf32>,
        %parallel_loop3A_434 = arith.constant 2 : i32
        %parallel_loop3A_435 = arith.constant 1 : i32
        %parallel_loop3A_436 = arith.index_cast %parallel_loop3A_434 : i32 to index
        %parallel_loop3A_437 = arith.index_cast %parallel_loop3A_244 : i32 to index
        %parallel_loop3A_438 = arith.index_cast %parallel_loop3A_435 : i32 to index
        %parallel_loop3A_439 = arith.index_cast %parallel_loop3A_260 : i32 to index
        %parallel_loop3A_440 = tpu.vector_load %arg10[%parallel_loop3A_436, %parallel_loop3A_437, %parallel_loop3A_438, %parallel_loop3A_439] {strides = array<i32>} : memref<4x4x8x128xf32, #tpu.memory_space<vmem>>, vector<16xf32>,
        tpu.vector_store %arg10[%parallel_loop3A_436, %parallel_loop3A_437, %parallel_loop3A_438, %parallel_loop3A_439], %parallel_loop3A_433 {strides = array<i32>} : memref<4x4x8x128xf32, #tpu.memory_space<vmem>>, vector<16xf32>,
        %parallel_loop3A_441 = arith.constant 0 : i32
        %parallel_loop3A_442 = tpu.memref_slice %arg8[%parallel_loop3A_220, %parallel_loop3A_441] : memref<512x32xf32, #tpu.memory_space<vmem>> -> memref<16x32xf32, #tpu.memory_space<vmem>>
        %parallel_loop3A_443 = tpu.vector_load_idx %parallel_loop3A_442[%iota3A_142, %broadcast_in_dim3A_180] : memref<16x32xf32, #tpu.memory_space<vmem>>[vector<16xi32>, vector<16xi32>], vector<16xf32>,
        %parallel_loop3A_444 = arith.constant 2 : i32
        %parallel_loop3A_445 = arith.constant 2 : i32
        %parallel_loop3A_446 = arith.index_cast %parallel_loop3A_444 : i32 to index
        %parallel_loop3A_447 = arith.index_cast %parallel_loop3A_244 : i32 to index
        %parallel_loop3A_448 = arith.index_cast %parallel_loop3A_445 : i32 to index
        %parallel_loop3A_449 = arith.index_cast %parallel_loop3A_260 : i32 to index
        %parallel_loop3A_450 = tpu.vector_load %arg10[%parallel_loop3A_446, %parallel_loop3A_447, %parallel_loop3A_448, %parallel_loop3A_449] {strides = array<i32>} : memref<4x4x8x128xf32, #tpu.memory_space<vmem>>, vector<16xf32>,
        tpu.vector_store %arg10[%parallel_loop3A_446, %parallel_loop3A_447, %parallel_loop3A_448, %parallel_loop3A_449], %parallel_loop3A_443 {strides = array<i32>} : memref<4x4x8x128xf32, #tpu.memory_space<vmem>>, vector<16xf32>,
        %parallel_loop3A_451 = arith.constant 0 : i32
        %parallel_loop3A_452 = tpu.memref_slice %arg8[%parallel_loop3A_220, %parallel_loop3A_451] : memref<512x32xf32, #tpu.memory_space<vmem>> -> memref<16x32xf32, #tpu.memory_space<vmem>>
        %parallel_loop3A_453 = tpu.vector_load_idx %parallel_loop3A_452[%iota3A_142, %broadcast_in_dim3A_182] : memref<16x32xf32, #tpu.memory_space<vmem>>[vector<16xi32>, vector<16xi32>], vector<16xf32>,
        %parallel_loop3A_454 = arith.constant 2 : i32
        %parallel_loop3A_455 = arith.constant 3 : i32
        %parallel_loop3A_456 = arith.index_cast %parallel_loop3A_454 : i32 to index
        %parallel_loop3A_457 = arith.index_cast %parallel_loop3A_244 : i32 to index
        %parallel_loop3A_458 = arith.index_cast %parallel_loop3A_455 : i32 to index
        %parallel_loop3A_459 = arith.index_cast %parallel_loop3A_260 : i32 to index
        %parallel_loop3A_460 = tpu.vector_load %arg10[%parallel_loop3A_456, %parallel_loop3A_457, %parallel_loop3A_458, %parallel_loop3A_459] {strides = array<i32>} : memref<4x4x8x128xf32, #tpu.memory_space<vmem>>, vector<16xf32>,
        tpu.vector_store %arg10[%parallel_loop3A_456, %parallel_loop3A_457, %parallel_loop3A_458, %parallel_loop3A_459], %parallel_loop3A_453 {strides = array<i32>} : memref<4x4x8x128xf32, #tpu.memory_space<vmem>>, vector<16xf32>,
        %parallel_loop3A_461 = arith.constant 0 : i32
        %parallel_loop3A_462 = tpu.memref_slice %arg8[%parallel_loop3A_220, %parallel_loop3A_461] : memref<512x32xf32, #tpu.memory_space<vmem>> -> memref<16x32xf32, #tpu.memory_space<vmem>>
        %parallel_loop3A_463 = tpu.vector_load_idx %parallel_loop3A_462[%iota3A_142, %broadcast_in_dim3A_184] : memref<16x32xf32, #tpu.memory_space<vmem>>[vector<16xi32>, vector<16xi32>], vector<16xf32>,
        %parallel_loop3A_464 = arith.constant 2 : i32
        %parallel_loop3A_465 = arith.constant 4 : i32
        %parallel_loop3A_466 = arith.index_cast %parallel_loop3A_464 : i32 to index
        %parallel_loop3A_467 = arith.index_cast %parallel_loop3A_244 : i32 to index
        %parallel_loop3A_468 = arith.index_cast %parallel_loop3A_465 : i32 to index
        %parallel_loop3A_469 = arith.index_cast %parallel_loop3A_260 : i32 to index
        %parallel_loop3A_470 = tpu.vector_load %arg10[%parallel_loop3A_466, %parallel_loop3A_467, %parallel_loop3A_468, %parallel_loop3A_469] {strides = array<i32>} : memref<4x4x8x128xf32, #tpu.memory_space<vmem>>, vector<16xf32>,
        tpu.vector_store %arg10[%parallel_loop3A_466, %parallel_loop3A_467, %parallel_loop3A_468, %parallel_loop3A_469], %parallel_loop3A_463 {strides = array<i32>} : memref<4x4x8x128xf32, #tpu.memory_space<vmem>>, vector<16xf32>,
        %parallel_loop3A_471 = arith.constant 0 : i32
        %parallel_loop3A_472 = tpu.memref_slice %arg8[%parallel_loop3A_220, %parallel_loop3A_471] : memref<512x32xf32, #tpu.memory_space<vmem>> -> memref<16x32xf32, #tpu.memory_space<vmem>>
        %parallel_loop3A_473 = tpu.vector_load_idx %parallel_loop3A_472[%iota3A_142, %broadcast_in_dim3A_186] : memref<16x32xf32, #tpu.memory_space<vmem>>[vector<16xi32>, vector<16xi32>], vector<16xf32>,
        %parallel_loop3A_474 = arith.constant 2 : i32
        %parallel_loop3A_475 = arith.constant 5 : i32
        %parallel_loop3A_476 = arith.index_cast %parallel_loop3A_474 : i32 to index
        %parallel_loop3A_477 = arith.index_cast %parallel_loop3A_244 : i32 to index
        %parallel_loop3A_478 = arith.index_cast %parallel_loop3A_475 : i32 to index
        %parallel_loop3A_479 = arith.index_cast %parallel_loop3A_260 : i32 to index
        %parallel_loop3A_480 = tpu.vector_load %arg10[%parallel_loop3A_476, %parallel_loop3A_477, %parallel_loop3A_478, %parallel_loop3A_479] {strides = array<i32>} : memref<4x4x8x128xf32, #tpu.memory_space<vmem>>, vector<16xf32>,
        tpu.vector_store %arg10[%parallel_loop3A_476, %parallel_loop3A_477, %parallel_loop3A_478, %parallel_loop3A_479], %parallel_loop3A_473 {strides = array<i32>} : memref<4x4x8x128xf32, #tpu.memory_space<vmem>>, vector<16xf32>,
        %parallel_loop3A_481 = arith.constant 0 : i32
        %parallel_loop3A_482 = tpu.memref_slice %arg8[%parallel_loop3A_220, %parallel_loop3A_481] : memref<512x32xf32, #tpu.memory_space<vmem>> -> memref<16x32xf32, #tpu.memory_space<vmem>>
        %parallel_loop3A_483 = tpu.vector_load_idx %parallel_loop3A_482[%iota3A_142, %broadcast_in_dim3A_188] : memref<16x32xf32, #tpu.memory_space<vmem>>[vector<16xi32>, vector<16xi32>], vector<16xf32>,
        %parallel_loop3A_484 = arith.constant 2 : i32
        %parallel_loop3A_485 = arith.constant 6 : i32
        %parallel_loop3A_486 = arith.index_cast %parallel_loop3A_484 : i32 to index
        %parallel_loop3A_487 = arith.index_cast %parallel_loop3A_244 : i32 to index
        %parallel_loop3A_488 = arith.index_cast %parallel_loop3A_485 : i32 to index
        %parallel_loop3A_489 = arith.index_cast %parallel_loop3A_260 : i32 to index
        %parallel_loop3A_490 = tpu.vector_load %arg10[%parallel_loop3A_486, %parallel_loop3A_487, %parallel_loop3A_488, %parallel_loop3A_489] {strides = array<i32>} : memref<4x4x8x128xf32, #tpu.memory_space<vmem>>, vector<16xf32>,
        tpu.vector_store %arg10[%parallel_loop3A_486, %parallel_loop3A_487, %parallel_loop3A_488, %parallel_loop3A_489], %parallel_loop3A_483 {strides = array<i32>} : memref<4x4x8x128xf32, #tpu.memory_space<vmem>>, vector<16xf32>,
        %parallel_loop3A_491 = arith.constant 0 : i32
        %parallel_loop3A_492 = tpu.memref_slice %arg8[%parallel_loop3A_220, %parallel_loop3A_491] : memref<512x32xf32, #tpu.memory_space<vmem>> -> memref<16x32xf32, #tpu.memory_space<vmem>>
        %parallel_loop3A_493 = tpu.vector_load_idx %parallel_loop3A_492[%iota3A_142, %broadcast_in_dim3A_190] : memref<16x32xf32, #tpu.memory_space<vmem>>[vector<16xi32>, vector<16xi32>], vector<16xf32>,
        %parallel_loop3A_494 = arith.constant 2 : i32
        %parallel_loop3A_495 = arith.constant 7 : i32
        %parallel_loop3A_496 = arith.index_cast %parallel_loop3A_494 : i32 to index
        %parallel_loop3A_497 = arith.index_cast %parallel_loop3A_244 : i32 to index
        %parallel_loop3A_498 = arith.index_cast %parallel_loop3A_495 : i32 to index
        %parallel_loop3A_499 = arith.index_cast %parallel_loop3A_260 : i32 to index
        %parallel_loop3A_500 = tpu.vector_load %arg10[%parallel_loop3A_496, %parallel_loop3A_497, %parallel_loop3A_498, %parallel_loop3A_499] {strides = array<i32>} : memref<4x4x8x128xf32, #tpu.memory_space<vmem>>, vector<16xf32>,
        tpu.vector_store %arg10[%parallel_loop3A_496, %parallel_loop3A_497, %parallel_loop3A_498, %parallel_loop3A_499], %parallel_loop3A_493 {strides = array<i32>} : memref<4x4x8x128xf32, #tpu.memory_space<vmem>>, vector<16xf32>,
        %parallel_loop3A_501 = arith.constant 0 : i32
        %parallel_loop3A_502 = tpu.memref_slice %arg8[%parallel_loop3A_220, %parallel_loop3A_501] : memref<512x32xf32, #tpu.memory_space<vmem>> -> memref<16x32xf32, #tpu.memory_space<vmem>>
        %parallel_loop3A_503 = tpu.vector_load_idx %parallel_loop3A_502[%iota3A_142, %broadcast_in_dim3A_192] : memref<16x32xf32, #tpu.memory_space<vmem>>[vector<16xi32>, vector<16xi32>], vector<16xf32>,
        %parallel_loop3A_504 = arith.constant 3 : i32
        %parallel_loop3A_505 = arith.constant 0 : i32
        %parallel_loop3A_506 = arith.index_cast %parallel_loop3A_504 : i32 to index
        %parallel_loop3A_507 = arith.index_cast %parallel_loop3A_244 : i32 to index
        %parallel_loop3A_508 = arith.index_cast %parallel_loop3A_505 : i32 to index
        %parallel_loop3A_509 = arith.index_cast %parallel_loop3A_260 : i32 to index
        %parallel_loop3A_510 = tpu.vector_load %arg10[%parallel_loop3A_506, %parallel_loop3A_507, %parallel_loop3A_508, %parallel_loop3A_509] {strides = array<i32>} : memref<4x4x8x128xf32, #tpu.memory_space<vmem>>, vector<16xf32>,
        tpu.vector_store %arg10[%parallel_loop3A_506, %parallel_loop3A_507, %parallel_loop3A_508, %parallel_loop3A_509], %parallel_loop3A_503 {strides = array<i32>} : memref<4x4x8x128xf32, #tpu.memory_space<vmem>>, vector<16xf32>,
        %parallel_loop3A_511 = arith.constant 0 : i32
        %parallel_loop3A_512 = tpu.memref_slice %arg8[%parallel_loop3A_220, %parallel_loop3A_511] : memref<512x32xf32, #tpu.memory_space<vmem>> -> memref<16x32xf32, #tpu.memory_space<vmem>>
        %parallel_loop3A_513 = tpu.vector_load_idx %parallel_loop3A_512[%iota3A_142, %broadcast_in_dim3A_194] : memref<16x32xf32, #tpu.memory_space<vmem>>[vector<16xi32>, vector<16xi32>], vector<16xf32>,
        %parallel_loop3A_514 = arith.constant 3 : i32
        %parallel_loop3A_515 = arith.constant 1 : i32
        %parallel_loop3A_516 = arith.index_cast %parallel_loop3A_514 : i32 to index
        %parallel_loop3A_517 = arith.index_cast %parallel_loop3A_244 : i32 to index
        %parallel_loop3A_518 = arith.index_cast %parallel_loop3A_515 : i32 to index
        %parallel_loop3A_519 = arith.index_cast %parallel_loop3A_260 : i32 to index
        %parallel_loop3A_520 = tpu.vector_load %arg10[%parallel_loop3A_516, %parallel_loop3A_517, %parallel_loop3A_518, %parallel_loop3A_519] {strides = array<i32>} : memref<4x4x8x128xf32, #tpu.memory_space<vmem>>, vector<16xf32>,
        tpu.vector_store %arg10[%parallel_loop3A_516, %parallel_loop3A_517, %parallel_loop3A_518, %parallel_loop3A_519], %parallel_loop3A_513 {strides = array<i32>} : memref<4x4x8x128xf32, #tpu.memory_space<vmem>>, vector<16xf32>,
        %parallel_loop3A_521 = arith.constant 0 : i32
        %parallel_loop3A_522 = tpu.memref_slice %arg8[%parallel_loop3A_220, %parallel_loop3A_521] : memref<512x32xf32, #tpu.memory_space<vmem>> -> memref<16x32xf32, #tpu.memory_space<vmem>>
        %parallel_loop3A_523 = tpu.vector_load_idx %parallel_loop3A_522[%iota3A_142, %broadcast_in_dim3A_196] : memref<16x32xf32, #tpu.memory_space<vmem>>[vector<16xi32>, vector<16xi32>], vector<16xf32>,
        %parallel_loop3A_524 = arith.constant 3 : i32
        %parallel_loop3A_525 = arith.constant 2 : i32
        %parallel_loop3A_526 = arith.index_cast %parallel_loop3A_524 : i32 to index
        %parallel_loop3A_527 = arith.index_cast %parallel_loop3A_244 : i32 to index
        %parallel_loop3A_528 = arith.index_cast %parallel_loop3A_525 : i32 to index
        %parallel_loop3A_529 = arith.index_cast %parallel_loop3A_260 : i32 to index
        %parallel_loop3A_530 = tpu.vector_load %arg10[%parallel_loop3A_526, %parallel_loop3A_527, %parallel_loop3A_528, %parallel_loop3A_529] {strides = array<i32>} : memref<4x4x8x128xf32, #tpu.memory_space<vmem>>, vector<16xf32>,
        tpu.vector_store %arg10[%parallel_loop3A_526, %parallel_loop3A_527, %parallel_loop3A_528, %parallel_loop3A_529], %parallel_loop3A_523 {strides = array<i32>} : memref<4x4x8x128xf32, #tpu.memory_space<vmem>>, vector<16xf32>,
        %parallel_loop3A_531 = arith.constant 0 : i32
        %parallel_loop3A_532 = tpu.memref_slice %arg8[%parallel_loop3A_220, %parallel_loop3A_531] : memref<512x32xf32, #tpu.memory_space<vmem>> -> memref<16x32xf32, #tpu.memory_space<vmem>>
        %parallel_loop3A_533 = tpu.vector_load_idx %parallel_loop3A_532[%iota3A_142, %broadcast_in_dim3A_198] : memref<16x32xf32, #tpu.memory_space<vmem>>[vector<16xi32>, vector<16xi32>], vector<16xf32>,
        %parallel_loop3A_534 = arith.constant 3 : i32
        %parallel_loop3A_535 = arith.constant 3 : i32
        %parallel_loop3A_536 = arith.index_cast %parallel_loop3A_534 : i32 to index
        %parallel_loop3A_537 = arith.index_cast %parallel_loop3A_244 : i32 to index
        %parallel_loop3A_538 = arith.index_cast %parallel_loop3A_535 : i32 to index
        %parallel_loop3A_539 = arith.index_cast %parallel_loop3A_260 : i32 to index
        %parallel_loop3A_540 = tpu.vector_load %arg10[%parallel_loop3A_536, %parallel_loop3A_537, %parallel_loop3A_538, %parallel_loop3A_539] {strides = array<i32>} : memref<4x4x8x128xf32, #tpu.memory_space<vmem>>, vector<16xf32>,
        tpu.vector_store %arg10[%parallel_loop3A_536, %parallel_loop3A_537, %parallel_loop3A_538, %parallel_loop3A_539], %parallel_loop3A_533 {strides = array<i32>} : memref<4x4x8x128xf32, #tpu.memory_space<vmem>>, vector<16xf32>,
        %parallel_loop3A_541 = arith.constant 0 : i32
        %parallel_loop3A_542 = tpu.memref_slice %arg8[%parallel_loop3A_220, %parallel_loop3A_541] : memref<512x32xf32, #tpu.memory_space<vmem>> -> memref<16x32xf32, #tpu.memory_space<vmem>>
        %parallel_loop3A_543 = tpu.vector_load_idx %parallel_loop3A_542[%iota3A_142, %broadcast_in_dim3A_200] : memref<16x32xf32, #tpu.memory_space<vmem>>[vector<16xi32>, vector<16xi32>], vector<16xf32>,
        %parallel_loop3A_544 = arith.constant 3 : i32
        %parallel_loop3A_545 = arith.constant 4 : i32
        %parallel_loop3A_546 = arith.index_cast %parallel_loop3A_544 : i32 to index
        %parallel_loop3A_547 = arith.index_cast %parallel_loop3A_244 : i32 to index
        %parallel_loop3A_548 = arith.index_cast %parallel_loop3A_545 : i32 to index
        %parallel_loop3A_549 = arith.index_cast %parallel_loop3A_260 : i32 to index
        %parallel_loop3A_550 = tpu.vector_load %arg10[%parallel_loop3A_546, %parallel_loop3A_547, %parallel_loop3A_548, %parallel_loop3A_549] {strides = array<i32>} : memref<4x4x8x128xf32, #tpu.memory_space<vmem>>, vector<16xf32>,
        tpu.vector_store %arg10[%parallel_loop3A_546, %parallel_loop3A_547, %parallel_loop3A_548, %parallel_loop3A_549], %parallel_loop3A_543 {strides = array<i32>} : memref<4x4x8x128xf32, #tpu.memory_space<vmem>>, vector<16xf32>,
        %parallel_loop3A_551 = arith.constant 0 : i32
        %parallel_loop3A_552 = tpu.memref_slice %arg8[%parallel_loop3A_220, %parallel_loop3A_551] : memref<512x32xf32, #tpu.memory_space<vmem>> -> memref<16x32xf32, #tpu.memory_space<vmem>>
        %parallel_loop3A_553 = tpu.vector_load_idx %parallel_loop3A_552[%iota3A_142, %broadcast_in_dim3A_202] : memref<16x32xf32, #tpu.memory_space<vmem>>[vector<16xi32>, vector<16xi32>], vector<16xf32>,
        %parallel_loop3A_554 = arith.constant 3 : i32
        %parallel_loop3A_555 = arith.constant 5 : i32
        %parallel_loop3A_556 = arith.index_cast %parallel_loop3A_554 : i32 to index
        %parallel_loop3A_557 = arith.index_cast %parallel_loop3A_244 : i32 to index
        %parallel_loop3A_558 = arith.index_cast %parallel_loop3A_555 : i32 to index
        %parallel_loop3A_559 = arith.index_cast %parallel_loop3A_260 : i32 to index
        %parallel_loop3A_560 = tpu.vector_load %arg10[%parallel_loop3A_556, %parallel_loop3A_557, %parallel_loop3A_558, %parallel_loop3A_559] {strides = array<i32>} : memref<4x4x8x128xf32, #tpu.memory_space<vmem>>, vector<16xf32>,
        tpu.vector_store %arg10[%parallel_loop3A_556, %parallel_loop3A_557, %parallel_loop3A_558, %parallel_loop3A_559], %parallel_loop3A_553 {strides = array<i32>} : memref<4x4x8x128xf32, #tpu.memory_space<vmem>>, vector<16xf32>,
        %parallel_loop3A_561 = arith.constant 0 : i32
        %parallel_loop3A_562 = tpu.memref_slice %arg8[%parallel_loop3A_220, %parallel_loop3A_561] : memref<512x32xf32, #tpu.memory_space<vmem>> -> memref<16x32xf32, #tpu.memory_space<vmem>>
        %parallel_loop3A_563 = tpu.vector_load_idx %parallel_loop3A_562[%iota3A_142, %broadcast_in_dim3A_204] : memref<16x32xf32, #tpu.memory_space<vmem>>[vector<16xi32>, vector<16xi32>], vector<16xf32>,
        %parallel_loop3A_564 = arith.constant 3 : i32
        %parallel_loop3A_565 = arith.constant 6 : i32
        %parallel_loop3A_566 = arith.index_cast %parallel_loop3A_564 : i32 to index
        %parallel_loop3A_567 = arith.index_cast %parallel_loop3A_244 : i32 to index
        %parallel_loop3A_568 = arith.index_cast %parallel_loop3A_565 : i32 to index
        %parallel_loop3A_569 = arith.index_cast %parallel_loop3A_260 : i32 to index
        %parallel_loop3A_570 = tpu.vector_load %arg10[%parallel_loop3A_566, %parallel_loop3A_567, %parallel_loop3A_568, %parallel_loop3A_569] {strides = array<i32>} : memref<4x4x8x128xf32, #tpu.memory_space<vmem>>, vector<16xf32>,
        tpu.vector_store %arg10[%parallel_loop3A_566, %parallel_loop3A_567, %parallel_loop3A_568, %parallel_loop3A_569], %parallel_loop3A_563 {strides = array<i32>} : memref<4x4x8x128xf32, #tpu.memory_space<vmem>>, vector<16xf32>,
        %parallel_loop3A_571 = arith.constant 0 : i32
        %parallel_loop3A_572 = tpu.memref_slice %arg8[%parallel_loop3A_220, %parallel_loop3A_571] : memref<512x32xf32, #tpu.memory_space<vmem>> -> memref<16x32xf32, #tpu.memory_space<vmem>>
        %parallel_loop3A_573 = tpu.vector_load_idx %parallel_loop3A_572[%iota3A_142, %broadcast_in_dim3A_206] : memref<16x32xf32, #tpu.memory_space<vmem>>[vector<16xi32>, vector<16xi32>], vector<16xf32>,
        %parallel_loop3A_574 = arith.constant 3 : i32
        %parallel_loop3A_575 = arith.constant 7 : i32
        %parallel_loop3A_576 = arith.index_cast %parallel_loop3A_574 : i32 to index
        %parallel_loop3A_577 = arith.index_cast %parallel_loop3A_244 : i32 to index
        %parallel_loop3A_578 = arith.index_cast %parallel_loop3A_575 : i32 to index
        %parallel_loop3A_579 = arith.index_cast %parallel_loop3A_260 : i32 to index
        %parallel_loop3A_580 = tpu.vector_load %arg10[%parallel_loop3A_576, %parallel_loop3A_577, %parallel_loop3A_578, %parallel_loop3A_579] {strides = array<i32>} : memref<4x4x8x128xf32, #tpu.memory_space<vmem>>, vector<16xf32>,
        tpu.vector_store %arg10[%parallel_loop3A_576, %parallel_loop3A_577, %parallel_loop3A_578, %parallel_loop3A_579], %parallel_loop3A_573 {strides = array<i32>} : memref<4x4x8x128xf32, #tpu.memory_space<vmem>>, vector<16xf32>,
      } {sc.loop_unroll_factor = 2 : i64, sc.parallel_access}
      %dma_start3A_210 = arith.constant 0 : i32
      %dma_start3A_211 = arith.constant 0 : i32
      %dma_start3A_212 = arith.constant 0 : i32
      %dma_start3A_213 = tpu.memref_slice %arg4[%add3A_126, %dma_start3A_210, %mul3A_4, %dma_start3A_211, %dma_start3A_212] : memref<50x4x128x8x128xf32, #tpu.memory_space<hbm>> -> memref<1x4x4x8x128xf32, #tpu.memory_space<hbm>>
      %dma_start3A_214 = tpu.memref_squeeze %dma_start3A_213 : memref<1x4x4x8x128xf32, #tpu.memory_space<hbm>> -> memref<4x4x8x128xf32, #tpu.memory_space<hbm>>
      %dma_start3A_215 = arith.constant 0 : i32
      %dma_start3A_216 = arith.constant 0 : i32
      %dma_start3A_217 = arith.constant 0 : i32
      %dma_start3A_218 = tpu.memref_slice %arg4[%add3A_126, %dma_start3A_215, %mul3A_4, %dma_start3A_216, %dma_start3A_217] : memref<50x4x128x8x128xf32, #tpu.memory_space<hbm>> -> memref<1x4x4x8x128xf32, #tpu.memory_space<hbm>>
      %dma_start3A_219 = tpu.memref_squeeze %dma_start3A_218 : memref<1x4x4x8x128xf32, #tpu.memory_space<hbm>> -> memref<4x4x8x128xf32, #tpu.memory_space<hbm>>
      tpu.enqueue_dma source(%arg10 : memref<4x4x8x128xf32, #tpu.memory_space<vmem>>) target(%dma_start3A_219 : memref<4x4x8x128xf32, #tpu.memory_space<hbm>>) target_semaphore(%arg14 : memref<!tpu.dma_semaphore, #tpu.memory_space<semaphore_mem>>)
    }
    %scan3A_10 = arith.constant 25 : i32
    %dma_wait3A = arith.constant 48 : i32
    %dma_wait3A_11 = arith.constant 0 : i32
    %dma_wait3A_12 = arith.constant 0 : i32
    %dma_wait3A_13 = arith.constant 0 : i32
    %dma_wait3A_14 = tpu.memref_slice %arg4[%dma_wait3A, %dma_wait3A_11, %mul3A_4, %dma_wait3A_12, %dma_wait3A_13] : memref<50x4x128x8x128xf32, #tpu.memory_space<hbm>> -> memref<1x4x4x8x128xf32, #tpu.memory_space<hbm>>
    %dma_wait3A_15 = tpu.memref_squeeze %dma_wait3A_14 : memref<1x4x4x8x128xf32, #tpu.memory_space<hbm>> -> memref<4x4x8x128xf32, #tpu.memory_space<hbm>>
    %dma_wait3A_16 = arith.constant 0 : i32
    %dma_wait3A_17 = arith.constant 0 : i32
    %dma_wait3A_18 = arith.constant 0 : i32
    %dma_wait3A_19 = tpu.memref_slice %arg4[%dma_wait3A, %dma_wait3A_16, %mul3A_4, %dma_wait3A_17, %dma_wait3A_18] : memref<50x4x128x8x128xf32, #tpu.memory_space<hbm>> -> memref<1x4x4x8x128xf32, #tpu.memory_space<hbm>>
    %dma_wait3A_20 = tpu.memref_squeeze %dma_wait3A_19 : memref<1x4x4x8x128xf32, #tpu.memory_space<hbm>> -> memref<4x4x8x128xf32, #tpu.memory_space<hbm>>
    tpu.wait_dma2 semaphore(%arg13 : memref<!tpu.dma_semaphore, #tpu.memory_space<semaphore_mem>>) src(%arg9 : memref<4x4x8x128xf32, #tpu.memory_space<vmem>>) dst(%dma_wait3A_20 : memref<4x4x8x128xf32, #tpu.memory_space<hbm>>)
    %dma_wait3A_21 = arith.constant 49 : i32
    %dma_wait3A_22 = arith.constant 0 : i32
    %dma_wait3A_23 = arith.constant 0 : i32
    %dma_wait3A_24 = arith.constant 0 : i32
    %dma_wait3A_25 = tpu.memref_slice %arg4[%dma_wait3A_21, %dma_wait3A_22, %mul3A_4, %dma_wait3A_23, %dma_wait3A_24] : memref<50x4x128x8x128xf32, #tpu.memory_space<hbm>> -> memref<1x4x4x8x128xf32, #tpu.memory_space<hbm>>
    %dma_wait3A_26 = tpu.memref_squeeze %dma_wait3A_25 : memref<1x4x4x8x128xf32, #tpu.memory_space<hbm>> -> memref<4x4x8x128xf32, #tpu.memory_space<hbm>>
    %dma_wait3A_27 = arith.constant 0 : i32
    %dma_wait3A_28 = arith.constant 0 : i32
    %dma_wait3A_29 = arith.constant 0 : i32
    %dma_wait3A_30 = tpu.memref_slice %arg4[%dma_wait3A_21, %dma_wait3A_27, %mul3A_4, %dma_wait3A_28, %dma_wait3A_29] : memref<50x4x128x8x128xf32, #tpu.memory_space<hbm>> -> memref<1x4x4x8x128xf32, #tpu.memory_space<hbm>>
    %dma_wait3A_31 = tpu.memref_squeeze %dma_wait3A_30 : memref<1x4x4x8x128xf32, #tpu.memory_space<hbm>> -> memref<4x4x8x128xf32, #tpu.memory_space<hbm>>
    tpu.wait_dma2 semaphore(%arg14 : memref<!tpu.dma_semaphore, #tpu.memory_space<semaphore_mem>>) src(%arg10 : memref<4x4x8x128xf32, #tpu.memory_space<vmem>>) dst(%dma_wait3A_31 : memref<4x4x8x128xf32, #tpu.memory_space<hbm>>)
    return
  }
}

</mosaic_0001>

<sc_bundles>
// kernel: _sc_gather.3.cloned.1.call-start
scs
__scs_entry_jumppad:
0x0: {  	(pc) =	sbr.rel $0x88, $3  }
0x1: {  	(tag) =	ssettag $0x0;
	lr =	simm.s32 $0x1  }
0x2: {  	[smem:$0x3F9F] =	sst lr;
	_ =	strace $0xD0000000  }
0x3: {  	_ = 	snop  }
0x4: {  	_ = 	snop  }
0x5: {  	_ = 	snop  }
0x6: {  	_ = 	snop  }
0x7: {  	_ = 	snop  }
__scs_overlays_trampoline_lowered:
0x8: {  	[smem:$0x3FAE] =	sst s0  }
0x9: {  	[smem:$0x3FAF] =	sst s1  }
0xa: {  	[smem:$0x3FB0] =	sst s2  }
0xb: {  	[smem:$0x3FB1] =	sst s3  }
0xc: {  	[smem:$0x3FB2] =	sst s4  }
0xd: {  	[smem:$0x3FB3] =	sst s5  }
0xe: {  	[smem:$0x3FB4] =	sst s6  }
0xf: {  	[smem:$0x3FB5] =	sst s7  }
0x10: {  	[smem:$0x3FB6] =	sst s8  }
0x11: {  	[smem:$0x3FB7] =	sst s9;
	s0 =	simm.s32 @!p0 $0x0  }
0x12: {  	s1 =	sld [smem:$0x3F9D];
	s0 =	simm.s32 @p0 $0x1  }
0x13: {  	[smem:$0x3FB8] =	sst s0;
	s0 =	simm.s32 @!p1 $0x0  }
0x14: {  	s2 =	sld [smem:$0x3F9C];
	s0 =	simm.s32 @p1 $0x1  }
0x15: {  	[smem:$0x3FB9] =	sst s0;
	s0 =	simm.s32 @!p2 $0x0  }
0x16: {  	s3 =	sld [smem:$0x3FDB];
	s0 =	simm.s32 @p2 $0x1  }
0x17: {  	s4 =	simm.s32 $0x1BF5;
	[smem:$0x3FBB] =	sst s0  }
0x18: {  	s0 =	sld [smem:$0x3F9E];
	_ =	swait.ge [sflag:s4], $0x0  }
0x19: {  	s7 =	sld [smem:$0x3F9F]  }
0x1a: {  	s8 =	sadd.s32 $0xFFFFE003, lr  }
0x1b: {  	s9 =	sadd.s32 $0xFFFFFEF7, lr;
	s5 =	simm.s32 $0xFFFFFFFF;
	p2 =	slt.u32 s8, $0xFFFFF086  }
0x1c: {  	p1 =	slt.u32 s9, $0xF7A;
	s5 =	simm.s32 @!p2 $0x0  }
0x1d: {  	s5 =	simm.s32 @p1 $0x1;
	p0 =	seq.s32 s7, s2  }
0x1e: {  	s7 =	smul.u32 @!p0 $0xF7A, s2;
	p2 =	seq.s32 @!p0 s5, $0x0  }
0x1f: {  	s9 =	smul.u32 $0xF7A, s1;
	s8 =	simm.s32 @!p0 $0x1BF5;
	p2 =	por !p2, p0  }
0x20: {  	[sflag:s8] =	ssyncset.s32 @!p0 $0xFFFFF086;
	s6 =	sadd.s32 @!p0 s3, s7;
	s7 =	simm.s32 @!p0 $0x108  }
0x21: {  	s3 =	sadd.s32 s3, s9;
	s6 =	sadd.s32 @!p0 $0x88, s6;
	s7 =	simm.s32 @p2 $0x1082  }
0x22: {  	[simem:s7], [sflag:s8] =	dma.local @!p0 [hbm:s6], $0xF7A  }
0x23: {  	s9 =	sor.u32 $0xD0000000, s2;
	s6 =	simm.s32 $0x108;
	_ =	swait.ge @!p0 [sflag:s8], $0x0  }
0x24: {  	s3 =	sadd.s32 $0x88, s3;
	s6 =	simm.s32 @!p1 $0x1082;
	[sflag:s4] =	ssyncset.s32 $0xFFFFF086  }
0x25: {  	[simem:s6], [sflag:s4] =	dma.local [hbm:s3], $0xF7A  }
0x26: {  	[smem:$0x3F9F] =	sst s1;
	(tag) =	ssettag s2;
	_ =	strace s9  }
0x27: {  	s1 =	sld [smem:$0x3FAF]  }
0x28: {  	s2 =	sld [smem:$0x3FB0]  }
0x29: {  	s4 =	sld [smem:$0x3FB2]  }
0x2a: {  	p0 =	seq.s32 s5, $0x0;
	s5 =	sld [smem:$0x3FB3]  }
0x2b: {  	s6 =	sld [smem:$0x3FB4]  }
0x2c: {  	s7 =	sld [smem:$0x3FB5]  }
0x2d: {  	s3 =	simm.s32 $0x108;
	s8 =	sld [smem:$0x3FB6]  }
0x2e: {  	s3 =	simm.s32 @!p0 $0x1082;
	s9 =	sld [smem:$0x3FB7]  }
0x2f: {  	lr =	sadd.s32 s0, s3;
	s0 =	sld [smem:$0x3FAE]  }
0x30: {  	s3 =	sld [smem:$0x3FB1]  }
0x31: {  	[smem:$0x3FBA] =	sst s10  }
0x32: {  	s10 =	sld [smem:$0x3FB8];
	_ =	sdelay $0x3  }
0x33: {  	p0 =	seq.s32 s10, $0x1;
	s10 =	sld [smem:$0x3FBA];
	_ =	sdelay $0x3  }
0x34: {  	[smem:$0x3FBA] =	sst s10  }
0x35: {  	s10 =	sld [smem:$0x3FB9];
	_ =	sdelay $0x3  }
0x36: {  	p1 =	seq.s32 s10, $0x1;
	s10 =	sld [smem:$0x3FBA];
	_ =	sdelay $0x3  }
0x37: {  	[smem:$0x3FBA] =	sst s10  }
0x38: {  	s10 =	sld [smem:$0x3FBB]  }
0x39: {  	_ = 	snop;
	(pc) =	sbr.ind lr, $3  }
0x3a: {  	_ = 	snop  }
0x3b: {  	_ = 	snop  }
0x3c: {  	p2 =	seq.s32 s10, $0x1;
	s10 =	sld [smem:$0x3FBA]  }
0x3d: {  	_ =	shalt  }
0x3e: {  	_ =	shalt  }
0x3f: {  	_ =	shalt  }
0x40: {  	_ =	shalt  }
0x41: {  	_ =	shalt  }
0x42: {  	_ =	shalt  }
0x43: {  	_ =	shalt  }
0x44: {  	_ =	shalt  }
0x45: {  	_ =	shalt  }
0x46: {  	_ =	shalt  }
0x47: {  	_ =	shalt  }
0x48: {  	_ =	shalt  }
0x49: {  	_ =	shalt  }
0x4a: {  	_ =	shalt  }
0x4b: {  	_ =	shalt  }
0x4c: {  	_ =	shalt  }
0x4d: {  	_ =	shalt  }
0x4e: {  	_ =	shalt  }
0x4f: {  	_ =	shalt  }
0x50: {  	_ =	shalt  }
0x51: {  	_ =	shalt  }
0x52: {  	_ =	shalt  }
0x53: {  	_ =	shalt  }
0x54: {  	_ =	shalt  }
0x55: {  	_ =	shalt  }
0x56: {  	_ =	shalt  }
0x57: {  	_ =	shalt  }
0x58: {  	_ =	shalt  }
0x59: {  	_ =	shalt  }
0x5a: {  	_ =	shalt  }
0x5b: {  	_ =	shalt  }
0x5c: {  	_ =	shalt  }
0x5d: {  	_ =	shalt  }
0x5e: {  	_ =	shalt  }
0x5f: {  	_ =	shalt  }
0x60: {  	_ =	shalt  }
0x61: {  	_ =	shalt  }
0x62: {  	_ =	shalt  }
0x63: {  	_ =	shalt  }
0x64: {  	_ =	shalt  }
0x65: {  	_ =	shalt  }
0x66: {  	_ =	shalt  }
0x67: {  	_ =	shalt  }
0x68: {  	_ =	shalt  }
0x69: {  	_ =	shalt  }
0x6a: {  	_ =	shalt  }
0x6b: {  	_ =	shalt  }
0x6c: {  	_ =	shalt  }
0x6d: {  	_ =	shalt  }
0x6e: {  	_ =	shalt  }
0x6f: {  	_ =	shalt  }
0x70: {  	_ =	shalt  }
0x71: {  	_ =	shalt  }
0x72: {  	_ =	shalt  }
0x73: {  	_ =	shalt  }
0x74: {  	_ =	shalt  }
0x75: {  	_ =	shalt  }
0x76: {  	_ =	shalt  }
0x77: {  	_ =	shalt  }
0x78: {  	_ =	shalt  }
0x79: {  	_ =	shalt  }
0x7a: {  	_ =	shalt  }
0x7b: {  	_ =	shalt  }
0x7c: {  	_ =	shalt  }
0x7d: {  	_ =	shalt  }
0x7e: {  	_ =	shalt  }
0x7f: {  	_ =	shalt  }
0x80: {  	_ =	shalt  }
0x81: {  	_ =	shalt  }
0x82: {  	_ =	shalt  }
0x83: {  	_ =	shalt  }
0x84: {  	_ =	shalt  }
0x85: {  	_ =	shalt  }
0x86: {  	_ =	shalt  }
0x87: {  	_ =	shalt  }
.Lfunc_end0:
.L_simem_size_0:
called_computation_lowered:
.L_overlay_start_0:
0x88: {  	s2 =	sld [smem:$0x3FD9]  }
0x89: {  	s3 =	sld [smem:$0x3FFE];
	_ =	sdelay $0x1  }
0x8a: {  	s1 =	srdreg.scid  }
0x8b: {  	s0 =	sand.u32 $0x1, s1  }
0x8c: {  	s17 =	sshll.u32 s0, $0xA;
	s2 =	sadd.s32 s3, s2  }
0x8d: {  	s2 =	sadd.s32 s2, s17  }
0x8e: {  	[smem:$0x3FC6] =	sst s2  }
0x8f: {  	_ = 	snop  }
0x90: {  	s2 =	sld [smem:$0x3FD0];
	(tm) =	ssettm $0x1  }
0x91: {  	s18 =	sld [smem:$0x3FFB];
	_ =	sdelay $0x3  }
0x92: {  	_ =	strace s18  }
0x93: {  	s3 =	sld [smem:$0x3FFC];
	_ =	sdelay $0x3  }
0x94: {  	_ =	strace s3  }
0x95: {  	s3 =	sld [smem:$0x3FFD];
	_ =	sdelay $0x3  }
0x96: {  	_ =	strace s3  }
0x97: {  	_ =	strace $0x8FFFFFFF  }
0x98: {  	s19 =	sld [smem:$0x3FDB];
	_ =	sdelay $0x1  }
0x99: {  	s4 =	simm.s32 $_scs_section_size  }
0x9a: {  	s5 =	simm.s32 $_size__tile_overlayer_lowered;
	s6 =	simm.s32 $_tile_overlayer_lowered  }
0x9b: {  	s22 =	simm.s32 $0x1BFF;
	s21 =	sshll.u32 s6, $0x1;
	s3 =	sadd.s32 s4, s19  }
0x9c: {  	s7 =	simm.s32 $0x0;
	s20 =	sshll.u32 s5, $0x1;
	s5 =	sadd.s32 s21, s3  }
0x9d: {  	[timem:s7], [sflag:s22] =	dma.local [hbm:s5], s20  }
0x9e: {  	_ =	swait.ge [sflag:s22], s20  }
0x9f: {  	s4 =	ssub.s32 $0x0, s20;
	[sflag:s22] =	ssyncset.done $0x0  }
0xa0: {  	[sflag:s22] =	ssyncadd.s32 s4;
	_ =	sdelay $0x1  }
0xa1: {  	s23 =	simm.s32 $0x1B8B  }
0xa2: {  	_ =	swait.ge [sflag:s23], $0x1  }
0xa3: {  	[sflag:s23] =	ssyncset.done $0x0  }
0xa4: {  	s25 =	simm.s32 $0x1B8E;
	s24 =	sld [smem:$0x3FFE];
	[sflag:s23] =	ssyncadd.s32 $0xFFFFFFFF  }
0xa5: {  	s26 =	simm.s32 $execute0_lowered;
	[smem:$0x3FD2] =	sst s25  }
0xa6: {  	s5 =	sshll.u32 s26, $0x1;
	_ =	strace $0x80000046;
	[dreg:$0x1] =	wrdreg $0xFFFFFFFF  }
0xa7: {  	s28 =	simm.s32 $_size_execute0_lowered;
	s3 =	sadd.s32 s3, s5;
	[dreg:$0x0] =	wrdreg $0x0  }
0xa8: {  	s5 =	sshll.u32 s28, $0x1;
	[dreg:$0x2] =	wrdreg s3  }
0xa9: {  	[dreg:$0x3] =	wrdreg s5  }
0xaa: {  	[dreg:$0x4] =	wrdreg $0xC0  }
0xab: {  	_ =	task [dreg:s7], $0x5FFFF  }
0xac: {  	[dreg:$0x1] =	wrdreg $0xFFFFFFFF  }
0xad: {  	[dreg:$0x0] =	wrdreg $0x60  }
0xae: {  	[dreg:$0x2] =	wrdreg s24  }
0xaf: {  	[dreg:$0x3] =	wrdreg s2  }
0xb0: {  	[dreg:$0x4] =	wrdreg $0x9  }
0xb1: {  	_ =	task.clear_ibuf [dreg:s7], $0x5FFFF;
	_ =	strace $0x90000046  }
0xb2: {  	s29 =	simm.s32 $0x9;
	_ =	strace $0x80000048  }
0xb3: {  	_ =	swait.ge [sflag:s29], $0x1  }
0xb4: {  	[sflag:s29] =	ssyncadd.s32 $0xFFFFFFFF  }
0xb5: {  	_ =	strace $0x90000048  }
0xb6: {  	_ =	sfence  }
0xb7: {  	s30 =	sld [smem:$0x0];
	_ =	sdelay $0x2  }
0xb8: {  	s31 =	sshll.u32 s1, $0xD;
	s1 =	sshrl.u32 s1, $0x2  }
0xb9: {  	s3 =	sand.u32 $0x4000, s31;
	s1 =	sadd.s32 s1, s30  }
0xba: {  	s0 =	sor.u32 s3, s0;
	s1 =	sshll.u32 s1, $0x11  }
0xbb: {  	s0 =	sor.u32 s1, s0  }
0xbc: {  	s0 =	sadd.s32 $0x8F2B, s0  }
0xbd: {  	[sflag:s0] =	ssyncadd.remote.s32 $0x1  }
0xbe: {  	_ =	sfence.sel $0xFFFF  }
0xbf: {  	[dreg:$0x0] =	wrdreg $0xFFFFFFFF;
	(pc) =	sbr.abs _section_cstart, $3  }
0xc0: {  	[dreg:$0x1] =	wrdreg $0xFFFFFFFF  }
0xc1: {  	_ =	task.clear_ibuf [dreg:s7], $0x2FFFF;
	_ =	strace $0x9FFFFFFF  }
0xc2: {  	(tm) =	ssettm $0x7FFFFFFF  }
0xc3: {  	_ =	shalt  }
tec
execute0_lowered:
.L_overlay_start_1:
0x0: {  	(tag) =	ssettag $0x1  }
0x1: {  	v0 =	vlaneseq.u32  }
0x2: {  	v0 =	vmul.u32 $0x20, v0;
	_ =	sdelay $0x1  }
0x3: {  	s0 =	rddreg [dreg:$0x0];
	v1 =	vor.u32 $0x1, v0  }
0x4: {  	s1 =	simm.s32 $0x0;
	s25 =	srdreg.scid;
	s2 =	stileid.u32;
	v2 =	vor.u32 $0x2, v0;
	v3 =	vor.u32 $0x3, v0;
	v4 =	vor.u32 $0x4, v0  }
0x5: {  	[smem:$0x7FF] =	sst s1;
	s3 =	sadd.s32 $0xF42C00, s0;
	s1 =	sand.u32 $0x1, s25;
	v5 =	vor.u32 $0x5, v0;
	v6 =	vor.u32 $0x6, v0;
	v7 =	vor.u32 $0x7, v0  }
0x6: {  	s2 =	sshll.u32 s2, $0x1;
	s4 =	sadd.s32 $0x600, s0;
	_ =	strace $0x80000047;
	v8 =	vor.u32 $0x8, v0;
	v9 =	vor.u32 $0x9, v0;
	v10 =	vor.u32 $0xA, v0  }
0x7: {  	[dreg:$0x3] =	wrdreg s3;
	s26 =	ssub.s32 $0x2, s1;
	s1 =	sor.u32 s1, s2;
	v11 =	vor.u32 $0xB, v0;
	v12 =	vor.u32 $0xC, v0;
	v13 =	vor.u32 $0xD, v0  }
0x8: {  	[dreg:$0x4] =	wrdreg s4;
	s5 =	sshll.u32 s1, $0x9;
	v14 =	vor.u32 $0xE, v0;
	v15 =	vor.u32 $0xF, v0;
	v16 =	vor.u32 $0x10, v0  }
0x9: {  	s29 =	sshll.u32 s1, $0x6;
	s1 =	sshll.u32 s1, $0xC;
	v17 =	vor.u32 $0x11, v0;
	v18 =	vor.u32 $0x12, v0;
	v19 =	vor.u32 $0x13, v0;
	[dreg:$0x5] =	wrdreg s5  }
0xa: {  	s28 =	sshrl.u32 s26, $0x1;
	v20 =	vor.u32 $0x14, v0;
	v21 =	vor.u32 $0x15, v0;
	v22 =	vor.u32 $0x16, v0;
	s30 =	sadd.s32 s4, s29;
	[dreg:$0x8] =	wrdreg s1  }
0xb: {  	v23 =	vor.u32 $0x17, v0;
	v24 =	vor.u32 $0x18, v0;
	v25 =	vor.u32 $0x19, v0;
	s0 =	ssub.s32 s26, s28;
	s31 =	sor.u32 $0x8000, s5;
	[dreg:$0x6] =	wrdreg s30  }
0xc: {  	v26 =	vor.u32 $0x1A, v0;
	v27 =	vor.u32 $0x1B, v0;
	v28 =	vor.u32 $0x1C, v0;
	[dreg:$0x7] =	wrdreg s31;
	s0 =	smax.u32 s0, $0x1  }
0xd: {  	s11 =	simm.s32 $0x5;
	s2 =	simm.s32 $0x0;
	v29 =	vor.u32 $0x1D, v0;
	v30 =	vor.u32 $0x1E, v0;
	v31 =	vor.u32 $0x1F, v0;
	[dreg:$0x9] =	wrdreg s0  }
.LBB2_1:
0xe: {  	[dreg:$0xa] =	wrdreg s2  }
0xf: {  	s0 =	simm.s32 $0x0;
	s1 =	rddreg [dreg:$0x6]  }
0x10: {  	[tilespmem:s0], [sflag:$0x5] =	stream.linear.gather [hbm4b:s1+s0], $0x200, $0x38;
	[tilespmem:$0x10400] =	vst v63  }
0x11: {  	_ =	swait.ge [sflag:s11], $0x200  }
0x12: {  	s31 =	simm.s32 $0x200;
	s3 =	simm.s32 $0x400;
	[sflag:s11] =	ssyncset.done $0x0  }
0x13: {  	s24 =	simm.s32 $0x0;
	s30 =	rddreg [dreg:$0x3];
	[sflag:s11] =	ssyncadd.s32 $0xFFFFFE00  }
0x14: {  	[tilespmem:s3], [sflag:$0x1] =	stream.indirect.gather [hbm4b:s30+s31], $0x20, s0, s31, $0xb8;
	[tilespmem:$0x10400] =	vst v63  }
.LBB2_2:
0x15: {  	s25 =	sshllo.u32 s24, $0x1  }
0x16: {  	s1 =	rddreg [dreg:$0x5];
	s0 =	sshll.u32 s25, $0xE  }
0x17: {  	s0 =	sor.u32 s1, s0  }
0x18: {  	s2 =	rddreg [dreg:$0x4];
	s0 =	sshrl.u32 s0, $0x3  }
0x19: {  	s3 =	simm.s32 $0x0;
	s0 =	sadd.s32 s2, s0;
	s2 =	simm.s32 $0x200  }
0x1a: {  	[tilespmem:s2], [sflag:$0x5] =	stream.linear.gather [hbm4b:s0+s3], $0x200, $0x38;
	[tilespmem:$0x10400] =	vst v63  }
0x1b: {  	_ =	swait.ge [sflag:s11], $0x200  }
0x1c: {  	s5 =	simm.s32 $0x4400;
	[sflag:s11] =	ssyncset.done $0x0  }
0x1d: {  	s6 =	simm.s32 $0x1;
	s4 =	rddreg [dreg:$0x3];
	[sflag:s11] =	ssyncadd.s32 $0xFFFFFE00  }
0x1e: {  	[tilespmem:s5], [sflag:$0x2] =	stream.indirect.gather [hbm4b:s4+s2], $0x20, s2, s2, $0xb8;
	[tilespmem:$0x10400] =	vst v63  }
0x1f: {  	_ =	swait.ge [sflag:s6], $0x4000  }
0x20: {  	p0 =	seq.s32 s24, $0x0;
	[sflag:s6] =	ssyncset.done $0x0  }
0x21: {  	s0 =	simm.s32 @!p0 $0x3;
	[sflag:s6] =	ssyncadd.s32 $0xFFFFC000  }
0x22: {  	_ =	swait.ge @!p0 [sflag:s0], $0x4000  }
0x23: {  	[sflag:s0] =	ssyncset.done @!p0 $0x0  }
0x24: {  	s8 =	simm.s32 $0x600;
	[sflag:s0] =	ssyncadd.s32 @!p0 $0xFFFFC000  }
0x25: {  	v32 =	vld.idx.msk [tilespmem:v0+s8+$0x0], $0xffff  }
0x26: {  	s7 =	simm.s32 $0x0;
	v33 =	vld.idx.msk [tilespmem:v0+s8+$0xFFFFFE00], $0xffff  }
0x27: {  	s9 =	simm.s32 $0x10;
	s6 =	sand.u32 $0xC00, s7  }
0x28: {  	s1 =	sand.u32 $0x70, s9;
	s3 =	simm.s32 $0x0;
	s0 =	sadd.s32 $0x8400, s6  }
0x29: {  	s14 =	sand.u32 $0x60, s3;
	s10 =	sor.u32 s1, s0  }
0x2a: {  	s0 =	sor.u32 s14, s0;
	[tilespmem:s10+$0x0] =	vst v32  }
0x2b: {  	[tilespmem:s0+$0x0] =	vst v33;
	v32 =	vld.idx.msk [tilespmem:v1+s8+$0x0], $0xffff  }
0x2c: {  	v33 =	vld.idx.msk [tilespmem:v1+s8+$0xFFFFFE00], $0xffff;
	_ =	sdelay $0x3  }
0x2d: {  	[tilespmem:s10+$0x80] =	vst v32  }
0x2e: {  	[tilespmem:s0+$0x80] =	vst v33;
	v32 =	vld.idx.msk [tilespmem:v2+s8+$0x0], $0xffff  }
0x2f: {  	v33 =	vld.idx.msk [tilespmem:v2+s8+$0xFFFFFE00], $0xffff;
	_ =	sdelay $0x3  }
0x30: {  	[tilespmem:s10+$0x100] =	vst v32  }
0x31: {  	[tilespmem:s0+$0x100] =	vst v33;
	v32 =	vld.idx.msk [tilespmem:v3+s8+$0x0], $0xffff  }
0x32: {  	v33 =	vld.idx.msk [tilespmem:v3+s8+$0xFFFFFE00], $0xffff;
	_ =	sdelay $0x3  }
0x33: {  	[tilespmem:s10+$0x180] =	vst v32  }
0x34: {  	[tilespmem:s0+$0x180] =	vst v33;
	v32 =	vld.idx.msk [tilespmem:v4+s8+$0x0], $0xffff  }
0x35: {  	v33 =	vld.idx.msk [tilespmem:v4+s8+$0xFFFFFE00], $0xffff;
	_ =	sdelay $0x3  }
0x36: {  	[tilespmem:s10+$0x200] =	vst v32  }
0x37: {  	[tilespmem:s0+$0x200] =	vst v33;
	v32 =	vld.idx.msk [tilespmem:v5+s8+$0x0], $0xffff  }
0x38: {  	v33 =	vld.idx.msk [tilespmem:v5+s8+$0xFFFFFE00], $0xffff;
	_ =	sdelay $0x3  }
0x39: {  	[tilespmem:s10+$0x280] =	vst v32  }
0x3a: {  	[tilespmem:s0+$0x280] =	vst v33;
	v32 =	vld.idx.msk [tilespmem:v6+s8+$0x0], $0xffff  }
0x3b: {  	v33 =	vld.idx.msk [tilespmem:v6+s8+$0xFFFFFE00], $0xffff;
	_ =	sdelay $0x3  }
0x3c: {  	[tilespmem:s10+$0x300] =	vst v32  }
0x3d: {  	[tilespmem:s0+$0x300] =	vst v33;
	v32 =	vld.idx.msk [tilespmem:v7+s8+$0x0], $0xffff  }
0x3e: {  	v33 =	vld.idx.msk [tilespmem:v7+s8+$0xFFFFFE00], $0xffff  }
0x3f: {  	s28 =	simm.s32 $0xA00  }
0x40: {  	v34 =	vld.idx.msk [tilespmem:v0+s28+$0x0], $0xffff  }
0x41: {  	s16 =	simm.s32 $0x100  }
0x42: {  	s17 =	simm.s32 $0x30;
	s26 =	sand.u32 $0xC00, s16;
	[tilespmem:s10+$0x380] =	vst v32  }
0x43: {  	s30 =	sand.u32 $0x70, s17;
	s2 =	sadd.s32 $0x8400, s26;
	[tilespmem:s0+$0x380] =	vst v33;
	v32 =	vld.idx.msk [tilespmem:v8+s8+$0x0], $0xffff  }
0x44: {  	s0 =	sor.u32 s30, s2;
	v33 =	vld.idx.msk [tilespmem:v8+s8+$0xFFFFFE00], $0xffff  }
0x45: {  	v40 =	vld.idx.msk [tilespmem:v0+s28+$0xFFFFFE00], $0xffff;
	[tilespmem:s0+$0x0] =	vst v34  }
0x46: {  	s12 =	sadd.s32 $0x9400, s6;
	v34 =	vld.idx.msk [tilespmem:v1+s28+$0x0], $0xffff  }
0x47: {  	s19 =	simm.s32 $0x20;
	s13 =	sor.u32 s1, s12  }
0x48: {  	s29 =	sand.u32 $0x60, s19;
	s15 =	sor.u32 s14, s12;
	[tilespmem:s13+$0x0] =	vst v32  }
0x49: {  	s2 =	sor.u32 s29, s2;
	[tilespmem:s15+$0x0] =	vst v33;
	v32 =	vld.idx.msk [tilespmem:v9+s8+$0x0], $0xffff  }
0x4a: {  	[tilespmem:s2+$0x0] =	vst v40;
	v35 =	vld.idx.msk [tilespmem:v9+s8+$0xFFFFFE00], $0xffff  }
0x4b: {  	v33 =	vld.idx.msk [tilespmem:v1+s28+$0xFFFFFE00], $0xffff;
	[tilespmem:s0+$0x80] =	vst v34  }
0x4c: {  	s5 =	sadd.s32 $0x9480, s6;
	v34 =	vld.idx.msk [tilespmem:v2+s28+$0x0], $0xffff  }
0x4d: {  	s18 =	sor.u32 s1, s5  }
0x4e: {  	s20 =	sor.u32 s14, s5;
	[tilespmem:s18+$0x0] =	vst v32  }
0x4f: {  	[tilespmem:s20+$0x0] =	vst v35;
	v32 =	vld.idx.msk [tilespmem:v10+s8+$0x0], $0xffff  }
0x50: {  	[tilespmem:s2+$0x80] =	vst v33;
	v35 =	vld.idx.msk [tilespmem:v10+s8+$0xFFFFFE00], $0xffff  }
0x51: {  	v33 =	vld.idx.msk [tilespmem:v2+s28+$0xFFFFFE00], $0xffff;
	[tilespmem:s0+$0x100] =	vst v34  }
0x52: {  	s21 =	sadd.s32 $0x9500, s6;
	v34 =	vld.idx.msk [tilespmem:v3+s28+$0x0], $0xffff  }
0x53: {  	s22 =	sor.u32 s1, s21  }
0x54: {  	s23 =	sor.u32 s14, s21;
	[tilespmem:s22+$0x0] =	vst v32  }
0x55: {  	[tilespmem:s23+$0x0] =	vst v35;
	v32 =	vld.idx.msk [tilespmem:v11+s8+$0x0], $0xffff  }
0x56: {  	[tilespmem:s2+$0x100] =	vst v33;
	v35 =	vld.idx.msk [tilespmem:v11+s8+$0xFFFFFE00], $0xffff  }
0x57: {  	v33 =	vld.idx.msk [tilespmem:v3+s28+$0xFFFFFE00], $0xffff;
	[tilespmem:s0+$0x180] =	vst v34  }
0x58: {  	s4 =	sadd.s32 $0x9580, s6;
	v34 =	vld.idx.msk [tilespmem:v4+s28+$0x0], $0xffff  }
0x59: {  	s7 =	sor.u32 s1, s4  }
0x5a: {  	s9 =	sor.u32 s14, s4;
	[tilespmem:s7+$0x0] =	vst v32  }
0x5b: {  	[tilespmem:s9+$0x0] =	vst v35;
	v32 =	vld.idx.msk [tilespmem:v12+s8+$0x0], $0xffff  }
0x5c: {  	[tilespmem:s2+$0x180] =	vst v33;
	v35 =	vld.idx.msk [tilespmem:v12+s8+$0xFFFFFE00], $0xffff  }
0x5d: {  	v33 =	vld.idx.msk [tilespmem:v4+s28+$0xFFFFFE00], $0xffff;
	[tilespmem:s0+$0x200] =	vst v34  }
0x5e: {  	s10 =	sadd.s32 $0x9600, s6;
	v34 =	vld.idx.msk [tilespmem:v5+s28+$0x0], $0xffff  }
0x5f: {  	s12 =	sor.u32 s1, s10  }
0x60: {  	s13 =	sor.u32 s14, s10;
	[tilespmem:s12+$0x0] =	vst v32  }
0x61: {  	[tilespmem:s13+$0x0] =	vst v35;
	v32 =	vld.idx.msk [tilespmem:v13+s8+$0x0], $0xffff  }
0x62: {  	[tilespmem:s2+$0x200] =	vst v33;
	v35 =	vld.idx.msk [tilespmem:v13+s8+$0xFFFFFE00], $0xffff  }
0x63: {  	v33 =	vld.idx.msk [tilespmem:v5+s28+$0xFFFFFE00], $0xffff;
	[tilespmem:s0+$0x280] =	vst v34  }
0x64: {  	s15 =	sadd.s32 $0x9680, s6;
	v34 =	vld.idx.msk [tilespmem:v6+s28+$0x0], $0xffff  }
0x65: {  	s16 =	sor.u32 s1, s15  }
0x66: {  	s17 =	sor.u32 s14, s15;
	[tilespmem:s16+$0x0] =	vst v32  }
0x67: {  	[tilespmem:s17+$0x0] =	vst v35;
	v32 =	vld.idx.msk [tilespmem:v14+s8+$0x0], $0xffff  }
0x68: {  	[tilespmem:s2+$0x280] =	vst v33;
	v35 =	vld.idx.msk [tilespmem:v14+s8+$0xFFFFFE00], $0xffff  }
0x69: {  	v33 =	vld.idx.msk [tilespmem:v6+s28+$0xFFFFFE00], $0xffff;
	[tilespmem:s0+$0x300] =	vst v34  }
0x6a: {  	s18 =	sadd.s32 $0x9700, s6;
	v34 =	vld.idx.msk [tilespmem:v7+s28+$0x0], $0xffff  }
0x6b: {  	s19 =	sor.u32 s1, s18  }
0x6c: {  	s20 =	sor.u32 s14, s18;
	[tilespmem:s19+$0x0] =	vst v32  }
0x6d: {  	[tilespmem:s20+$0x0] =	vst v35;
	v32 =	vld.idx.msk [tilespmem:v15+s8+$0x0], $0xffff  }
0x6e: {  	[tilespmem:s2+$0x300] =	vst v33;
	v35 =	vld.idx.msk [tilespmem:v15+s8+$0xFFFFFE00], $0xffff  }
0x6f: {  	v33 =	vld.idx.msk [tilespmem:v7+s28+$0xFFFFFE00], $0xffff;
	[tilespmem:s0+$0x380] =	vst v34  }
0x70: {  	s21 =	sadd.s32 $0x9780, s6;
	v34 =	vld.idx.msk [tilespmem:v8+s28+$0x0], $0xffff  }
0x71: {  	s22 =	sor.u32 s1, s21  }
0x72: {  	s23 =	sor.u32 s14, s21;
	[tilespmem:s22+$0x0] =	vst v32  }
0x73: {  	s12 =	sadd.s32 $0x9400, s26;
	[tilespmem:s23+$0x0] =	vst v35;
	v32 =	vld.idx.msk [tilespmem:v16+s8+$0x0], $0xffff  }
0x74: {  	s15 =	sor.u32 s30, s12;
	[tilespmem:s2+$0x380] =	vst v33;
	v35 =	vld.idx.msk [tilespmem:v16+s8+$0xFFFFFE00], $0xffff  }
0x75: {  	v33 =	vld.idx.msk [tilespmem:v8+s28+$0xFFFFFE00], $0xffff;
	[tilespmem:s15+$0x0] =	vst v34  }
0x76: {  	s4 =	sadd.s32 $0xA400, s6;
	v34 =	vld.idx.msk [tilespmem:v9+s28+$0x0], $0xffff  }
0x77: {  	s7 =	sor.u32 s1, s4  }
0x78: {  	s9 =	sor.u32 s14, s4;
	[tilespmem:s7+$0x0] =	vst v32  }
0x79: {  	s0 =	sor.u32 s29, s12;
	s12 =	sadd.s32 $0x9480, s26;
	[tilespmem:s9+$0x0] =	vst v35;
	v32 =	vld.idx.msk [tilespmem:v17+s8+$0x0], $0xffff  }
0x7a: {  	s15 =	sor.u32 s30, s12;
	[tilespmem:s0+$0x0] =	vst v33;
	v35 =	vld.idx.msk [tilespmem:v17+s8+$0xFFFFFE00], $0xffff  }
0x7b: {  	v42 =	vld.idx.msk [tilespmem:v9+s28+$0xFFFFFE00], $0xffff;
	[tilespmem:s15+$0x0] =	vst v34  }
0x7c: {  	s31 =	simm.s32 $0xE00;
	s10 =	sadd.s32 $0xA480, s6;
	v34 =	vld.idx.msk [tilespmem:v10+s28+$0x0], $0xffff  }
0x7d: {  	v36 =	vld.idx.msk [tilespmem:v0+s31+$0x0], $0xffff;
	s18 =	simm.s32 $0x50;
	s13 =	sor.u32 s1, s10  }
0x7e: {  	v41 =	vld.idx.msk [tilespmem:v0+s31+$0xFFFFFE00], $0xffff;
	s3 =	sand.u32 $0x70, s18;
	s17 =	simm.s32 $0x200;
	s2 =	sor.u32 s14, s10;
	[tilespmem:s13+$0x0] =	vst v32  }
0x7f: {  	s21 =	sadd.s32 $0x9500, s26;
	s12 =	sor.u32 s29, s12;
	s0 =	sand.u32 $0xC00, s17;
	[tilespmem:s2+$0x0] =	vst v35;
	v32 =	vld.idx.msk [tilespmem:v18+s8+$0x0], $0xffff  }
0x80: {  	s16 =	simm.s32 $0x40;
	s23 =	sor.u32 s30, s21;
	[tilespmem:s12+$0x0] =	vst v42;
	s13 =	sadd.s32 $0x8400, s0;
	v37 =	vld.idx.msk [tilespmem:v18+s8+$0xFFFFFE00], $0xffff  }
0x81: {  	s7 =	sand.u32 $0x60, s16;
	v35 =	vld.idx.msk [tilespmem:v10+s28+$0xFFFFFE00], $0xffff;
	s5 =	sor.u32 s3, s13;
	[tilespmem:s23+$0x0] =	vst v34  }
0x82: {  	s10 =	sadd.s32 $0xA500, s6;
	s2 =	sor.u32 s7, s13;
	[tilespmem:s5+$0x0] =	vst v36;
	v45 =	vld.idx.msk [tilespmem:v11+s28+$0x0], $0xffff  }
0x83: {  	s19 =	sor.u32 s1, s10;
	[tilespmem:s2+$0x0] =	vst v41;
	v43 =	vld.idx.msk [tilespmem:v1+s31+$0x0], $0xffff  }
0x84: {  	s10 =	sor.u32 s14, s10;
	v44 =	vld.idx.msk [tilespmem:v1+s31+$0xFFFFFE00], $0xffff;
	[tilespmem:s19+$0x0] =	vst v32  }
0x85: {  	s9 =	sadd.s32 $0x9580, s26;
	[tilespmem:s10+$0x0] =	vst v37;
	s10 =	sor.u32 s29, s21;
	v32 =	vld.idx.msk [tilespmem:v19+s8+$0x0], $0xffff  }
0x86: {  	s17 =	sor.u32 s30, s9;
	v37 =	vld.idx.msk [tilespmem:v19+s8+$0xFFFFFE00], $0xffff;
	[tilespmem:s10+$0x0] =	vst v35  }
0x87: {  	[tilespmem:s17+$0x0] =	vst v45;
	v35 =	vld.idx.msk [tilespmem:v11+s28+$0xFFFFFE00], $0xffff  }
0x88: {  	s20 =	sadd.s32 $0xA580, s6;
	[tilespmem:s5+$0x80] =	vst v43;
	v33 =	vld.idx.msk [tilespmem:v12+s28+$0x0], $0xffff  }
0x89: {  	s22 =	sor.u32 s1, s20;
	[tilespmem:s2+$0x80] =	vst v44;
	v46 =	vld.idx.msk [tilespmem:v2+s31+$0x0], $0xffff  }
0x8a: {  	s12 =	sor.u32 s14, s20;
	v36 =	vld.idx.msk [tilespmem:v2+s31+$0xFFFFFE00], $0xffff;
	[tilespmem:s22+$0x0] =	vst v32  }
0x8b: {  	s19 =	sadd.s32 $0x9600, s26;
	[tilespmem:s12+$0x0] =	vst v37;
	s12 =	sor.u32 s29, s9;
	v32 =	vld.idx.msk [tilespmem:v20+s8+$0x0], $0xffff  }
0x8c: {  	s21 =	sor.u32 s30, s19;
	v37 =	vld.idx.msk [tilespmem:v20+s8+$0xFFFFFE00], $0xffff;
	[tilespmem:s12+$0x0] =	vst v35  }
0x8d: {  	[tilespmem:s21+$0x0] =	vst v33;
	v35 =	vld.idx.msk [tilespmem:v12+s28+$0xFFFFFE00], $0xffff  }
0x8e: {  	s4 =	sadd.s32 $0xA600, s6;
	[tilespmem:s5+$0x100] =	vst v46;
	v33 =	vld.idx.msk [tilespmem:v13+s28+$0x0], $0xffff  }
0x8f: {  	s16 =	sor.u32 s1, s4;
	[tilespmem:s2+$0x100] =	vst v36;
	v34 =	vld.idx.msk [tilespmem:v3+s31+$0x0], $0xffff  }
0x90: {  	s10 =	sor.u32 s14, s4;
	v36 =	vld.idx.msk [tilespmem:v3+s31+$0xFFFFFE00], $0xffff;
	[tilespmem:s16+$0x0] =	vst v32  }
0x91: {  	s23 =	sadd.s32 $0x9680, s26;
	[tilespmem:s10+$0x0] =	vst v37;
	s10 =	sor.u32 s29, s19;
	v32 =	vld.idx.msk [tilespmem:v21+s8+$0x0], $0xffff  }
0x92: {  	s9 =	sor.u32 s30, s23;
	v37 =	vld.idx.msk [tilespmem:v21+s8+$0xFFFFFE00], $0xffff;
	[tilespmem:s10+$0x0] =	vst v35  }
0x93: {  	[tilespmem:s9+$0x0] =	vst v33;
	v35 =	vld.idx.msk [tilespmem:v13+s28+$0xFFFFFE00], $0xffff  }
0x94: {  	s18 =	sadd.s32 $0xA680, s6;
	[tilespmem:s5+$0x180] =	vst v34;
	v33 =	vld.idx.msk [tilespmem:v14+s28+$0x0], $0xffff  }
0x95: {  	s20 =	sor.u32 s1, s18;
	[tilespmem:s2+$0x180] =	vst v36;
	v34 =	vld.idx.msk [tilespmem:v4+s31+$0x0], $0xffff  }
0x96: {  	s12 =	sor.u32 s14, s18;
	v36 =	vld.idx.msk [tilespmem:v4+s31+$0xFFFFFE00], $0xffff;
	[tilespmem:s20+$0x0] =	vst v32  }
0x97: {  	s17 =	sadd.s32 $0x9700, s26;
	[tilespmem:s12+$0x0] =	vst v37;
	s12 =	sor.u32 s29, s23;
	v32 =	vld.idx.msk [tilespmem:v22+s8+$0x0], $0xffff  }
0x98: {  	s19 =	sor.u32 s30, s17;
	v37 =	vld.idx.msk [tilespmem:v22+s8+$0xFFFFFE00], $0xffff;
	[tilespmem:s12+$0x0] =	vst v35  }
0x99: {  	[tilespmem:s19+$0x0] =	vst v33;
	v35 =	vld.idx.msk [tilespmem:v14+s28+$0xFFFFFE00], $0xffff  }
0x9a: {  	s22 =	sadd.s32 $0xA700, s6;
	[tilespmem:s5+$0x200] =	vst v34;
	v33 =	vld.idx.msk [tilespmem:v15+s28+$0x0], $0xffff  }
0x9b: {  	s4 =	sor.u32 s1, s22;
	[tilespmem:s2+$0x200] =	vst v36;
	v34 =	vld.idx.msk [tilespmem:v5+s31+$0x0], $0xffff  }
0x9c: {  	s10 =	sor.u32 s14, s22;
	v36 =	vld.idx.msk [tilespmem:v5+s31+$0xFFFFFE00], $0xffff;
	[tilespmem:s4+$0x0] =	vst v32  }
0x9d: {  	s21 =	sadd.s32 $0x9780, s26;
	[tilespmem:s10+$0x0] =	vst v37;
	s10 =	sor.u32 s29, s17;
	v32 =	vld.idx.msk [tilespmem:v23+s8+$0x0], $0xffff  }
0x9e: {  	s23 =	sor.u32 s30, s21;
	v37 =	vld.idx.msk [tilespmem:v23+s8+$0xFFFFFE00], $0xffff;
	[tilespmem:s10+$0x0] =	vst v35  }
0x9f: {  	[tilespmem:s23+$0x0] =	vst v33;
	v35 =	vld.idx.msk [tilespmem:v15+s28+$0xFFFFFE00], $0xffff  }
0xa0: {  	s16 =	sadd.s32 $0xA780, s6;
	[tilespmem:s5+$0x280] =	vst v34;
	v33 =	vld.idx.msk [tilespmem:v16+s28+$0x0], $0xffff  }
0xa1: {  	s18 =	sor.u32 s1, s16;
	[tilespmem:s2+$0x280] =	vst v36;
	v34 =	vld.idx.msk [tilespmem:v6+s31+$0x0], $0xffff  }
0xa2: {  	s12 =	sor.u32 s14, s16;
	v36 =	vld.idx.msk [tilespmem:v6+s31+$0xFFFFFE00], $0xffff;
	[tilespmem:s18+$0x0] =	vst v32  }
0xa3: {  	s9 =	sadd.s32 $0xA400, s26;
	[tilespmem:s12+$0x0] =	vst v37;
	s12 =	sor.u32 s29, s21;
	v32 =	vld.idx.msk [tilespmem:v24+s8+$0x0], $0xffff  }
0xa4: {  	s16 =	sor.u32 s30, s9;
	v37 =	vld.idx.msk [tilespmem:v24+s8+$0xFFFFFE00], $0xffff;
	[tilespmem:s12+$0x0] =	vst v35  }
0xa5: {  	[tilespmem:s16+$0x0] =	vst v33;
	v35 =	vld.idx.msk [tilespmem:v16+s28+$0xFFFFFE00], $0xffff  }
0xa6: {  	s20 =	sadd.s32 $0xB400, s6;
	[tilespmem:s5+$0x300] =	vst v34;
	v33 =	vld.idx.msk [tilespmem:v17+s28+$0x0], $0xffff  }
0xa7: {  	s22 =	sor.u32 s1, s20;
	[tilespmem:s2+$0x300] =	vst v36;
	v34 =	vld.idx.msk [tilespmem:v7+s31+$0x0], $0xffff  }
0xa8: {  	s10 =	sor.u32 s14, s20;
	v36 =	vld.idx.msk [tilespmem:v7+s31+$0xFFFFFE00], $0xffff;
	[tilespmem:s22+$0x0] =	vst v32  }
0xa9: {  	[tilespmem:s10+$0x0] =	vst v37;
	v32 =	vld.idx.msk [tilespmem:v25+s8+$0x0], $0xffff  }
0xaa: {  	s17 =	sor.u32 s29, s9;
	s10 =	simm.s32 $0x1200;
	v37 =	vld.idx.msk [tilespmem:v25+s8+$0xFFFFFE00], $0xffff  }
0xab: {  	[tilespmem:s17+$0x0] =	vst v35;
	v47 =	vld.idx.msk [tilespmem:v0+s10+$0x0], $0xffff  }
0xac: {  	s20 =	sadd.s32 $0xA480, s26;
	[tilespmem:s5+$0x380] =	vst v34;
	v35 =	vld.idx.msk [tilespmem:v17+s28+$0xFFFFFE00], $0xffff  }
0xad: {  	s4 =	sadd.s32 $0xB480, s6;
	s23 =	sor.u32 s30, s20;
	[tilespmem:s2+$0x380] =	vst v36;
	v34 =	vld.idx.msk [tilespmem:v8+s31+$0x0], $0xffff  }
0xae: {  	s15 =	sor.u32 s1, s4;
	[tilespmem:s23+$0x0] =	vst v33;
	v36 =	vld.idx.msk [tilespmem:v8+s31+$0xFFFFFE00], $0xffff  }
0xaf: {  	s18 =	sor.u32 s14, s4;
	v33 =	vld.idx.msk [tilespmem:v18+s28+$0x0], $0xffff;
	[tilespmem:s15+$0x0] =	vst v32  }
0xb0: {  	s19 =	sadd.s32 $0xB500, s6;
	s22 =	sadd.s32 $0x9400, s0;
	s2 =	sor.u32 s29, s20;
	[tilespmem:s18+$0x0] =	vst v37;
	v32 =	vld.idx.msk [tilespmem:v26+s8+$0x0], $0xffff  }
0xb1: {  	s9 =	sor.u32 s14, s19;
	s4 =	sor.u32 s3, s22;
	v37 =	vld.idx.msk [tilespmem:v26+s8+$0xFFFFFE00], $0xffff;
	[tilespmem:s2+$0x0] =	vst v35  }
0xb2: {  	s21 =	sor.u32 s1, s19;
	s19 =	sadd.s32 $0xA500, s26;
	s12 =	sor.u32 s7, s22;
	[tilespmem:s4+$0x0] =	vst v34;
	v38 =	vld.idx.msk [tilespmem:v18+s28+$0xFFFFFE00], $0xffff  }
0xb3: {  	s17 =	sor.u32 s30, s19;
	[tilespmem:s12+$0x0] =	vst v36;
	v34 =	vld.idx.msk [tilespmem:v9+s31+$0x0], $0xffff  }
0xb4: {  	[tilespmem:s17+$0x0] =	vst v33;
	v49 =	vld.idx.msk [tilespmem:v9+s31+$0xFFFFFE00], $0xffff  }
0xb5: {  	s16 =	sadd.s32 $0x9480, s0;
	v48 =	vld.idx.msk [tilespmem:v0+s10+$0xFFFFFE00], $0xffff;
	[tilespmem:s21+$0x0] =	vst v32  }
0xb6: {  	s19 =	sor.u32 s29, s19;
	s20 =	sor.u32 s3, s16;
	v33 =	vld.idx.msk [tilespmem:v19+s28+$0x0], $0xffff;
	s21 =	simm.s32 $0x300;
	[tilespmem:s9+$0x0] =	vst v37  }
0xb7: {  	s16 =	sor.u32 s7, s16;
	s15 =	simm.s32 $0x70;
	v32 =	vld.idx.msk [tilespmem:v27+s8+$0x0], $0xffff;
	s13 =	sand.u32 $0xC00, s21;
	[tilespmem:s19+$0x0] =	vst v38  }
0xb8: {  	s18 =	simm.s32 $0x60;
	s22 =	sand.u32 $0x70, s15;
	v60 =	vld.idx.msk [tilespmem:v27+s8+$0xFFFFFE00], $0xffff;
	s9 =	sadd.s32 $0x8400, s13;
	[tilespmem:s20+$0x0] =	vst v34  }
0xb9: {  	s23 =	sand.u32 $0x60, s18;
	[tilespmem:s16+$0x0] =	vst v49;
	s2 =	sor.u32 s22, s9;
	v34 =	vld.idx.msk [tilespmem:v10+s31+$0x0], $0xffff  }
0xba: {  	s5 =	sadd.s32 $0xB580, s6;
	s12 =	sor.u32 s23, s9;
	v37 =	vld.idx.msk [tilespmem:v10+s31+$0xFFFFFE00], $0xffff;
	[tilespmem:s2+$0x0] =	vst v47  }
0xbb: {  	s4 =	sor.u32 s1, s5;
	s16 =	sadd.s32 $0xA580, s26;
	v38 =	vld.idx.msk [tilespmem:v19+s28+$0xFFFFFE00], $0xffff;
	[tilespmem:s12+$0x0] =	vst v48  }
0xbc: {  	s9 =	sor.u32 s30, s16;
	v50 =	vld.idx.msk [tilespmem:v1+s10+$0x0], $0xffff;
	[tilespmem:s4+$0x0] =	vst v32;
	s4 =	sadd.s32 $0x9500, s0  }
0xbd: {  	[tilespmem:s9+$0x0] =	vst v33;
	v51 =	vld.idx.msk [tilespmem:v1+s10+$0xFFFFFE00], $0xffff;
	s19 =	sor.u32 s3, s4  }
0xbe: {  	v32 =	vld.idx.msk [tilespmem:v28+s8+$0x0], $0xffff;
	s4 =	sor.u32 s7, s4;
	[tilespmem:s19+$0x0] =	vst v34  }
0xbf: {  	s9 =	sor.u32 s29, s16;
	[tilespmem:s4+$0x0] =	vst v37;
	v34 =	vld.idx.msk [tilespmem:v11+s31+$0x0], $0xffff  }
0xc0: {  	[tilespmem:s9+$0x0] =	vst v38;
	v37 =	vld.idx.msk [tilespmem:v11+s31+$0xFFFFFE00], $0xffff  }
0xc1: {  	s15 =	sadd.s32 $0xB600, s6;
	v52 =	vld.idx.msk [tilespmem:v20+s28+$0xFFFFFE00], $0xffff;
	[tilespmem:s2+$0x80] =	vst v50  }
0xc2: {  	s20 =	sor.u32 s1, s15;
	s4 =	sadd.s32 $0x9580, s0;
	[tilespmem:s12+$0x80] =	vst v51;
	v35 =	vld.idx.msk [tilespmem:v2+s10+$0x0], $0xffff  }
0xc3: {  	s9 =	sor.u32 s3, s4;
	v36 =	vld.idx.msk [tilespmem:v2+s10+$0xFFFFFE00], $0xffff;
	[tilespmem:s20+$0x0] =	vst v32  }
0xc4: {  	s17 =	sadd.s32 $0xA600, s26;
	s4 =	sor.u32 s7, s4;
	v32 =	vld.idx.msk [tilespmem:v29+s8+$0x0], $0xffff;
	[tilespmem:s9+$0x0] =	vst v34  }
0xc5: {  	v33 =	vld.idx.msk [tilespmem:v20+s28+$0x0], $0xffff;
	s9 =	sor.u32 s29, s17;
	[tilespmem:s4+$0x0] =	vst v37  }
0xc6: {  	v55 =	vld.idx.msk [tilespmem:v12+s31+$0x0], $0xffff;
	[tilespmem:s9+$0x0] =	vst v52  }
0xc7: {  	s16 =	sadd.s32 $0xB680, s6;
	v37 =	vld.idx.msk [tilespmem:v12+s31+$0xFFFFFE00], $0xffff;
	[tilespmem:s2+$0x100] =	vst v35  }
0xc8: {  	s19 =	sor.u32 s1, s16;
	[tilespmem:s12+$0x100] =	vst v36;
	v56 =	vld.idx.msk [tilespmem:v3+s10+$0x0], $0xffff  }
0xc9: {  	s20 =	sadd.s32 $0x9600, s0;
	v57 =	vld.idx.msk [tilespmem:v3+s10+$0xFFFFFE00], $0xffff;
	[tilespmem:s19+$0x0] =	vst v32;
	s19 =	sor.u32 s30, s17  }
0xca: {  	s9 =	sor.u32 s3, s20;
	[tilespmem:s19+$0x0] =	vst v33;
	v53 =	vld.idx.msk [tilespmem:v30+s8+$0x0], $0xffff  }
0xcb: {  	v54 =	vld.idx.msk [tilespmem:v21+s28+$0x0], $0xffff;
	[tilespmem:s9+$0x0] =	vst v55;
	s9 =	sor.u32 s7, s20  }
0xcc: {  	v32 =	vld.idx.msk [tilespmem:v21+s28+$0xFFFFFE00], $0xffff;
	[tilespmem:s9+$0x0] =	vst v37  }
0xcd: {  	s17 =	sadd.s32 $0xB700, s6;
	v35 =	vld.idx.msk [tilespmem:v13+s31+$0x0], $0xffff;
	[tilespmem:s2+$0x180] =	vst v56  }
0xce: {  	s19 =	sadd.s32 $0xA680, s26;
	s4 =	sor.u32 s1, s17;
	[tilespmem:s12+$0x180] =	vst v57;
	v36 =	vld.idx.msk [tilespmem:v4+s10+$0x0], $0xffff  }
0xcf: {  	v58 =	vld.idx.msk [tilespmem:v4+s10+$0xFFFFFE00], $0xffff;
	[tilespmem:s4+$0x0] =	vst v53;
	s4 =	sor.u32 s30, s19  }
0xd0: {  	s19 =	sor.u32 s29, s19;
	[tilespmem:s4+$0x0] =	vst v54;
	v33 =	vld.idx.msk [tilespmem:v31+s8+$0x0], $0xffff  }
0xd1: {  	[tilespmem:s19+$0x0] =	vst v32;
	s19 =	sor.u32 s14, s5;
	v34 =	vld.idx.msk [tilespmem:v22+s28+$0x0], $0xffff  }
0xd2: {  	v32 =	vld.idx.msk [tilespmem:v22+s28+$0xFFFFFE00], $0xffff;
	[tilespmem:s19+$0x0] =	vst v60  }
0xd3: {  	s6 =	sadd.s32 $0xB780, s6;
	v59 =	vld.idx.msk [tilespmem:v13+s31+$0xFFFFFE00], $0xffff;
	[tilespmem:s2+$0x200] =	vst v36  }
0xd4: {  	s1 =	sor.u32 s1, s6;
	s4 =	sadd.s32 $0xA700, s26;
	[tilespmem:s12+$0x200] =	vst v58;
	v36 =	vld.idx.msk [tilespmem:v5+s10+$0x0], $0xffff  }
0xd5: {  	s20 =	sor.u32 s30, s4;
	v37 =	vld.idx.msk [tilespmem:v5+s10+$0xFFFFFE00], $0xffff;
	[tilespmem:s1+$0x0] =	vst v33  }
0xd6: {  	s4 =	sor.u32 s29, s4;
	s1 =	sadd.s32 $0x9680, s0;
	v33 =	vld.idx.msk [tilespmem:v28+s8+$0xFFFFFE00], $0xffff;
	[tilespmem:s20+$0x0] =	vst v34  }
0xd7: {  	s9 =	sor.u32 s3, s1;
	[tilespmem:s4+$0x0] =	vst v32;
	v34 =	vld.idx.msk [tilespmem:v23+s28+$0x0], $0xffff  }
0xd8: {  	s1 =	sor.u32 s7, s1;
	[tilespmem:s9+$0x0] =	vst v35;
	v32 =	vld.idx.msk [tilespmem:v23+s28+$0xFFFFFE00], $0xffff  }
0xd9: {  	[tilespmem:s1+$0x0] =	vst v59;
	v35 =	vld.idx.msk [tilespmem:v14+s31+$0x0], $0xffff  }
0xda: {  	v38 =	vld.idx.msk [tilespmem:v14+s31+$0xFFFFFE00], $0xffff;
	[tilespmem:s2+$0x280] =	vst v36  }
0xdb: {  	s5 =	sor.u32 s14, s15;
	s4 =	sadd.s32 $0xA780, s26;
	[tilespmem:s12+$0x280] =	vst v37;
	v36 =	vld.idx.msk [tilespmem:v6+s10+$0x0], $0xffff  }
0xdc: {  	s9 =	sor.u32 s30, s4;
	v37 =	vld.idx.msk [tilespmem:v6+s10+$0xFFFFFE00], $0xffff;
	[tilespmem:s5+$0x0] =	vst v33  }
0xdd: {  	s20 =	sadd.s32 $0x9700, s0;
	s4 =	sor.u32 s29, s4;
	v33 =	vld.idx.msk [tilespmem:v29+s8+$0xFFFFFE00], $0xffff;
	[tilespmem:s9+$0x0] =	vst v34  }
0xde: {  	s19 =	sor.u32 s3, s20;
	[tilespmem:s4+$0x0] =	vst v32;
	v34 =	vld.idx.msk [tilespmem:v24+s28+$0x0], $0xffff  }
0xdf: {  	s20 =	sor.u32 s7, s20;
	[tilespmem:s19+$0x0] =	vst v35;
	v32 =	vld.idx.msk [tilespmem:v24+s28+$0xFFFFFE00], $0xffff  }
0xe0: {  	[tilespmem:s20+$0x0] =	vst v38;
	v35 =	vld.idx.msk [tilespmem:v15+s31+$0x0], $0xffff  }
0xe1: {  	s9 =	sadd.s32 $0xB400, s26;
	v38 =	vld.idx.msk [tilespmem:v15+s31+$0xFFFFFE00], $0xffff;
	[tilespmem:s2+$0x300] =	vst v36  }
0xe2: {  	s19 =	sor.u32 s30, s9;
	s4 =	sor.u32 s29, s9;
	s9 =	sor.u32 s14, s16;
	[tilespmem:s12+$0x300] =	vst v37;
	v36 =	vld.idx.msk [tilespmem:v7+s10+$0x0], $0xffff  }
0xe3: {  	s15 =	sadd.s32 $0x9780, s0;
	v37 =	vld.idx.msk [tilespmem:v7+s10+$0xFFFFFE00], $0xffff;
	[tilespmem:s9+$0x0] =	vst v33  }
0xe4: {  	s20 =	sor.u32 s3, s15;
	v61 =	vld.idx.msk [tilespmem:v30+s8+$0xFFFFFE00], $0xffff;
	[tilespmem:s19+$0x0] =	vst v34  }
0xe5: {  	[tilespmem:s20+$0x0] =	vst v35;
	v34 =	vld.idx.msk [tilespmem:v25+s28+$0x0], $0xffff  }
0xe6: {  	s5 =	sor.u32 s7, s15;
	[tilespmem:s4+$0x0] =	vst v32;
	v35 =	vld.idx.msk [tilespmem:v16+s31+$0x0], $0xffff  }
0xe7: {  	[tilespmem:s5+$0x0] =	vst v38;
	v32 =	vld.idx.msk [tilespmem:v25+s28+$0xFFFFFE00], $0xffff  }
0xe8: {  	s15 =	sadd.s32 $0xB480, s26;
	v38 =	vld.idx.msk [tilespmem:v16+s31+$0xFFFFFE00], $0xffff;
	[tilespmem:s2+$0x380] =	vst v36  }
0xe9: {  	s16 =	sadd.s32 $0xA400, s0;
	s19 =	sor.u32 s30, s15;
	[tilespmem:s12+$0x380] =	vst v37;
	v63 =	vld.idx.msk [tilespmem:v8+s10+$0x0], $0xffff  }
0xea: {  	s20 =	sor.u32 s3, s16;
	v40 =	vld.idx.msk [tilespmem:v8+s10+$0xFFFFFE00], $0xffff;
	[tilespmem:s19+$0x0] =	vst v34  }
0xeb: {  	s9 =	sor.u32 s14, s17;
	[tilespmem:s20+$0x0] =	vst v35;
	v39 =	vld.idx.msk [tilespmem:v26+s28+$0x0], $0xffff  }
0xec: {  	s2 =	sor.u32 s7, s16;
	[tilespmem:s9+$0x0] =	vst v61;
	v62 =	vld.idx.msk [tilespmem:v17+s31+$0x0], $0xffff  }
0xed: {  	s17 =	sadd.s32 $0x9400, s13;
	s5 =	sor.u32 s29, s15;
	v34 =	vld.idx.msk [tilespmem:v31+s8+$0xFFFFFE00], $0xffff;
	[tilespmem:s2+$0x0] =	vst v38  }
0xee: {  	s12 =	sadd.s32 $0xB500, s26;
	[tilespmem:s5+$0x0] =	vst v32;
	s20 =	sor.u32 s22, s17;
	v35 =	vld.idx.msk [tilespmem:v17+s31+$0xFFFFFE00], $0xffff  }
0xef: {  	s15 =	sadd.s32 $0xA480, s0;
	s16 =	sor.u32 s30, s12;
	v33 =	vld.idx.msk [tilespmem:v26+s28+$0xFFFFFE00], $0xffff;
	[tilespmem:s20+$0x0] =	vst v63  }
0xf0: {  	s19 =	sor.u32 s3, s15;
	v37 =	vld.idx.msk [tilespmem:v9+s10+$0x0], $0xffff;
	[tilespmem:s16+$0x0] =	vst v39  }
0xf1: {  	s1 =	sor.u32 s14, s6;
	s5 =	sor.u32 s23, s17;
	[tilespmem:s19+$0x0] =	vst v62;
	v32 =	vld.idx.msk [tilespmem:v27+s28+$0x0], $0xffff  }
0xf2: {  	s6 =	simm.s32 $0x1600;
	s8 =	sor.u32 s29, s12;
	s2 =	sor.u32 s7, s15;
	[tilespmem:s5+$0x0] =	vst v40;
	v36 =	vld.idx.msk [tilespmem:v18+s31+$0x0], $0xffff  }
.LBB2_3:
0xf3: {  	v38 =	vld.idx.msk [tilespmem:v0+s6+$0x0], $0xffff;
	[tilespmem:s2+$0x0] =	vst v35;
	s4 =	smov.u32 s18;
	s18 =	sadd.s32 $0x20, s18  }
0xf4: {  	s21 =	sadd.s32 $0x100, s21;
	s5 =	sadd.s32 $0xB580, s26;
	s2 =	sand.u32 $0x60, s18;
	v35 =	vld.idx.msk [tilespmem:v0+s6+$0xFFFFFE00], $0xffff;
	[tilespmem:s8+$0x0] =	vst v33  }
0xf5: {  	s12 =	sadd.s32 $0xA500, s0;
	s4 =	sadd.s32 $0x30, s4;
	s8 =	sor.u32 s30, s5;
	v33 =	vld.idx.msk [tilespmem:v9+s10+$0xFFFFFE00], $0xffff;
	[tilespmem:s1+$0x0] =	vst v34  }
0xf6: {  	s20 =	sand.u32 $0xC00, s21;
	s14 =	sor.u32 s3, s12;
	s1 =	sadd.s32 $0x9480, s13;
	v34 =	vld.idx.msk [tilespmem:v18+s31+$0xFFFFFE00], $0xffff;
	[tilespmem:s8+$0x0] =	vst v32  }
0xf7: {  	s16 =	sadd.s32 $0x8400, s20;
	s15 =	sand.u32 $0x70, s4;
	s4 =	sor.u32 s22, s1;
	[tilespmem:s14+$0x0] =	vst v36;
	v32 =	vld.idx.msk [tilespmem:v28+s28+$0x0], $0xffff  }
0xf8: {  	s8 =	sor.u32 s2, s16;
	s1 =	sor.u32 s23, s1;
	s14 =	sor.u32 s15, s16;
	[tilespmem:s4+$0x0] =	vst v37;
	v36 =	vld.idx.msk [tilespmem:v19+s31+$0x0], $0xffff  }
0xf9: {  	p1 =	slt.u32 s18, $0x1E0;
	s5 =	sor.u32 s29, s5;
	s4 =	sor.u32 s7, s12;
	[tilespmem:s14+$0x0] =	vst v38;
	v37 =	vld.idx.msk [tilespmem:v10+s10+$0x0], $0xffff  }
0xfa: {  	[tilespmem:s8+$0x0] =	vst v35;
	v35 =	vld.idx.msk [tilespmem:v1+s6+$0x0], $0xffff  }
0xfb: {  	v38 =	vld.idx.msk [tilespmem:v1+s6+$0xFFFFFE00], $0xffff;
	[tilespmem:s1+$0x0] =	vst v33;
	s1 =	sadd.s32 $0xB600, s26  }
0xfc: {  	v33 =	vld.idx.msk [tilespmem:v10+s10+$0xFFFFFE00], $0xffff;
	[tilespmem:s4+$0x0] =	vst v34;
	s4 =	sadd.s32 $0xA580, s0;
	s16 =	sor.u32 s29, s1;
	s1 =	sor.u32 s30, s1  }
0xfd: {  	s12 =	sadd.s32 $0x9500, s13;
	v34 =	vld.idx.msk [tilespmem:v19+s31+$0xFFFFFE00], $0xffff;
	s17 =	sor.u32 s7, s4;
	s4 =	sor.u32 s3, s4;
	[tilespmem:s1+$0x0] =	vst v32  }
0xfe: {  	s1 =	sor.u32 s23, s12;
	s12 =	sor.u32 s22, s12;
	[tilespmem:s4+$0x0] =	vst v36;
	v32 =	vld.idx.msk [tilespmem:v29+s28+$0x0], $0xffff  }
0xff: {  	[tilespmem:s12+$0x0] =	vst v37;
	v36 =	vld.idx.msk [tilespmem:v20+s31+$0x0], $0xffff  }
0x100: {  	[tilespmem:s14+$0x80] =	vst v35;
	v35 =	vld.idx.msk [tilespmem:v11+s10+$0x0], $0xffff  }
0x101: {  	[tilespmem:s8+$0x80] =	vst v38;
	v37 =	vld.idx.msk [tilespmem:v2+s6+$0x0], $0xffff  }
0x102: {  	v38 =	vld.idx.msk [tilespmem:v2+s6+$0xFFFFFE00], $0xffff;
	[tilespmem:s1+$0x0] =	vst v33;
	s1 =	sadd.s32 $0xB680, s26  }
0x103: {  	s4 =	sadd.s32 $0xA600, s0;
	v33 =	vld.idx.msk [tilespmem:v11+s10+$0xFFFFFE00], $0xffff;
	[tilespmem:s17+$0x0] =	vst v34;
	s17 =	sor.u32 s29, s1;
	s1 =	sor.u32 s30, s1  }
0x104: {  	s12 =	sadd.s32 $0x9580, s13;
	s19 =	sor.u32 s7, s4;
	s4 =	sor.u32 s3, s4;
	v34 =	vld.idx.msk [tilespmem:v20+s31+$0xFFFFFE00], $0xffff;
	[tilespmem:s1+$0x0] =	vst v32  }
0x105: {  	s1 =	sor.u32 s23, s12;
	s12 =	sor.u32 s22, s12;
	[tilespmem:s4+$0x0] =	vst v36;
	v32 =	vld.idx.msk [tilespmem:v30+s28+$0x0], $0xffff  }
0x106: {  	[tilespmem:s12+$0x0] =	vst v35;
	v35 =	vld.idx.msk [tilespmem:v21+s31+$0x0], $0xffff  }
0x107: {  	[tilespmem:s14+$0x100] =	vst v37;
	v36 =	vld.idx.msk [tilespmem:v12+s10+$0x0], $0xffff  }
0x108: {  	[tilespmem:s8+$0x100] =	vst v38;
	v37 =	vld.idx.msk [tilespmem:v3+s6+$0x0], $0xffff  }
0x109: {  	v38 =	vld.idx.msk [tilespmem:v3+s6+$0xFFFFFE00], $0xffff;
	[tilespmem:s1+$0x0] =	vst v33;
	s1 =	sadd.s32 $0xB700, s26  }
0x10a: {  	s4 =	sadd.s32 $0xA680, s0;
	v33 =	vld.idx.msk [tilespmem:v12+s10+$0xFFFFFE00], $0xffff;
	[tilespmem:s19+$0x0] =	vst v34;
	s12 =	sor.u32 s29, s1;
	s1 =	sor.u32 s30, s1  }
0x10b: {  	s9 =	sor.u32 s7, s4;
	s4 =	sor.u32 s3, s4;
	s19 =	sadd.s32 $0x9600, s13;
	v34 =	vld.idx.msk [tilespmem:v21+s31+$0xFFFFFE00], $0xffff;
	[tilespmem:s1+$0x0] =	vst v32  }
0x10c: {  	s1 =	sor.u32 s23, s19;
	s19 =	sor.u32 s22, s19;
	[tilespmem:s4+$0x0] =	vst v35;
	v32 =	vld.idx.msk [tilespmem:v31+s28+$0x0], $0xffff  }
0x10d: {  	[tilespmem:s19+$0x0] =	vst v36;
	v35 =	vld.idx.msk [tilespmem:v22+s31+$0x0], $0xffff  }
0x10e: {  	[tilespmem:s14+$0x180] =	vst v37;
	v36 =	vld.idx.msk [tilespmem:v13+s10+$0x0], $0xffff  }
0x10f: {  	[tilespmem:s8+$0x180] =	vst v38;
	v37 =	vld.idx.msk [tilespmem:v4+s6+$0x0], $0xffff  }
0x110: {  	s4 =	sadd.s32 $0xB780, s26;
	s26 =	smov.u32 s0;
	s0 =	smov.u32 s13;
	v38 =	vld.idx.msk [tilespmem:v4+s6+$0xFFFFFE00], $0xffff;
	[tilespmem:s1+$0x0] =	vst v33  }
0x111: {  	s1 =	sor.u32 s29, s4;
	s4 =	sor.u32 s30, s4;
	v33 =	vld.idx.msk [tilespmem:v13+s10+$0xFFFFFE00], $0xffff;
	[tilespmem:s9+$0x0] =	vst v34;
	s9 =	sadd.s32 $0xA700, s26  }
0x112: {  	s13 =	sadd.s32 $0x9680, s0;
	v34 =	vld.idx.msk [tilespmem:v22+s31+$0xFFFFFE00], $0xffff;
	s19 =	sor.u32 s7, s9;
	s9 =	sor.u32 s3, s9;
	[tilespmem:s4+$0x0] =	vst v32  }
0x113: {  	s29 =	smov.u32 s7;
	s4 =	sor.u32 s23, s13;
	s13 =	sor.u32 s22, s13;
	[tilespmem:s9+$0x0] =	vst v35;
	v32 =	vld.idx.msk [tilespmem:v27+s28+$0xFFFFFE00], $0xffff  }
0x114: {  	s7 =	smov.u32 s23;
	s23 =	smov.u32 s2;
	[tilespmem:s13+$0x0] =	vst v36;
	v35 =	vld.idx.msk [tilespmem:v23+s31+$0x0], $0xffff;
	s13 =	smov.u32 s20  }
0x115: {  	s30 =	smov.u32 s3;
	s3 =	smov.u32 s22;
	s22 =	smov.u32 s15;
	[tilespmem:s14+$0x200] =	vst v37;
	v36 =	vld.idx.msk [tilespmem:v14+s10+$0x0], $0xffff  }
0x116: {  	[tilespmem:s8+$0x200] =	vst v38;
	v37 =	vld.idx.msk [tilespmem:v5+s6+$0x0], $0xffff  }
0x117: {  	v38 =	vld.idx.msk [tilespmem:v5+s6+$0xFFFFFE00], $0xffff;
	[tilespmem:s4+$0x0] =	vst v33  }
0x118: {  	s2 =	sadd.s32 $0xA780, s26;
	v33 =	vld.idx.msk [tilespmem:v14+s10+$0xFFFFFE00], $0xffff;
	[tilespmem:s19+$0x0] =	vst v34  }
0x119: {  	s9 =	sor.u32 s29, s2;
	s2 =	sor.u32 s30, s2;
	s4 =	sadd.s32 $0x9700, s0;
	v34 =	vld.idx.msk [tilespmem:v23+s31+$0xFFFFFE00], $0xffff;
	[tilespmem:s5+$0x0] =	vst v32  }
0x11a: {  	s5 =	sor.u32 s7, s4;
	s4 =	sor.u32 s3, s4;
	[tilespmem:s2+$0x0] =	vst v35;
	v32 =	vld.idx.msk [tilespmem:v28+s28+$0xFFFFFE00], $0xffff  }
0x11b: {  	[tilespmem:s4+$0x0] =	vst v36;
	v35 =	vld.idx.msk [tilespmem:v24+s31+$0x0], $0xffff  }
0x11c: {  	[tilespmem:s14+$0x280] =	vst v37;
	v36 =	vld.idx.msk [tilespmem:v15+s10+$0x0], $0xffff  }
0x11d: {  	[tilespmem:s8+$0x280] =	vst v38;
	v37 =	vld.idx.msk [tilespmem:v6+s6+$0x0], $0xffff  }
0x11e: {  	v38 =	vld.idx.msk [tilespmem:v6+s6+$0xFFFFFE00], $0xffff;
	[tilespmem:s5+$0x0] =	vst v33  }
0x11f: {  	s2 =	sadd.s32 $0xB400, s26;
	v33 =	vld.idx.msk [tilespmem:v15+s10+$0xFFFFFE00], $0xffff;
	[tilespmem:s9+$0x0] =	vst v34  }
0x120: {  	s4 =	sadd.s32 $0x9780, s0;
	s5 =	sor.u32 s29, s2;
	s2 =	sor.u32 s30, s2;
	v34 =	vld.idx.msk [tilespmem:v24+s31+$0xFFFFFE00], $0xffff;
	[tilespmem:s16+$0x0] =	vst v32  }
0x121: {  	s9 =	sor.u32 s7, s4;
	s4 =	sor.u32 s3, s4;
	[tilespmem:s2+$0x0] =	vst v35;
	v32 =	vld.idx.msk [tilespmem:v29+s28+$0xFFFFFE00], $0xffff  }
0x122: {  	[tilespmem:s4+$0x0] =	vst v36;
	v35 =	vld.idx.msk [tilespmem:v25+s31+$0x0], $0xffff  }
0x123: {  	[tilespmem:s14+$0x300] =	vst v37;
	v36 =	vld.idx.msk [tilespmem:v16+s10+$0x0], $0xffff  }
0x124: {  	[tilespmem:s8+$0x300] =	vst v38;
	v37 =	vld.idx.msk [tilespmem:v7+s6+$0x0], $0xffff  }
0x125: {  	v38 =	vld.idx.msk [tilespmem:v7+s6+$0xFFFFFE00], $0xffff;
	[tilespmem:s9+$0x0] =	vst v33  }
0x126: {  	s2 =	sadd.s32 $0xB480, s26;
	v33 =	vld.idx.msk [tilespmem:v16+s10+$0xFFFFFE00], $0xffff;
	[tilespmem:s5+$0x0] =	vst v34  }
0x127: {  	s4 =	sadd.s32 $0xA400, s0;
	s5 =	sor.u32 s29, s2;
	s2 =	sor.u32 s30, s2;
	v34 =	vld.idx.msk [tilespmem:v25+s31+$0xFFFFFE00], $0xffff;
	[tilespmem:s17+$0x0] =	vst v32  }
0x128: {  	s9 =	sor.u32 s7, s4;
	s4 =	sor.u32 s3, s4;
	[tilespmem:s2+$0x0] =	vst v35;
	v32 =	vld.idx.msk [tilespmem:v30+s28+$0xFFFFFE00], $0xffff  }
0x129: {  	[tilespmem:s4+$0x0] =	vst v36;
	v36 =	vld.idx.msk [tilespmem:v26+s31+$0x0], $0xffff  }
0x12a: {  	[tilespmem:s14+$0x380] =	vst v37;
	v37 =	vld.idx.msk [tilespmem:v17+s10+$0x0], $0xffff  }
0x12b: {  	[tilespmem:s8+$0x380] =	vst v38;
	v38 =	vld.idx.msk [tilespmem:v8+s6+$0x0], $0xffff  }
0x12c: {  	v39 =	vld.idx.msk [tilespmem:v8+s6+$0xFFFFFE00], $0xffff;
	[tilespmem:s9+$0x0] =	vst v33  }
0x12d: {  	s2 =	sadd.s32 $0xB500, s26;
	s4 =	sadd.s32 $0xA480, s0;
	v35 =	vld.idx.msk [tilespmem:v17+s10+$0xFFFFFE00], $0xffff;
	[tilespmem:s5+$0x0] =	vst v34  }
.Ltmp0:
0x12e: {  	s8 =	sor.u32 s29, s2;
	s5 =	sor.u32 s30, s2;
	v33 =	vld.idx.msk [tilespmem:v26+s31+$0xFFFFFE00], $0xffff;
	[tilespmem:s12+$0x0] =	vst v32;
	(pc) =	sbr.rel @p1 .LBB2_3-.Ltmp0, $4  }
0x12f: {  	s9 =	sadd.s32 $0x9400, s13;
	s2 =	sor.u32 s7, s4;
	s4 =	sor.u32 s3, s4;
	[tilespmem:s5+$0x0] =	vst v36;
	v34 =	vld.idx.msk [tilespmem:v31+s28+$0xFFFFFE00], $0xffff  }
0x130: {  	s5 =	sor.u32 s23, s9;
	s9 =	sor.u32 s22, s9;
	s28 =	smov.u32 s31;
	[tilespmem:s4+$0x0] =	vst v37;
	v32 =	vld.idx.msk [tilespmem:v27+s31+$0x0], $0xffff  }
0x131: {  	s31 =	smov.u32 s10;
	[tilespmem:s9+$0x0] =	vst v38;
	v36 =	vld.idx.msk [tilespmem:v18+s10+$0x0], $0xffff;
	s10 =	smov.u32 s6  }
0x132: {  	s6 =	sadd.s32 $0x400, s6;
	[tilespmem:s5+$0x0] =	vst v39;
	v37 =	vld.idx.msk [tilespmem:v9+s10+$0x0], $0xffff  }
0x133: {  	_ =	sdelay $0x3  }
0x134: {  	v38 =	vld.idx.msk [tilespmem:v9+s10+$0xFFFFFE00], $0xffff;
	_ =	sdelay $0x1  }
0x135: {  	s4 =	sadd.s32 $0x9480, s13  }
0x136: {  	s5 =	sor.u32 s22, s4  }
0x137: {  	s4 =	sor.u32 s23, s4;
	[tilespmem:s5+$0x0] =	vst v37  }
0x138: {  	v37 =	vld.idx.msk [tilespmem:v10+s10+$0x0], $0xffff;
	[tilespmem:s4+$0x0] =	vst v38  }
0x139: {  	v38 =	vld.idx.msk [tilespmem:v10+s10+$0xFFFFFE00], $0xffff;
	_ =	sdelay $0x1  }
0x13a: {  	s18 =	sadd.s32 $0x9500, s13  }
0x13b: {  	s19 =	sor.u32 s22, s18  }
0x13c: {  	s4 =	sor.u32 s23, s18;
	[tilespmem:s19+$0x0] =	vst v37  }
0x13d: {  	v37 =	vld.idx.msk [tilespmem:v11+s10+$0x0], $0xffff;
	[tilespmem:s4+$0x0] =	vst v38  }
0x13e: {  	v38 =	vld.idx.msk [tilespmem:v11+s10+$0xFFFFFE00], $0xffff;
	_ =	sdelay $0x1  }
0x13f: {  	s20 =	sadd.s32 $0x9580, s13  }
0x140: {  	s21 =	sor.u32 s22, s20  }
0x141: {  	s4 =	sor.u32 s23, s20;
	[tilespmem:s21+$0x0] =	vst v37  }
0x142: {  	v37 =	vld.idx.msk [tilespmem:v12+s10+$0x0], $0xffff;
	[tilespmem:s4+$0x0] =	vst v38  }
0x143: {  	v38 =	vld.idx.msk [tilespmem:v12+s10+$0xFFFFFE00], $0xffff;
	_ =	sdelay $0x1  }
0x144: {  	s6 =	sadd.s32 $0x9600, s13  }
0x145: {  	s9 =	sor.u32 s22, s6  }
0x146: {  	s4 =	sor.u32 s23, s6;
	[tilespmem:s9+$0x0] =	vst v37  }
0x147: {  	v37 =	vld.idx.msk [tilespmem:v13+s10+$0x0], $0xffff;
	[tilespmem:s4+$0x0] =	vst v38  }
0x148: {  	v38 =	vld.idx.msk [tilespmem:v13+s10+$0xFFFFFE00], $0xffff;
	_ =	sdelay $0x1  }
0x149: {  	s12 =	sadd.s32 $0x9680, s13  }
0x14a: {  	s14 =	sor.u32 s22, s12  }
0x14b: {  	s4 =	sor.u32 s23, s12;
	[tilespmem:s14+$0x0] =	vst v37  }
0x14c: {  	v37 =	vld.idx.msk [tilespmem:v14+s10+$0x0], $0xffff;
	[tilespmem:s4+$0x0] =	vst v38  }
0x14d: {  	v38 =	vld.idx.msk [tilespmem:v14+s10+$0xFFFFFE00], $0xffff;
	_ =	sdelay $0x1  }
0x14e: {  	s15 =	sadd.s32 $0x9700, s13  }
0x14f: {  	s16 =	sor.u32 s22, s15  }
0x150: {  	s4 =	sor.u32 s23, s15;
	[tilespmem:s16+$0x0] =	vst v37  }
0x151: {  	v37 =	vld.idx.msk [tilespmem:v15+s10+$0x0], $0xffff;
	[tilespmem:s4+$0x0] =	vst v38  }
0x152: {  	v38 =	vld.idx.msk [tilespmem:v15+s10+$0xFFFFFE00], $0xffff;
	_ =	sdelay $0x1  }
0x153: {  	s17 =	sadd.s32 $0x9780, s13  }
0x154: {  	s18 =	sor.u32 s22, s17  }
0x155: {  	s4 =	sor.u32 s23, s17;
	[tilespmem:s18+$0x0] =	vst v37  }
0x156: {  	v37 =	vld.idx.msk [tilespmem:v16+s10+$0x0], $0xffff;
	[tilespmem:s4+$0x0] =	vst v38  }
0x157: {  	v38 =	vld.idx.msk [tilespmem:v16+s10+$0xFFFFFE00], $0xffff;
	_ =	sdelay $0x1  }
0x158: {  	[tilespmem:s2+$0x0] =	vst v35;
	s19 =	sadd.s32 $0xA400, s13  }
0x159: {  	v35 =	vld.idx.msk [tilespmem:v18+s31+$0xFFFFFE00], $0xffff;
	s20 =	sor.u32 s22, s19  }
0x15a: {  	s4 =	sor.u32 s23, s19;
	[tilespmem:s20+$0x0] =	vst v37  }
0x15b: {  	v37 =	vld.idx.msk [tilespmem:v17+s10+$0x0], $0xffff;
	[tilespmem:s4+$0x0] =	vst v38  }
0x15c: {  	s6 =	sadd.s32 $0xA500, s0;
	v38 =	vld.idx.msk [tilespmem:v17+s10+$0xFFFFFE00], $0xffff  }
0x15d: {  	s2 =	sor.u32 s7, s6  }
0x15e: {  	s21 =	sadd.s32 $0xA480, s13;
	[tilespmem:s2+$0x0] =	vst v35  }
0x15f: {  	s5 =	sor.u32 s22, s21;
	v35 =	vld.idx.msk [tilespmem:v19+s31+$0xFFFFFE00], $0xffff  }
0x160: {  	s4 =	sor.u32 s23, s21;
	[tilespmem:s5+$0x0] =	vst v37  }
0x161: {  	v37 =	vld.idx.msk [tilespmem:v18+s10+$0x0], $0xffff;
	[tilespmem:s4+$0x0] =	vst v38  }
0x162: {  	s9 =	sor.u32 s3, s6;
	s16 =	sadd.s32 $0xA580, s0;
	v38 =	vld.idx.msk [tilespmem:v18+s10+$0xFFFFFE00], $0xffff  }
0x163: {  	[tilespmem:s9+$0x0] =	vst v36;
	s2 =	sor.u32 s7, s16  }
0x164: {  	s12 =	sadd.s32 $0xA500, s13;
	v36 =	vld.idx.msk [tilespmem:v19+s31+$0x0], $0xffff;
	[tilespmem:s2+$0x0] =	vst v35  }
0x165: {  	s14 =	sor.u32 s22, s12;
	v35 =	vld.idx.msk [tilespmem:v20+s31+$0xFFFFFE00], $0xffff  }
0x166: {  	s15 =	sor.u32 s23, s12;
	[tilespmem:s14+$0x0] =	vst v37  }
0x167: {  	v37 =	vld.idx.msk [tilespmem:v19+s10+$0x0], $0xffff;
	[tilespmem:s15+$0x0] =	vst v38  }
0x168: {  	s17 =	sor.u32 s3, s16;
	s20 =	sadd.s32 $0xA600, s0;
	v38 =	vld.idx.msk [tilespmem:v19+s10+$0xFFFFFE00], $0xffff  }
0x169: {  	[tilespmem:s17+$0x0] =	vst v36;
	s2 =	sor.u32 s7, s20  }
0x16a: {  	v36 =	vld.idx.msk [tilespmem:v20+s31+$0x0], $0xffff;
	s18 =	sadd.s32 $0xA580, s13;
	[tilespmem:s2+$0x0] =	vst v35  }
0x16b: {  	s19 =	sor.u32 s22, s18;
	v35 =	vld.idx.msk [tilespmem:v21+s31+$0xFFFFFE00], $0xffff  }
0x16c: {  	s4 =	sor.u32 s23, s18;
	[tilespmem:s19+$0x0] =	vst v37  }
0x16d: {  	v37 =	vld.idx.msk [tilespmem:v20+s10+$0x0], $0xffff;
	[tilespmem:s4+$0x0] =	vst v38  }
0x16e: {  	s9 =	sadd.s32 $0xA680, s0;
	s21 =	sor.u32 s3, s20;
	v38 =	vld.idx.msk [tilespmem:v20+s10+$0xFFFFFE00], $0xffff  }
0x16f: {  	[tilespmem:s21+$0x0] =	vst v36;
	s2 =	sor.u32 s7, s9  }
0x170: {  	v36 =	vld.idx.msk [tilespmem:v21+s31+$0x0], $0xffff;
	s5 =	sadd.s32 $0xA600, s13;
	[tilespmem:s2+$0x0] =	vst v35  }
0x171: {  	s6 =	sor.u32 s22, s5;
	v35 =	vld.idx.msk [tilespmem:v22+s31+$0xFFFFFE00], $0xffff  }
0x172: {  	s4 =	sor.u32 s23, s5;
	[tilespmem:s6+$0x0] =	vst v37  }
0x173: {  	v37 =	vld.idx.msk [tilespmem:v21+s10+$0x0], $0xffff;
	[tilespmem:s4+$0x0] =	vst v38  }
0x174: {  	s12 =	sor.u32 s3, s9;
	s16 =	sadd.s32 $0xA700, s0;
	v38 =	vld.idx.msk [tilespmem:v21+s10+$0xFFFFFE00], $0xffff  }
0x175: {  	[tilespmem:s12+$0x0] =	vst v36;
	s2 =	sor.u32 s7, s16  }
0x176: {  	v36 =	vld.idx.msk [tilespmem:v22+s31+$0x0], $0xffff;
	s14 =	sadd.s32 $0xA680, s13;
	[tilespmem:s2+$0x0] =	vst v35  }
0x177: {  	s15 =	sor.u32 s22, s14;
	v35 =	vld.idx.msk [tilespmem:v23+s31+$0xFFFFFE00], $0xffff  }
0x178: {  	s4 =	sor.u32 s23, s14;
	[tilespmem:s15+$0x0] =	vst v37  }
0x179: {  	v37 =	vld.idx.msk [tilespmem:v22+s10+$0x0], $0xffff;
	[tilespmem:s4+$0x0] =	vst v38  }
0x17a: {  	s17 =	sor.u32 s3, s16;
	s20 =	sadd.s32 $0xA780, s0;
	v38 =	vld.idx.msk [tilespmem:v22+s10+$0xFFFFFE00], $0xffff  }
0x17b: {  	[tilespmem:s17+$0x0] =	vst v36;
	s2 =	sor.u32 s7, s20  }
0x17c: {  	s18 =	sadd.s32 $0xA700, s13;
	v36 =	vld.idx.msk [tilespmem:v23+s31+$0x0], $0xffff;
	[tilespmem:s2+$0x0] =	vst v35  }
0x17d: {  	s19 =	sor.u32 s22, s18;
	v35 =	vld.idx.msk [tilespmem:v24+s31+$0xFFFFFE00], $0xffff  }
0x17e: {  	s4 =	sor.u32 s23, s18;
	[tilespmem:s19+$0x0] =	vst v37  }
0x17f: {  	v37 =	vld.idx.msk [tilespmem:v23+s10+$0x0], $0xffff;
	[tilespmem:s4+$0x0] =	vst v38  }
0x180: {  	s21 =	sor.u32 s3, s20;
	s9 =	sadd.s32 $0xB400, s0;
	v38 =	vld.idx.msk [tilespmem:v23+s10+$0xFFFFFE00], $0xffff  }
0x181: {  	[tilespmem:s21+$0x0] =	vst v36;
	s2 =	sor.u32 s7, s9  }
0x182: {  	s5 =	sadd.s32 $0xA780, s13;
	v36 =	vld.idx.msk [tilespmem:v24+s31+$0x0], $0xffff;
	[tilespmem:s2+$0x0] =	vst v35  }
0x183: {  	s6 =	sor.u32 s22, s5;
	v35 =	vld.idx.msk [tilespmem:v25+s31+$0xFFFFFE00], $0xffff  }
0x184: {  	s4 =	sor.u32 s23, s5;
	[tilespmem:s6+$0x0] =	vst v37  }
0x185: {  	v37 =	vld.idx.msk [tilespmem:v24+s10+$0x0], $0xffff;
	[tilespmem:s4+$0x0] =	vst v38  }
0x186: {  	s12 =	sor.u32 s3, s9;
	s16 =	sadd.s32 $0xB480, s0;
	v38 =	vld.idx.msk [tilespmem:v24+s10+$0xFFFFFE00], $0xffff  }
0x187: {  	[tilespmem:s12+$0x0] =	vst v36;
	s2 =	sor.u32 s7, s16  }
0x188: {  	s14 =	sadd.s32 $0xB400, s13;
	v36 =	vld.idx.msk [tilespmem:v25+s31+$0x0], $0xffff;
	[tilespmem:s2+$0x0] =	vst v35  }
0x189: {  	s15 =	sor.u32 s22, s14;
	v59 =	vld.idx.msk [tilespmem:v26+s31+$0xFFFFFE00], $0xffff  }
0x18a: {  	s4 =	sor.u32 s23, s14;
	[tilespmem:s15+$0x0] =	vst v37  }
0x18b: {  	v37 =	vld.idx.msk [tilespmem:v25+s10+$0x0], $0xffff;
	[tilespmem:s4+$0x0] =	vst v38  }
0x18c: {  	s17 =	sor.u32 s3, s16;
	s21 =	sadd.s32 $0xB500, s0;
	v38 =	vld.idx.msk [tilespmem:v25+s10+$0xFFFFFE00], $0xffff  }
0x18d: {  	[tilespmem:s17+$0x0] =	vst v36;
	s2 =	sor.u32 s7, s21  }
0x18e: {  	s18 =	sadd.s32 $0xB480, s13;
	v58 =	vld.idx.msk [tilespmem:v26+s31+$0x0], $0xffff;
	[tilespmem:s2+$0x0] =	vst v59  }
0x18f: {  	[tilespmem:s8+$0x0] =	vst v33;
	s19 =	sor.u32 s22, s18;
	v36 =	vld.idx.msk [tilespmem:v27+s31+$0xFFFFFE00], $0xffff  }
0x190: {  	s20 =	sor.u32 s23, s18;
	[tilespmem:s19+$0x0] =	vst v37  }
0x191: {  	[tilespmem:s20+$0x0] =	vst v38;
	v37 =	vld.idx.msk [tilespmem:v26+s10+$0x0], $0xffff  }
0x192: {  	[tilespmem:s1+$0x0] =	vst v34;
	s14 =	sadd.s32 $0xB580, s0;
	s4 =	sor.u32 s3, s21;
	v60 =	vld.idx.msk [tilespmem:v26+s10+$0xFFFFFE00], $0xffff  }
0x193: {  	s8 =	sadd.s32 $0xB580, s26;
	v61 =	vld.idx.msk [tilespmem:v27+s28+$0xFFFFFE00], $0xffff;
	s16 =	sor.u32 s7, s14;
	[tilespmem:s4+$0x0] =	vst v58  }
0x194: {  	s9 =	sor.u32 s30, s8;
	s5 =	sadd.s32 $0xB500, s13;
	[tilespmem:s16+$0x0] =	vst v36;
	v35 =	vld.idx.msk [tilespmem:v27+s31+$0x0], $0xffff  }
0x195: {  	[tilespmem:s9+$0x0] =	vst v32;
	s6 =	sor.u32 s22, s5;
	v36 =	vld.idx.msk [tilespmem:v28+s31+$0xFFFFFE00], $0xffff  }
0x196: {  	v63 =	vld.idx.msk [tilespmem:v28+s28+$0x0], $0xffff;
	s1 =	sor.u32 s23, s5;
	[tilespmem:s6+$0x0] =	vst v37  }
0x197: {  	s12 =	sor.u32 s29, s8;
	v37 =	vld.idx.msk [tilespmem:v27+s10+$0x0], $0xffff;
	[tilespmem:s1+$0x0] =	vst v60  }
0x198: {  	[tilespmem:s12+$0x0] =	vst v61;
	s5 =	sadd.s32 $0xB600, s0;
	s15 =	sor.u32 s3, s14;
	v62 =	vld.idx.msk [tilespmem:v27+s10+$0xFFFFFE00], $0xffff  }
0x199: {  	v34 =	vld.idx.msk [tilespmem:v28+s28+$0xFFFFFE00], $0xffff;
	s2 =	sor.u32 s7, s5;
	s19 =	sadd.s32 $0xB600, s26;
	[tilespmem:s15+$0x0] =	vst v35  }
0x19a: {  	s17 =	sadd.s32 $0xB580, s13;
	[tilespmem:s2+$0x0] =	vst v36;
	s21 =	sor.u32 s30, s19;
	v35 =	vld.idx.msk [tilespmem:v28+s31+$0x0], $0xffff  }
0x19b: {  	s18 =	sor.u32 s22, s17;
	v36 =	vld.idx.msk [tilespmem:v29+s31+$0xFFFFFE00], $0xffff;
	[tilespmem:s21+$0x0] =	vst v63  }
0x19c: {  	s20 =	sor.u32 s23, s17;
	v33 =	vld.idx.msk [tilespmem:v29+s28+$0x0], $0xffff;
	[tilespmem:s18+$0x0] =	vst v37  }
0x19d: {  	s4 =	sor.u32 s29, s19;
	v37 =	vld.idx.msk [tilespmem:v28+s10+$0x0], $0xffff;
	[tilespmem:s20+$0x0] =	vst v62  }
0x19e: {  	s16 =	sadd.s32 $0xB680, s0;
	[tilespmem:s4+$0x0] =	vst v34;
	s6 =	sor.u32 s3, s5;
	v32 =	vld.idx.msk [tilespmem:v28+s10+$0xFFFFFE00], $0xffff  }
0x19f: {  	s12 =	sadd.s32 $0xB680, s26;
	s2 =	sor.u32 s7, s16;
	v34 =	vld.idx.msk [tilespmem:v29+s28+$0xFFFFFE00], $0xffff;
	[tilespmem:s6+$0x0] =	vst v35  }
0x1a0: {  	s8 =	sadd.s32 $0xB600, s13;
	s14 =	sor.u32 s30, s12;
	[tilespmem:s2+$0x0] =	vst v36;
	v35 =	vld.idx.msk [tilespmem:v29+s31+$0x0], $0xffff  }
0x1a1: {  	s9 =	sor.u32 s22, s8;
	v36 =	vld.idx.msk [tilespmem:v30+s31+$0xFFFFFE00], $0xffff;
	[tilespmem:s14+$0x0] =	vst v33  }
0x1a2: {  	s1 =	sor.u32 s23, s8;
	v33 =	vld.idx.msk [tilespmem:v30+s28+$0x0], $0xffff;
	[tilespmem:s9+$0x0] =	vst v37  }
0x1a3: {  	s15 =	sor.u32 s29, s12;
	v37 =	vld.idx.msk [tilespmem:v29+s10+$0x0], $0xffff;
	[tilespmem:s1+$0x0] =	vst v32  }
0x1a4: {  	s17 =	sor.u32 s3, s16;
	[tilespmem:s15+$0x0] =	vst v34;
	s6 =	sadd.s32 $0xB700, s0;
	v32 =	vld.idx.msk [tilespmem:v29+s10+$0xFFFFFE00], $0xffff  }
0x1a5: {  	v34 =	vld.idx.msk [tilespmem:v30+s28+$0xFFFFFE00], $0xffff;
	s2 =	sor.u32 s7, s6;
	s20 =	sadd.s32 $0xB700, s26;
	[tilespmem:s17+$0x0] =	vst v35  }
0x1a6: {  	[tilespmem:s2+$0x0] =	vst v36;
	s18 =	sadd.s32 $0xB680, s13;
	s21 =	sor.u32 s30, s20;
	v35 =	vld.idx.msk [tilespmem:v30+s31+$0x0], $0xffff  }
0x1a7: {  	v36 =	vld.idx.msk [tilespmem:v31+s31+$0xFFFFFE00], $0xffff;
	s19 =	sor.u32 s22, s18;
	[tilespmem:s21+$0x0] =	vst v33  }
0x1a8: {  	v33 =	vld.idx.msk [tilespmem:v31+s28+$0x0], $0xffff;
	s1 =	sor.u32 s23, s18;
	[tilespmem:s19+$0x0] =	vst v37  }
0x1a9: {  	s5 =	sor.u32 s29, s20;
	v37 =	vld.idx.msk [tilespmem:v30+s10+$0x0], $0xffff;
	[tilespmem:s1+$0x0] =	vst v32  }
0x1aa: {  	s8 =	sor.u32 s3, s6;
	s17 =	sadd.s32 $0xB780, s0;
	[tilespmem:s5+$0x0] =	vst v34;
	v32 =	vld.idx.msk [tilespmem:v30+s10+$0xFFFFFE00], $0xffff  }
0x1ab: {  	s14 =	sadd.s32 $0xB780, s26;
	s0 =	sor.u32 s7, s17;
	v34 =	vld.idx.msk [tilespmem:v31+s28+$0xFFFFFE00], $0xffff;
	[tilespmem:s8+$0x0] =	vst v35  }
0x1ac: {  	s15 =	sor.u32 s30, s14;
	[tilespmem:s0+$0x0] =	vst v36;
	s9 =	sadd.s32 $0xB700, s13;
	v35 =	vld.idx.msk [tilespmem:v31+s31+$0x0], $0xffff  }
0x1ad: {  	s12 =	sor.u32 s22, s9;
	[tilespmem:s15+$0x0] =	vst v33  }
0x1ae: {  	s1 =	sor.u32 s23, s9;
	[tilespmem:s12+$0x0] =	vst v37  }
0x1af: {  	s16 =	sor.u32 s29, s14;
	v37 =	vld.idx.msk [tilespmem:v31+s10+$0x0], $0xffff;
	[tilespmem:s1+$0x0] =	vst v32  }
0x1b0: {  	s18 =	sor.u32 s3, s17;
	[tilespmem:s16+$0x0] =	vst v34;
	v32 =	vld.idx.msk [tilespmem:v31+s10+$0xFFFFFE00], $0xffff  }
0x1b1: {  	p1 =	sne.s32 s24, $0x18;
	s20 =	sshll.u32 s24, $0x14;
	s19 =	sadd.s32 $0xB780, s13;
	[tilespmem:s18+$0x0] =	vst v35  }
.Ltmp1:
0x1b2: {  	s21 =	sor.u32 s22, s19;
	s22 =	rddreg [dreg:$0x8];
	(pc) =	sbr.rel @p1 .LBB2_6-.Ltmp1, $4  }
0x1b3: {  	s29 =	simm.s32 $0x1000;
	s2 =	sor.u32 s22, s20  }
0x1b4: {  	s28 =	rddreg [dreg:$0x1];
	s1 =	sor.u32 s23, s19;
	s26 =	sshrl.u32 s2, $0x3;
	[tilespmem:s21+$0x0] =	vst v37  }
0x1b5: {  	s30 =	simm.s32 $0x20000;
	s31 =	simm.s32 $0x8400;
	s0 =	sadd.s32 s28, s26;
	[tilespmem:s1+$0x0] =	vst v32  }
0x1b6: {  	[hbm4b:s0+s29] =	stream.strided.scatter [tilespmem:s31], [sflag:$0x3], $0x4000, s30, s29, $0x38;
	[tilespmem:$0x10400] =	vst v63  }
.Ltmp2:
0x1b7: {  	(pc) =	sbr.rel .LBB2_7-.Ltmp2, $4  }
0x1b8: {  	s0 =	simm.s32 $0x2  }
0x1b9: {  	_ =	swait.ge [sflag:s0], $0x4000  }
0x1ba: {  	[sflag:s0] =	ssyncset.done $0x0  }
0x1bb: {  	[sflag:s0] =	ssyncadd.s32 $0xFFFFC000  }
.LBB2_6:
0x1bc: {  	s0 =	sshll.u32 s24, $0xF;
	s1 =	rddreg [dreg:$0x7]  }
0x1bd: {  	s0 =	sadd.s32 s1, s0  }
0x1be: {  	s28 =	rddreg [dreg:$0x4];
	s0 =	sshrl.u32 s0, $0x3  }
0x1bf: {  	s29 =	simm.s32 $0x0;
	s0 =	sadd.s32 s28, s0  }
0x1c0: {  	[tilespmem:s29], [sflag:$0x5] =	stream.linear.gather [hbm4b:s0+s29], $0x200, $0x38;
	[tilespmem:$0x10400] =	vst v63  }
0x1c1: {  	s2 =	simm.s32 $0x200;
	_ =	swait.ge [sflag:s11], $0x200  }
0x1c2: {  	s3 =	simm.s32 $0x400;
	s31 =	simm.s32 $0x2;
	[sflag:s11] =	ssyncset.done $0x0  }
.Ltmp3:
0x1c3: {  	s30 =	rddreg [dreg:$0x3];
	[sflag:s11] =	ssyncadd.s32 $0xFFFFFE00;
	(pc) =	sbr.rel @p0 .LBB2_8-.Ltmp3, $4  }
0x1c4: {  	[tilespmem:s3], [sflag:$0x1] =	stream.indirect.gather [hbm4b:s30+s2], $0x20, s29, s2, $0xb8;
	[tilespmem:$0x10400] =	vst v63  }
0x1c5: {  	_ =	swait.ge [sflag:s31], $0x4000  }
0x1c6: {  	[sflag:s31] =	ssyncset.done $0x0  }
0x1c7: {  	[sflag:s31] =	ssyncadd.s32 $0xFFFFC000  }
.LBB2_7:
0x1c8: {  	s0 =	simm.s32 $0x4  }
0x1c9: {  	_ =	swait.ge [sflag:s0], $0x4000  }
0x1ca: {  	[sflag:s0] =	ssyncset.done $0x0  }
0x1cb: {  	[sflag:s0] =	ssyncadd.s32 $0xFFFFC000  }
.LBB2_8:
0x1cc: {  	_ =	sdelay $0x2  }
0x1cd: {  	s8 =	simm.s32 $0x4600  }
0x1ce: {  	v32 =	vld.idx.msk [tilespmem:v0+s8+$0x0], $0xffff  }
0x1cf: {  	s0 =	simm.s32 $0x0;
	v33 =	vld.idx.msk [tilespmem:v0+s8+$0xFFFFFE00], $0xffff  }
0x1d0: {  	s1 =	simm.s32 $0x10;
	s6 =	sand.u32 $0xC00, s0  }
0x1d1: {  	s3 =	simm.s32 $0x0;
	s1 =	sand.u32 $0x70, s1;
	s0 =	sadd.s32 $0xC400, s6  }
0x1d2: {  	s14 =	sand.u32 $0x60, s3;
	s2 =	sor.u32 s1, s0  }
0x1d3: {  	s0 =	sor.u32 s14, s0;
	[tilespmem:s2+$0x0] =	vst v32  }
0x1d4: {  	[tilespmem:s0+$0x0] =	vst v33;
	v32 =	vld.idx.msk [tilespmem:v1+s8+$0x0], $0xffff  }
0x1d5: {  	v33 =	vld.idx.msk [tilespmem:v1+s8+$0xFFFFFE00], $0xffff;
	_ =	sdelay $0x3  }
0x1d6: {  	[tilespmem:s2+$0x80] =	vst v32  }
0x1d7: {  	[tilespmem:s0+$0x80] =	vst v33;
	v32 =	vld.idx.msk [tilespmem:v2+s8+$0x0], $0xffff  }
0x1d8: {  	v33 =	vld.idx.msk [tilespmem:v2+s8+$0xFFFFFE00], $0xffff;
	_ =	sdelay $0x3  }
0x1d9: {  	[tilespmem:s2+$0x100] =	vst v32  }
0x1da: {  	[tilespmem:s0+$0x100] =	vst v33;
	v32 =	vld.idx.msk [tilespmem:v3+s8+$0x0], $0xffff  }
0x1db: {  	v33 =	vld.idx.msk [tilespmem:v3+s8+$0xFFFFFE00], $0xffff;
	_ =	sdelay $0x3  }
0x1dc: {  	[tilespmem:s2+$0x180] =	vst v32  }
0x1dd: {  	[tilespmem:s0+$0x180] =	vst v33;
	v32 =	vld.idx.msk [tilespmem:v4+s8+$0x0], $0xffff  }
0x1de: {  	v33 =	vld.idx.msk [tilespmem:v4+s8+$0xFFFFFE00], $0xffff;
	_ =	sdelay $0x3  }
0x1df: {  	[tilespmem:s2+$0x200] =	vst v32  }
0x1e0: {  	[tilespmem:s0+$0x200] =	vst v33;
	v32 =	vld.idx.msk [tilespmem:v5+s8+$0x0], $0xffff  }
0x1e1: {  	v33 =	vld.idx.msk [tilespmem:v5+s8+$0xFFFFFE00], $0xffff;
	_ =	sdelay $0x3  }
0x1e2: {  	[tilespmem:s2+$0x280] =	vst v32  }
0x1e3: {  	[tilespmem:s0+$0x280] =	vst v33;
	v32 =	vld.idx.msk [tilespmem:v6+s8+$0x0], $0xffff  }
0x1e4: {  	v33 =	vld.idx.msk [tilespmem:v6+s8+$0xFFFFFE00], $0xffff;
	_ =	sdelay $0x3  }
0x1e5: {  	[tilespmem:s2+$0x300] =	vst v32  }
0x1e6: {  	[tilespmem:s0+$0x300] =	vst v33;
	v32 =	vld.idx.msk [tilespmem:v7+s8+$0x0], $0xffff  }
0x1e7: {  	v33 =	vld.idx.msk [tilespmem:v7+s8+$0xFFFFFE00], $0xffff;
	_ =	sdelay $0x2  }
0x1e8: {  	s28 =	simm.s32 $0x4A00  }
0x1e9: {  	v42 =	vld.idx.msk [tilespmem:v0+s28+$0xFFFFFE00], $0xffff;
	[tilespmem:s2+$0x380] =	vst v32  }
0x1ea: {  	s17 =	simm.s32 $0x100;
	[tilespmem:s0+$0x380] =	vst v33;
	v32 =	vld.idx.msk [tilespmem:v8+s8+$0x0], $0xffff  }
0x1eb: {  	s18 =	simm.s32 $0x30;
	s20 =	simm.s32 $0x20;
	s26 =	sand.u32 $0xC00, s17;
	v33 =	vld.idx.msk [tilespmem:v8+s8+$0xFFFFFE00], $0xffff  }
0x1ec: {  	s30 =	sand.u32 $0x70, s18;
	s29 =	sand.u32 $0x60, s20;
	s2 =	sadd.s32 $0xC400, s26  }
0x1ed: {  	s13 =	sadd.s32 $0xD400, s6;
	s0 =	sor.u32 s30, s2;
	s2 =	sor.u32 s29, s2  }
0x1ee: {  	v34 =	vld.idx.msk [tilespmem:v0+s28+$0x0], $0xffff;
	s15 =	sor.u32 s1, s13;
	[tilespmem:s2+$0x0] =	vst v42  }
0x1ef: {  	s16 =	sor.u32 s14, s13;
	[tilespmem:s15+$0x0] =	vst v32  }
0x1f0: {  	[tilespmem:s16+$0x0] =	vst v33;
	v33 =	vld.idx.msk [tilespmem:v1+s28+$0xFFFFFE00], $0xffff  }
0x1f1: {  	v32 =	vld.idx.msk [tilespmem:v9+s8+$0x0], $0xffff  }
0x1f2: {  	v35 =	vld.idx.msk [tilespmem:v9+s8+$0xFFFFFE00], $0xffff  }
0x1f3: {  	[tilespmem:s0+$0x0] =	vst v34  }
0x1f4: {  	s4 =	sadd.s32 $0xD480, s6;
	v34 =	vld.idx.msk [tilespmem:v1+s28+$0x0], $0xffff  }
0x1f5: {  	s19 =	sor.u32 s1, s4;
	[tilespmem:s2+$0x80] =	vst v33  }
0x1f6: {  	s21 =	sor.u32 s14, s4;
	[tilespmem:s19+$0x0] =	vst v32;
	v33 =	vld.idx.msk [tilespmem:v2+s28+$0xFFFFFE00], $0xffff  }
0x1f7: {  	[tilespmem:s21+$0x0] =	vst v35;
	v32 =	vld.idx.msk [tilespmem:v10+s8+$0x0], $0xffff  }
0x1f8: {  	v35 =	vld.idx.msk [tilespmem:v10+s8+$0xFFFFFE00], $0xffff  }
0x1f9: {  	[tilespmem:s0+$0x80] =	vst v34  }
0x1fa: {  	s22 =	sadd.s32 $0xD500, s6;
	v34 =	vld.idx.msk [tilespmem:v2+s28+$0x0], $0xffff  }
0x1fb: {  	s23 =	sor.u32 s1, s22;
	[tilespmem:s2+$0x100] =	vst v33  }
0x1fc: {  	s5 =	sor.u32 s14, s22;
	[tilespmem:s23+$0x0] =	vst v32;
	v33 =	vld.idx.msk [tilespmem:v3+s28+$0xFFFFFE00], $0xffff  }
0x1fd: {  	[tilespmem:s5+$0x0] =	vst v35;
	v32 =	vld.idx.msk [tilespmem:v11+s8+$0x0], $0xffff  }
0x1fe: {  	v35 =	vld.idx.msk [tilespmem:v11+s8+$0xFFFFFE00], $0xffff  }
0x1ff: {  	[tilespmem:s0+$0x100] =	vst v34  }
0x200: {  	s7 =	sadd.s32 $0xD580, s6;
	v34 =	vld.idx.msk [tilespmem:v3+s28+$0x0], $0xffff  }
0x201: {  	s9 =	sor.u32 s1, s7;
	[tilespmem:s2+$0x180] =	vst v33  }
0x202: {  	s10 =	sor.u32 s14, s7;
	[tilespmem:s9+$0x0] =	vst v32;
	v33 =	vld.idx.msk [tilespmem:v4+s28+$0xFFFFFE00], $0xffff  }
0x203: {  	[tilespmem:s10+$0x0] =	vst v35;
	v32 =	vld.idx.msk [tilespmem:v12+s8+$0x0], $0xffff  }
0x204: {  	v35 =	vld.idx.msk [tilespmem:v12+s8+$0xFFFFFE00], $0xffff  }
0x205: {  	[tilespmem:s0+$0x180] =	vst v34  }
0x206: {  	s12 =	sadd.s32 $0xD600, s6;
	v34 =	vld.idx.msk [tilespmem:v4+s28+$0x0], $0xffff  }
0x207: {  	s13 =	sor.u32 s1, s12;
	[tilespmem:s2+$0x200] =	vst v33  }
0x208: {  	s15 =	sor.u32 s14, s12;
	[tilespmem:s13+$0x0] =	vst v32;
	v33 =	vld.idx.msk [tilespmem:v5+s28+$0xFFFFFE00], $0xffff  }
0x209: {  	[tilespmem:s15+$0x0] =	vst v35;
	v32 =	vld.idx.msk [tilespmem:v13+s8+$0x0], $0xffff  }
0x20a: {  	v35 =	vld.idx.msk [tilespmem:v13+s8+$0xFFFFFE00], $0xffff  }
0x20b: {  	[tilespmem:s0+$0x200] =	vst v34  }
0x20c: {  	s16 =	sadd.s32 $0xD680, s6;
	v34 =	vld.idx.msk [tilespmem:v5+s28+$0x0], $0xffff  }
0x20d: {  	s17 =	sor.u32 s1, s16;
	[tilespmem:s2+$0x280] =	vst v33  }
0x20e: {  	s18 =	sor.u32 s14, s16;
	[tilespmem:s17+$0x0] =	vst v32;
	v33 =	vld.idx.msk [tilespmem:v6+s28+$0xFFFFFE00], $0xffff  }
0x20f: {  	[tilespmem:s18+$0x0] =	vst v35;
	v32 =	vld.idx.msk [tilespmem:v14+s8+$0x0], $0xffff  }
0x210: {  	v35 =	vld.idx.msk [tilespmem:v14+s8+$0xFFFFFE00], $0xffff  }
0x211: {  	[tilespmem:s0+$0x280] =	vst v34  }
0x212: {  	s19 =	sadd.s32 $0xD700, s6;
	v34 =	vld.idx.msk [tilespmem:v6+s28+$0x0], $0xffff  }
0x213: {  	s20 =	sor.u32 s1, s19;
	[tilespmem:s2+$0x300] =	vst v33  }
0x214: {  	s21 =	sor.u32 s14, s19;
	[tilespmem:s20+$0x0] =	vst v32;
	v33 =	vld.idx.msk [tilespmem:v7+s28+$0xFFFFFE00], $0xffff  }
0x215: {  	[tilespmem:s21+$0x0] =	vst v35;
	v32 =	vld.idx.msk [tilespmem:v15+s8+$0x0], $0xffff  }
0x216: {  	v35 =	vld.idx.msk [tilespmem:v15+s8+$0xFFFFFE00], $0xffff  }
0x217: {  	[tilespmem:s0+$0x300] =	vst v34  }
0x218: {  	s22 =	sadd.s32 $0xD780, s6;
	v34 =	vld.idx.msk [tilespmem:v7+s28+$0x0], $0xffff  }
0x219: {  	s23 =	sor.u32 s1, s22;
	[tilespmem:s2+$0x380] =	vst v33  }
0x21a: {  	s4 =	sor.u32 s14, s22;
	[tilespmem:s23+$0x0] =	vst v32;
	v33 =	vld.idx.msk [tilespmem:v8+s28+$0xFFFFFE00], $0xffff  }
0x21b: {  	[tilespmem:s4+$0x0] =	vst v35;
	v32 =	vld.idx.msk [tilespmem:v16+s8+$0x0], $0xffff  }
0x21c: {  	v35 =	vld.idx.msk [tilespmem:v16+s8+$0xFFFFFE00], $0xffff  }
0x21d: {  	s12 =	sadd.s32 $0xD400, s26;
	[tilespmem:s0+$0x380] =	vst v34  }
0x21e: {  	s3 =	sor.u32 s29, s12;
	s5 =	sadd.s32 $0xE400, s6;
	s0 =	simm.s32 $0x4E00;
	v34 =	vld.idx.msk [tilespmem:v8+s28+$0x0], $0xffff  }
0x21f: {  	s7 =	sor.u32 s1, s5;
	v36 =	vld.idx.msk [tilespmem:v0+s0+$0x0], $0xffff;
	[tilespmem:s3+$0x0] =	vst v33  }
0x220: {  	s9 =	sor.u32 s14, s5;
	s10 =	sadd.s32 $0xE480, s6;
	s17 =	simm.s32 $0x200;
	[tilespmem:s7+$0x0] =	vst v32;
	v44 =	vld.idx.msk [tilespmem:v9+s28+$0xFFFFFE00], $0xffff  }
0x221: {  	s5 =	simm.s32 $0x50;
	s13 =	sor.u32 s1, s10;
	s31 =	sand.u32 $0xC00, s17;
	[tilespmem:s9+$0x0] =	vst v35;
	v32 =	vld.idx.msk [tilespmem:v17+s8+$0x0], $0xffff  }
0x222: {  	s15 =	sor.u32 s30, s12;
	s12 =	sadd.s32 $0xC400, s31;
	s3 =	sand.u32 $0x70, s5;
	v35 =	vld.idx.msk [tilespmem:v17+s8+$0xFFFFFE00], $0xffff  }
0x223: {  	s2 =	sor.u32 s14, s10;
	s10 =	sadd.s32 $0xD480, s26;
	[tilespmem:s15+$0x0] =	vst v34;
	s5 =	sor.u32 s3, s12  }
0x224: {  	s19 =	sor.u32 s29, s10;
	v34 =	vld.idx.msk [tilespmem:v9+s28+$0x0], $0xffff;
	[tilespmem:s5+$0x0] =	vst v36  }
0x225: {  	v43 =	vld.idx.msk [tilespmem:v0+s0+$0xFFFFFE00], $0xffff;
	[tilespmem:s19+$0x0] =	vst v44  }
0x226: {  	v45 =	vld.idx.msk [tilespmem:v1+s0+$0x0], $0xffff;
	[tilespmem:s13+$0x0] =	vst v32  }
0x227: {  	s16 =	simm.s32 $0x40;
	[tilespmem:s2+$0x0] =	vst v35;
	v35 =	vld.idx.msk [tilespmem:v10+s28+$0xFFFFFE00], $0xffff  }
0x228: {  	s7 =	sand.u32 $0x60, s16;
	s13 =	sor.u32 s30, s10;
	v32 =	vld.idx.msk [tilespmem:v18+s8+$0x0], $0xffff  }
0x229: {  	s2 =	sor.u32 s7, s12;
	v37 =	vld.idx.msk [tilespmem:v18+s8+$0xFFFFFE00], $0xffff;
	[tilespmem:s13+$0x0] =	vst v34  }
0x22a: {  	[tilespmem:s2+$0x0] =	vst v43;
	v34 =	vld.idx.msk [tilespmem:v10+s28+$0x0], $0xffff  }
0x22b: {  	s9 =	sadd.s32 $0xE500, s6;
	s10 =	simm.s32 $0x5200;
	v46 =	vld.idx.msk [tilespmem:v1+s0+$0xFFFFFE00], $0xffff  }
0x22c: {  	s18 =	sor.u32 s1, s9;
	[tilespmem:s5+$0x80] =	vst v45;
	v49 =	vld.idx.msk [tilespmem:v0+s10+$0x0], $0xffff  }
0x22d: {  	s21 =	sadd.s32 $0xD500, s26;
	s9 =	sor.u32 s14, s9;
	v48 =	vld.idx.msk [tilespmem:v2+s0+$0x0], $0xffff;
	[tilespmem:s18+$0x0] =	vst v32  }
0x22e: {  	s23 =	sor.u32 s30, s21;
	[tilespmem:s9+$0x0] =	vst v37;
	v32 =	vld.idx.msk [tilespmem:v19+s8+$0x0], $0xffff  }
0x22f: {  	v37 =	vld.idx.msk [tilespmem:v19+s8+$0xFFFFFE00], $0xffff;
	[tilespmem:s23+$0x0] =	vst v34  }
0x230: {  	s9 =	sor.u32 s29, s21;
	[tilespmem:s2+$0x80] =	vst v46;
	v47 =	vld.idx.msk [tilespmem:v11+s28+$0x0], $0xffff  }
0x231: {  	s20 =	sadd.s32 $0xE580, s6;
	[tilespmem:s9+$0x0] =	vst v35;
	v36 =	vld.idx.msk [tilespmem:v2+s0+$0xFFFFFE00], $0xffff  }
0x232: {  	s22 =	sor.u32 s1, s20;
	[tilespmem:s5+$0x100] =	vst v48;
	v35 =	vld.idx.msk [tilespmem:v11+s28+$0xFFFFFE00], $0xffff  }
0x233: {  	s4 =	sor.u32 s14, s20;
	s15 =	sadd.s32 $0xD580, s26;
	v34 =	vld.idx.msk [tilespmem:v3+s0+$0x0], $0xffff;
	[tilespmem:s22+$0x0] =	vst v32  }
0x234: {  	s17 =	sor.u32 s30, s15;
	[tilespmem:s4+$0x0] =	vst v37;
	v32 =	vld.idx.msk [tilespmem:v20+s8+$0x0], $0xffff  }
0x235: {  	v37 =	vld.idx.msk [tilespmem:v20+s8+$0xFFFFFE00], $0xffff;
	[tilespmem:s17+$0x0] =	vst v47  }
0x236: {  	s4 =	sor.u32 s29, s15;
	[tilespmem:s2+$0x100] =	vst v36;
	v33 =	vld.idx.msk [tilespmem:v12+s28+$0x0], $0xffff  }
0x237: {  	s13 =	sadd.s32 $0xE600, s6;
	[tilespmem:s4+$0x0] =	vst v35;
	v36 =	vld.idx.msk [tilespmem:v3+s0+$0xFFFFFE00], $0xffff  }
0x238: {  	s16 =	sor.u32 s1, s13;
	[tilespmem:s5+$0x180] =	vst v34;
	v35 =	vld.idx.msk [tilespmem:v12+s28+$0xFFFFFE00], $0xffff  }
0x239: {  	s19 =	sadd.s32 $0xD600, s26;
	s9 =	sor.u32 s14, s13;
	v34 =	vld.idx.msk [tilespmem:v4+s0+$0x0], $0xffff;
	[tilespmem:s16+$0x0] =	vst v32  }
0x23a: {  	s21 =	sor.u32 s30, s19;
	[tilespmem:s9+$0x0] =	vst v37;
	v32 =	vld.idx.msk [tilespmem:v21+s8+$0x0], $0xffff  }
0x23b: {  	v37 =	vld.idx.msk [tilespmem:v21+s8+$0xFFFFFE00], $0xffff;
	[tilespmem:s21+$0x0] =	vst v33  }
0x23c: {  	s9 =	sor.u32 s29, s19;
	[tilespmem:s2+$0x180] =	vst v36;
	v33 =	vld.idx.msk [tilespmem:v13+s28+$0x0], $0xffff  }
0x23d: {  	s18 =	sadd.s32 $0xE680, s6;
	[tilespmem:s9+$0x0] =	vst v35;
	v36 =	vld.idx.msk [tilespmem:v4+s0+$0xFFFFFE00], $0xffff  }
0x23e: {  	s20 =	sor.u32 s1, s18;
	[tilespmem:s5+$0x200] =	vst v34;
	v35 =	vld.idx.msk [tilespmem:v13+s28+$0xFFFFFE00], $0xffff  }
0x23f: {  	s23 =	sadd.s32 $0xD680, s26;
	s4 =	sor.u32 s14, s18;
	v34 =	vld.idx.msk [tilespmem:v5+s0+$0x0], $0xffff;
	[tilespmem:s20+$0x0] =	vst v32  }
0x240: {  	s15 =	sor.u32 s30, s23;
	[tilespmem:s4+$0x0] =	vst v37;
	v32 =	vld.idx.msk [tilespmem:v22+s8+$0x0], $0xffff  }
0x241: {  	v37 =	vld.idx.msk [tilespmem:v22+s8+$0xFFFFFE00], $0xffff;
	[tilespmem:s15+$0x0] =	vst v33  }
0x242: {  	s4 =	sor.u32 s29, s23;
	[tilespmem:s2+$0x200] =	vst v36;
	v33 =	vld.idx.msk [tilespmem:v14+s28+$0x0], $0xffff  }
0x243: {  	s22 =	sadd.s32 $0xE700, s6;
	[tilespmem:s4+$0x0] =	vst v35;
	v36 =	vld.idx.msk [tilespmem:v5+s0+$0xFFFFFE00], $0xffff  }
0x244: {  	s13 =	sor.u32 s1, s22;
	[tilespmem:s5+$0x280] =	vst v34;
	v35 =	vld.idx.msk [tilespmem:v14+s28+$0xFFFFFE00], $0xffff  }
0x245: {  	s17 =	sadd.s32 $0xD700, s26;
	s9 =	sor.u32 s14, s22;
	v34 =	vld.idx.msk [tilespmem:v6+s0+$0x0], $0xffff;
	[tilespmem:s13+$0x0] =	vst v32  }
0x246: {  	s19 =	sor.u32 s30, s17;
	[tilespmem:s9+$0x0] =	vst v37;
	v32 =	vld.idx.msk [tilespmem:v23+s8+$0x0], $0xffff  }
0x247: {  	v37 =	vld.idx.msk [tilespmem:v23+s8+$0xFFFFFE00], $0xffff;
	[tilespmem:s19+$0x0] =	vst v33  }
0x248: {  	s9 =	sor.u32 s29, s17;
	[tilespmem:s2+$0x280] =	vst v36;
	v33 =	vld.idx.msk [tilespmem:v15+s28+$0x0], $0xffff  }
0x249: {  	s16 =	sadd.s32 $0xE780, s6;
	[tilespmem:s9+$0x0] =	vst v35;
	v36 =	vld.idx.msk [tilespmem:v6+s0+$0xFFFFFE00], $0xffff  }
0x24a: {  	s18 =	sor.u32 s1, s16;
	[tilespmem:s5+$0x300] =	vst v34;
	v35 =	vld.idx.msk [tilespmem:v15+s28+$0xFFFFFE00], $0xffff  }
0x24b: {  	s21 =	sadd.s32 $0xD780, s26;
	s4 =	sor.u32 s14, s16;
	v34 =	vld.idx.msk [tilespmem:v7+s0+$0x0], $0xffff;
	[tilespmem:s18+$0x0] =	vst v32  }
0x24c: {  	s23 =	sor.u32 s30, s21;
	[tilespmem:s4+$0x0] =	vst v37;
	v32 =	vld.idx.msk [tilespmem:v24+s8+$0x0], $0xffff  }
0x24d: {  	v37 =	vld.idx.msk [tilespmem:v24+s8+$0xFFFFFE00], $0xffff;
	[tilespmem:s23+$0x0] =	vst v33  }
0x24e: {  	s4 =	sor.u32 s29, s21;
	[tilespmem:s2+$0x300] =	vst v36;
	v33 =	vld.idx.msk [tilespmem:v16+s28+$0x0], $0xffff  }
0x24f: {  	s20 =	sadd.s32 $0xF400, s6;
	[tilespmem:s4+$0x0] =	vst v35;
	v36 =	vld.idx.msk [tilespmem:v7+s0+$0xFFFFFE00], $0xffff  }
0x250: {  	s22 =	sor.u32 s1, s20;
	[tilespmem:s5+$0x380] =	vst v34;
	v35 =	vld.idx.msk [tilespmem:v16+s28+$0xFFFFFE00], $0xffff  }
0x251: {  	s15 =	sadd.s32 $0xE400, s26;
	s9 =	sor.u32 s14, s20;
	v34 =	vld.idx.msk [tilespmem:v8+s0+$0x0], $0xffff;
	[tilespmem:s22+$0x0] =	vst v32  }
0x252: {  	s17 =	sor.u32 s30, s15;
	[tilespmem:s9+$0x0] =	vst v37;
	v32 =	vld.idx.msk [tilespmem:v25+s8+$0x0], $0xffff  }
0x253: {  	v37 =	vld.idx.msk [tilespmem:v25+s8+$0xFFFFFE00], $0xffff;
	[tilespmem:s17+$0x0] =	vst v33  }
0x254: {  	s13 =	sadd.s32 $0xF480, s6;
	s18 =	sor.u32 s29, s15;
	s23 =	sadd.s32 $0xD400, s31;
	[tilespmem:s2+$0x380] =	vst v36;
	v33 =	vld.idx.msk [tilespmem:v17+s28+$0x0], $0xffff  }
0x255: {  	s16 =	sor.u32 s1, s13;
	s19 =	sor.u32 s14, s13;
	s13 =	sor.u32 s3, s23;
	[tilespmem:s18+$0x0] =	vst v35;
	v36 =	vld.idx.msk [tilespmem:v8+s0+$0xFFFFFE00], $0xffff  }
0x256: {  	s21 =	sadd.s32 $0xE480, s26;
	[tilespmem:s13+$0x0] =	vst v34;
	v35 =	vld.idx.msk [tilespmem:v17+s28+$0xFFFFFE00], $0xffff  }
0x257: {  	v50 =	vld.idx.msk [tilespmem:v0+s10+$0xFFFFFE00], $0xffff;
	s20 =	sadd.s32 $0xF500, s6;
	s12 =	sor.u32 s30, s21;
	[tilespmem:s16+$0x0] =	vst v32  }
0x258: {  	s4 =	sor.u32 s14, s20;
	s2 =	sor.u32 s29, s21;
	s21 =	simm.s32 $0x300;
	[tilespmem:s19+$0x0] =	vst v37;
	v32 =	vld.idx.msk [tilespmem:v26+s8+$0x0], $0xffff  }
0x259: {  	s15 =	sor.u32 s7, s23;
	s18 =	simm.s32 $0x60;
	s13 =	sand.u32 $0xC00, s21;
	v37 =	vld.idx.msk [tilespmem:v26+s8+$0xFFFFFE00], $0xffff;
	[tilespmem:s12+$0x0] =	vst v33  }
0x25a: {  	s22 =	sor.u32 s1, s20;
	v34 =	vld.idx.msk [tilespmem:v9+s0+$0x0], $0xffff;
	s23 =	sand.u32 $0x60, s18;
	s20 =	sadd.s32 $0xC400, s13;
	[tilespmem:s15+$0x0] =	vst v36  }
0x25b: {  	[tilespmem:s2+$0x0] =	vst v35;
	s12 =	sor.u32 s23, s20;
	v51 =	vld.idx.msk [tilespmem:v9+s0+$0xFFFFFE00], $0xffff  }
0x25c: {  	v33 =	vld.idx.msk [tilespmem:v18+s28+$0x0], $0xffff;
	[tilespmem:s12+$0x0] =	vst v50  }
0x25d: {  	s16 =	simm.s32 $0x70;
	s15 =	sadd.s32 $0xD480, s31;
	v38 =	vld.idx.msk [tilespmem:v18+s28+$0xFFFFFE00], $0xffff;
	[tilespmem:s22+$0x0] =	vst v32  }
0x25e: {  	v53 =	vld.idx.msk [tilespmem:v1+s10+$0xFFFFFE00], $0xffff;
	[tilespmem:s4+$0x0] =	vst v37;
	s22 =	sand.u32 $0x70, s16;
	s16 =	sor.u32 s3, s15  }
0x25f: {  	s4 =	sadd.s32 $0xE500, s26;
	s15 =	sor.u32 s7, s15;
	v32 =	vld.idx.msk [tilespmem:v27+s8+$0x0], $0xffff;
	[tilespmem:s16+$0x0] =	vst v34  }
0x260: {  	s19 =	sor.u32 s30, s4;
	[tilespmem:s15+$0x0] =	vst v51;
	v60 =	vld.idx.msk [tilespmem:v27+s8+$0xFFFFFE00], $0xffff  }
0x261: {  	s2 =	sor.u32 s22, s20;
	[tilespmem:s19+$0x0] =	vst v33;
	v34 =	vld.idx.msk [tilespmem:v10+s0+$0x0], $0xffff  }
0x262: {  	s5 =	sadd.s32 $0xF580, s6;
	[tilespmem:s2+$0x0] =	vst v49;
	v33 =	vld.idx.msk [tilespmem:v19+s28+$0x0], $0xffff  }
0x263: {  	s17 =	sor.u32 s1, s5;
	[tilespmem:s12+$0x80] =	vst v53;
	v52 =	vld.idx.msk [tilespmem:v1+s10+$0x0], $0xffff  }
0x264: {  	s4 =	sor.u32 s29, s4;
	s19 =	sadd.s32 $0xD500, s31;
	v36 =	vld.idx.msk [tilespmem:v2+s10+$0xFFFFFE00], $0xffff;
	[tilespmem:s17+$0x0] =	vst v32  }
0x265: {  	[tilespmem:s4+$0x0] =	vst v38;
	s4 =	sadd.s32 $0xE580, s26;
	s20 =	sor.u32 s3, s19;
	v32 =	vld.idx.msk [tilespmem:v28+s8+$0x0], $0xffff  }
0x266: {  	v38 =	vld.idx.msk [tilespmem:v19+s28+$0xFFFFFE00], $0xffff;
	s17 =	sor.u32 s30, s4;
	[tilespmem:s20+$0x0] =	vst v34  }
0x267: {  	v37 =	vld.idx.msk [tilespmem:v10+s0+$0xFFFFFE00], $0xffff;
	[tilespmem:s17+$0x0] =	vst v33  }
0x268: {  	s15 =	sadd.s32 $0xF600, s6;
	[tilespmem:s2+$0x80] =	vst v52;
	v33 =	vld.idx.msk [tilespmem:v20+s28+$0x0], $0xffff  }
0x269: {  	s16 =	sor.u32 s1, s15;
	[tilespmem:s12+$0x100] =	vst v36;
	v35 =	vld.idx.msk [tilespmem:v2+s10+$0x0], $0xffff  }
0x26a: {  	s4 =	sor.u32 s29, s4;
	v36 =	vld.idx.msk [tilespmem:v3+s10+$0xFFFFFE00], $0xffff;
	[tilespmem:s16+$0x0] =	vst v32  }
0x26b: {  	s19 =	sor.u32 s7, s19;
	[tilespmem:s4+$0x0] =	vst v38;
	s4 =	sadd.s32 $0xE600, s26;
	v32 =	vld.idx.msk [tilespmem:v29+s8+$0x0], $0xffff  }
0x26c: {  	[tilespmem:s19+$0x0] =	vst v37;
	v38 =	vld.idx.msk [tilespmem:v20+s28+$0xFFFFFE00], $0xffff;
	s19 =	sor.u32 s30, s4  }
0x26d: {  	v34 =	vld.idx.msk [tilespmem:v11+s0+$0x0], $0xffff;
	[tilespmem:s19+$0x0] =	vst v33  }
0x26e: {  	v37 =	vld.idx.msk [tilespmem:v11+s0+$0xFFFFFE00], $0xffff;
	s16 =	sadd.s32 $0xF680, s6;
	[tilespmem:s2+$0x100] =	vst v35  }
0x26f: {  	s20 =	sor.u32 s1, s16;
	[tilespmem:s12+$0x180] =	vst v36;
	v35 =	vld.idx.msk [tilespmem:v3+s10+$0x0], $0xffff  }
0x270: {  	s17 =	sadd.s32 $0xD580, s31;
	s4 =	sor.u32 s29, s4;
	v59 =	vld.idx.msk [tilespmem:v4+s10+$0xFFFFFE00], $0xffff;
	[tilespmem:s20+$0x0] =	vst v32  }
0x271: {  	[tilespmem:s4+$0x0] =	vst v38;
	s20 =	sor.u32 s3, s17;
	v32 =	vld.idx.msk [tilespmem:v30+s8+$0x0], $0xffff  }
0x272: {  	v33 =	vld.idx.msk [tilespmem:v21+s28+$0x0], $0xffff;
	s17 =	sor.u32 s7, s17;
	[tilespmem:s20+$0x0] =	vst v34  }
0x273: {  	[tilespmem:s17+$0x0] =	vst v37;
	v34 =	vld.idx.msk [tilespmem:v12+s0+$0x0], $0xffff  }
0x274: {  	s17 =	sadd.s32 $0xF700, s6;
	v37 =	vld.idx.msk [tilespmem:v12+s0+$0xFFFFFE00], $0xffff;
	[tilespmem:s2+$0x180] =	vst v35  }
0x275: {  	s4 =	sadd.s32 $0xE680, s26;
	v54 =	vld.idx.msk [tilespmem:v21+s28+$0xFFFFFE00], $0xffff;
	s19 =	sor.u32 s1, s17;
	[tilespmem:s12+$0x200] =	vst v59  }
0x276: {  	s9 =	sadd.s32 $0xD600, s31;
	v58 =	vld.idx.msk [tilespmem:v4+s10+$0x0], $0xffff;
	[tilespmem:s19+$0x0] =	vst v32;
	s19 =	sor.u32 s30, s4  }
0x277: {  	s20 =	sor.u32 s3, s9;
	v38 =	vld.idx.msk [tilespmem:v5+s10+$0xFFFFFE00], $0xffff;
	[tilespmem:s19+$0x0] =	vst v33  }
0x278: {  	s9 =	sor.u32 s7, s9;
	v55 =	vld.idx.msk [tilespmem:v31+s8+$0x0], $0xffff;
	[tilespmem:s20+$0x0] =	vst v34  }
0x279: {  	s4 =	sor.u32 s29, s4;
	[tilespmem:s9+$0x0] =	vst v37;
	v56 =	vld.idx.msk [tilespmem:v22+s28+$0x0], $0xffff  }
0x27a: {  	[tilespmem:s4+$0x0] =	vst v54;
	v57 =	vld.idx.msk [tilespmem:v13+s0+$0x0], $0xffff  }
0x27b: {  	s6 =	sadd.s32 $0xF780, s6;
	v37 =	vld.idx.msk [tilespmem:v13+s0+$0xFFFFFE00], $0xffff;
	[tilespmem:s2+$0x200] =	vst v58  }
0x27c: {  	s1 =	sor.u32 s1, s6;
	s4 =	sadd.s32 $0xE700, s26;
	v32 =	vld.idx.msk [tilespmem:v22+s28+$0xFFFFFE00], $0xffff;
	[tilespmem:s12+$0x280] =	vst v38  }
0x27d: {  	s9 =	sadd.s32 $0xD680, s31;
	s19 =	sor.u32 s30, s4;
	v36 =	vld.idx.msk [tilespmem:v5+s10+$0x0], $0xffff;
	[tilespmem:s1+$0x0] =	vst v55  }
0x27e: {  	s20 =	sor.u32 s3, s9;
	v38 =	vld.idx.msk [tilespmem:v6+s10+$0xFFFFFE00], $0xffff;
	[tilespmem:s19+$0x0] =	vst v56  }
0x27f: {  	s9 =	sor.u32 s7, s9;
	[tilespmem:s20+$0x0] =	vst v57;
	v34 =	vld.idx.msk [tilespmem:v23+s28+$0x0], $0xffff  }
0x280: {  	s4 =	sor.u32 s29, s4;
	[tilespmem:s9+$0x0] =	vst v37;
	v35 =	vld.idx.msk [tilespmem:v14+s0+$0x0], $0xffff  }
0x281: {  	s19 =	sor.u32 s14, s5;
	[tilespmem:s4+$0x0] =	vst v32;
	v37 =	vld.idx.msk [tilespmem:v14+s0+$0xFFFFFE00], $0xffff  }
0x282: {  	v32 =	vld.idx.msk [tilespmem:v23+s28+$0xFFFFFE00], $0xffff;
	[tilespmem:s19+$0x0] =	vst v60  }
0x283: {  	s4 =	sadd.s32 $0xE780, s26;
	[tilespmem:s2+$0x280] =	vst v36;
	v33 =	vld.idx.msk [tilespmem:v28+s8+$0xFFFFFE00], $0xffff  }
0x284: {  	s20 =	sadd.s32 $0xD700, s31;
	s9 =	sor.u32 s30, s4;
	[tilespmem:s12+$0x300] =	vst v38;
	v36 =	vld.idx.msk [tilespmem:v6+s10+$0x0], $0xffff  }
0x285: {  	s19 =	sor.u32 s3, s20;
	v38 =	vld.idx.msk [tilespmem:v7+s10+$0xFFFFFE00], $0xffff;
	[tilespmem:s9+$0x0] =	vst v34  }
0x286: {  	s20 =	sor.u32 s7, s20;
	[tilespmem:s19+$0x0] =	vst v35;
	v34 =	vld.idx.msk [tilespmem:v24+s28+$0x0], $0xffff  }
0x287: {  	s4 =	sor.u32 s29, s4;
	[tilespmem:s20+$0x0] =	vst v37;
	v35 =	vld.idx.msk [tilespmem:v15+s0+$0x0], $0xffff  }
0x288: {  	s5 =	sor.u32 s14, s15;
	[tilespmem:s4+$0x0] =	vst v32;
	v37 =	vld.idx.msk [tilespmem:v15+s0+$0xFFFFFE00], $0xffff  }
0x289: {  	v32 =	vld.idx.msk [tilespmem:v24+s28+$0xFFFFFE00], $0xffff;
	[tilespmem:s5+$0x0] =	vst v33  }
0x28a: {  	s9 =	sadd.s32 $0xF400, s26;
	[tilespmem:s2+$0x300] =	vst v36;
	v33 =	vld.idx.msk [tilespmem:v29+s8+$0xFFFFFE00], $0xffff  }
0x28b: {  	s15 =	sadd.s32 $0xD780, s31;
	s19 =	sor.u32 s30, s9;
	[tilespmem:s12+$0x380] =	vst v38;
	v36 =	vld.idx.msk [tilespmem:v7+s10+$0x0], $0xffff  }
0x28c: {  	s20 =	sor.u32 s3, s15;
	v40 =	vld.idx.msk [tilespmem:v8+s10+$0xFFFFFE00], $0xffff;
	[tilespmem:s19+$0x0] =	vst v34  }
0x28d: {  	s5 =	sor.u32 s7, s15;
	[tilespmem:s20+$0x0] =	vst v35;
	v34 =	vld.idx.msk [tilespmem:v25+s28+$0x0], $0xffff  }
0x28e: {  	s4 =	sor.u32 s29, s9;
	[tilespmem:s5+$0x0] =	vst v37;
	v35 =	vld.idx.msk [tilespmem:v16+s0+$0x0], $0xffff  }
0x28f: {  	s9 =	sor.u32 s14, s16;
	[tilespmem:s4+$0x0] =	vst v32;
	v37 =	vld.idx.msk [tilespmem:v16+s0+$0xFFFFFE00], $0xffff  }
0x290: {  	s15 =	sadd.s32 $0xF480, s26;
	v32 =	vld.idx.msk [tilespmem:v25+s28+$0xFFFFFE00], $0xffff;
	[tilespmem:s9+$0x0] =	vst v33  }
0x291: {  	s16 =	sadd.s32 $0xE400, s31;
	s19 =	sor.u32 s30, s15;
	[tilespmem:s2+$0x380] =	vst v36;
	v61 =	vld.idx.msk [tilespmem:v30+s8+$0xFFFFFE00], $0xffff  }
0x292: {  	s20 =	sor.u32 s3, s16;
	v63 =	vld.idx.msk [tilespmem:v8+s10+$0x0], $0xffff;
	[tilespmem:s19+$0x0] =	vst v34  }
0x293: {  	s2 =	sor.u32 s7, s16;
	[tilespmem:s20+$0x0] =	vst v35;
	v39 =	vld.idx.msk [tilespmem:v26+s28+$0x0], $0xffff  }
0x294: {  	s5 =	sor.u32 s29, s15;
	[tilespmem:s2+$0x0] =	vst v37;
	v62 =	vld.idx.msk [tilespmem:v17+s0+$0x0], $0xffff  }
0x295: {  	s9 =	sor.u32 s14, s17;
	s17 =	sadd.s32 $0xD400, s13;
	[tilespmem:s5+$0x0] =	vst v32;
	v35 =	vld.idx.msk [tilespmem:v17+s0+$0xFFFFFE00], $0xffff  }
0x296: {  	s12 =	sadd.s32 $0xF500, s26;
	s20 =	sor.u32 s22, s17;
	v33 =	vld.idx.msk [tilespmem:v26+s28+$0xFFFFFE00], $0xffff;
	[tilespmem:s9+$0x0] =	vst v61  }
0x297: {  	s15 =	sadd.s32 $0xE480, s31;
	s16 =	sor.u32 s30, s12;
	[tilespmem:s20+$0x0] =	vst v63;
	v34 =	vld.idx.msk [tilespmem:v31+s8+$0xFFFFFE00], $0xffff  }
0x298: {  	s19 =	sor.u32 s3, s15;
	v37 =	vld.idx.msk [tilespmem:v9+s10+$0x0], $0xffff;
	[tilespmem:s16+$0x0] =	vst v39  }
0x299: {  	s1 =	sor.u32 s14, s6;
	s5 =	sor.u32 s23, s17;
	[tilespmem:s19+$0x0] =	vst v62;
	v32 =	vld.idx.msk [tilespmem:v27+s28+$0x0], $0xffff  }
0x29a: {  	s6 =	simm.s32 $0x5600;
	s2 =	sor.u32 s7, s15;
	[tilespmem:s5+$0x0] =	vst v40;
	s8 =	sor.u32 s29, s12;
	v36 =	vld.idx.msk [tilespmem:v18+s0+$0x0], $0xffff  }
.LBB2_9:
0x29b: {  	v38 =	vld.idx.msk [tilespmem:v0+s6+$0x0], $0xffff;
	[tilespmem:s2+$0x0] =	vst v35;
	s4 =	smov.u32 s18;
	s18 =	sadd.s32 $0x20, s18  }
0x29c: {  	s21 =	sadd.s32 $0x100, s21;
	s9 =	sadd.s32 $0xF580, s26;
	s2 =	sand.u32 $0x60, s18;
	v35 =	vld.idx.msk [tilespmem:v0+s6+$0xFFFFFE00], $0xffff;
	[tilespmem:s8+$0x0] =	vst v33  }
0x29d: {  	s12 =	sadd.s32 $0xE500, s31;
	s4 =	sadd.s32 $0x30, s4;
	s8 =	sor.u32 s30, s9;
	v33 =	vld.idx.msk [tilespmem:v9+s10+$0xFFFFFE00], $0xffff;
	[tilespmem:s1+$0x0] =	vst v34  }
0x29e: {  	s5 =	sand.u32 $0xC00, s21;
	s14 =	sor.u32 s3, s12;
	s1 =	sadd.s32 $0xD480, s13;
	v34 =	vld.idx.msk [tilespmem:v18+s0+$0xFFFFFE00], $0xffff;
	[tilespmem:s8+$0x0] =	vst v32  }
0x29f: {  	s16 =	sadd.s32 $0xC400, s5;
	s15 =	sand.u32 $0x70, s4;
	s4 =	sor.u32 s22, s1;
	[tilespmem:s14+$0x0] =	vst v36;
	v32 =	vld.idx.msk [tilespmem:v28+s28+$0x0], $0xffff  }
0x2a0: {  	s8 =	sor.u32 s2, s16;
	s1 =	sor.u32 s23, s1;
	s14 =	sor.u32 s15, s16;
	[tilespmem:s4+$0x0] =	vst v37;
	v36 =	vld.idx.msk [tilespmem:v19+s0+$0x0], $0xffff  }
0x2a1: {  	p0 =	slt.u32 s18, $0x1E0;
	s20 =	sor.u32 s29, s9;
	s4 =	sor.u32 s7, s12;
	[tilespmem:s14+$0x0] =	vst v38;
	v37 =	vld.idx.msk [tilespmem:v10+s10+$0x0], $0xffff  }
0x2a2: {  	[tilespmem:s8+$0x0] =	vst v35;
	v35 =	vld.idx.msk [tilespmem:v1+s6+$0x0], $0xffff  }
0x2a3: {  	v38 =	vld.idx.msk [tilespmem:v1+s6+$0xFFFFFE00], $0xffff;
	[tilespmem:s1+$0x0] =	vst v33;
	s1 =	sadd.s32 $0xF600, s26  }
0x2a4: {  	v33 =	vld.idx.msk [tilespmem:v10+s10+$0xFFFFFE00], $0xffff;
	[tilespmem:s4+$0x0] =	vst v34;
	s4 =	sadd.s32 $0xE580, s31;
	s16 =	sor.u32 s29, s1;
	s1 =	sor.u32 s30, s1  }
0x2a5: {  	s9 =	sadd.s32 $0xD500, s13;
	v34 =	vld.idx.msk [tilespmem:v19+s0+$0xFFFFFE00], $0xffff;
	s12 =	sor.u32 s7, s4;
	s4 =	sor.u32 s3, s4;
	[tilespmem:s1+$0x0] =	vst v32  }
0x2a6: {  	s1 =	sor.u32 s23, s9;
	s9 =	sor.u32 s22, s9;
	[tilespmem:s4+$0x0] =	vst v36;
	v32 =	vld.idx.msk [tilespmem:v29+s28+$0x0], $0xffff  }
0x2a7: {  	[tilespmem:s9+$0x0] =	vst v37;
	v36 =	vld.idx.msk [tilespmem:v20+s0+$0x0], $0xffff  }
0x2a8: {  	[tilespmem:s14+$0x80] =	vst v35;
	v35 =	vld.idx.msk [tilespmem:v11+s10+$0x0], $0xffff  }
0x2a9: {  	[tilespmem:s8+$0x80] =	vst v38;
	v37 =	vld.idx.msk [tilespmem:v2+s6+$0x0], $0xffff  }
0x2aa: {  	v38 =	vld.idx.msk [tilespmem:v2+s6+$0xFFFFFE00], $0xffff;
	[tilespmem:s1+$0x0] =	vst v33;
	s1 =	sadd.s32 $0xF680, s26  }
0x2ab: {  	s4 =	sadd.s32 $0xE600, s31;
	v33 =	vld.idx.msk [tilespmem:v11+s10+$0xFFFFFE00], $0xffff;
	[tilespmem:s12+$0x0] =	vst v34;
	s17 =	sor.u32 s29, s1;
	s1 =	sor.u32 s30, s1  }
0x2ac: {  	s9 =	sadd.s32 $0xD580, s13;
	s12 =	sor.u32 s7, s4;
	s4 =	sor.u32 s3, s4;
	v34 =	vld.idx.msk [tilespmem:v20+s0+$0xFFFFFE00], $0xffff;
	[tilespmem:s1+$0x0] =	vst v32  }
0x2ad: {  	s1 =	sor.u32 s23, s9;
	s9 =	sor.u32 s22, s9;
	[tilespmem:s4+$0x0] =	vst v36;
	v32 =	vld.idx.msk [tilespmem:v30+s28+$0x0], $0xffff  }
0x2ae: {  	[tilespmem:s9+$0x0] =	vst v35;
	v35 =	vld.idx.msk [tilespmem:v21+s0+$0x0], $0xffff  }
0x2af: {  	[tilespmem:s14+$0x100] =	vst v37;
	v36 =	vld.idx.msk [tilespmem:v12+s10+$0x0], $0xffff  }
0x2b0: {  	[tilespmem:s8+$0x100] =	vst v38;
	v37 =	vld.idx.msk [tilespmem:v3+s6+$0x0], $0xffff  }
0x2b1: {  	v38 =	vld.idx.msk [tilespmem:v3+s6+$0xFFFFFE00], $0xffff;
	[tilespmem:s1+$0x0] =	vst v33;
	s1 =	sadd.s32 $0xF700, s26  }
0x2b2: {  	s4 =	sadd.s32 $0xE680, s31;
	v33 =	vld.idx.msk [tilespmem:v12+s10+$0xFFFFFE00], $0xffff;
	[tilespmem:s12+$0x0] =	vst v34;
	s12 =	sor.u32 s29, s1;
	s1 =	sor.u32 s30, s1  }
0x2b3: {  	s9 =	sadd.s32 $0xD600, s13;
	s19 =	sor.u32 s7, s4;
	s4 =	sor.u32 s3, s4;
	v34 =	vld.idx.msk [tilespmem:v21+s0+$0xFFFFFE00], $0xffff;
	[tilespmem:s1+$0x0] =	vst v32  }
0x2b4: {  	s1 =	sor.u32 s23, s9;
	s9 =	sor.u32 s22, s9;
	[tilespmem:s4+$0x0] =	vst v35;
	v32 =	vld.idx.msk [tilespmem:v31+s28+$0x0], $0xffff  }
0x2b5: {  	[tilespmem:s9+$0x0] =	vst v36;
	v35 =	vld.idx.msk [tilespmem:v22+s0+$0x0], $0xffff  }
0x2b6: {  	[tilespmem:s14+$0x180] =	vst v37;
	v36 =	vld.idx.msk [tilespmem:v13+s10+$0x0], $0xffff  }
0x2b7: {  	[tilespmem:s8+$0x180] =	vst v38;
	v37 =	vld.idx.msk [tilespmem:v4+s6+$0x0], $0xffff  }
0x2b8: {  	s4 =	sadd.s32 $0xF780, s26;
	s26 =	smov.u32 s31;
	s31 =	smov.u32 s13;
	v38 =	vld.idx.msk [tilespmem:v4+s6+$0xFFFFFE00], $0xffff;
	[tilespmem:s1+$0x0] =	vst v33  }
0x2b9: {  	s9 =	sadd.s32 $0xE700, s26;
	s1 =	sor.u32 s29, s4;
	s4 =	sor.u32 s30, s4;
	v33 =	vld.idx.msk [tilespmem:v13+s10+$0xFFFFFE00], $0xffff;
	[tilespmem:s19+$0x0] =	vst v34  }
0x2ba: {  	s13 =	sadd.s32 $0xD680, s31;
	s19 =	sor.u32 s7, s9;
	s9 =	sor.u32 s3, s9;
	v34 =	vld.idx.msk [tilespmem:v22+s0+$0xFFFFFE00], $0xffff;
	[tilespmem:s4+$0x0] =	vst v32  }
0x2bb: {  	s29 =	smov.u32 s7;
	s4 =	sor.u32 s23, s13;
	s13 =	sor.u32 s22, s13;
	[tilespmem:s9+$0x0] =	vst v35;
	v32 =	vld.idx.msk [tilespmem:v27+s28+$0xFFFFFE00], $0xffff  }
0x2bc: {  	s7 =	smov.u32 s23;
	s23 =	smov.u32 s2;
	[tilespmem:s13+$0x0] =	vst v36;
	v35 =	vld.idx.msk [tilespmem:v23+s0+$0x0], $0xffff;
	s13 =	smov.u32 s5  }
0x2bd: {  	s30 =	smov.u32 s3;
	s3 =	smov.u32 s22;
	s22 =	smov.u32 s15;
	[tilespmem:s14+$0x200] =	vst v37;
	v36 =	vld.idx.msk [tilespmem:v14+s10+$0x0], $0xffff  }
0x2be: {  	[tilespmem:s8+$0x200] =	vst v38;
	v37 =	vld.idx.msk [tilespmem:v5+s6+$0x0], $0xffff  }
0x2bf: {  	v38 =	vld.idx.msk [tilespmem:v5+s6+$0xFFFFFE00], $0xffff;
	[tilespmem:s4+$0x0] =	vst v33  }
0x2c0: {  	s2 =	sadd.s32 $0xE780, s26;
	v33 =	vld.idx.msk [tilespmem:v14+s10+$0xFFFFFE00], $0xffff;
	[tilespmem:s19+$0x0] =	vst v34  }
0x2c1: {  	s5 =	sor.u32 s29, s2;
	s2 =	sor.u32 s30, s2;
	s4 =	sadd.s32 $0xD700, s31;
	v34 =	vld.idx.msk [tilespmem:v23+s0+$0xFFFFFE00], $0xffff;
	[tilespmem:s20+$0x0] =	vst v32  }
0x2c2: {  	s9 =	sor.u32 s7, s4;
	s4 =	sor.u32 s3, s4;
	[tilespmem:s2+$0x0] =	vst v35;
	v32 =	vld.idx.msk [tilespmem:v28+s28+$0xFFFFFE00], $0xffff  }
0x2c3: {  	[tilespmem:s4+$0x0] =	vst v36;
	v35 =	vld.idx.msk [tilespmem:v24+s0+$0x0], $0xffff  }
0x2c4: {  	[tilespmem:s14+$0x280] =	vst v37;
	v36 =	vld.idx.msk [tilespmem:v15+s10+$0x0], $0xffff  }
0x2c5: {  	[tilespmem:s8+$0x280] =	vst v38;
	v37 =	vld.idx.msk [tilespmem:v6+s6+$0x0], $0xffff  }
0x2c6: {  	v38 =	vld.idx.msk [tilespmem:v6+s6+$0xFFFFFE00], $0xffff;
	[tilespmem:s9+$0x0] =	vst v33  }
0x2c7: {  	s2 =	sadd.s32 $0xF400, s26;
	v33 =	vld.idx.msk [tilespmem:v15+s10+$0xFFFFFE00], $0xffff;
	[tilespmem:s5+$0x0] =	vst v34  }
0x2c8: {  	s4 =	sadd.s32 $0xD780, s31;
	s5 =	sor.u32 s29, s2;
	s2 =	sor.u32 s30, s2;
	v34 =	vld.idx.msk [tilespmem:v24+s0+$0xFFFFFE00], $0xffff;
	[tilespmem:s16+$0x0] =	vst v32  }
0x2c9: {  	s9 =	sor.u32 s7, s4;
	s4 =	sor.u32 s3, s4;
	[tilespmem:s2+$0x0] =	vst v35;
	v32 =	vld.idx.msk [tilespmem:v29+s28+$0xFFFFFE00], $0xffff  }
0x2ca: {  	[tilespmem:s4+$0x0] =	vst v36;
	v35 =	vld.idx.msk [tilespmem:v25+s0+$0x0], $0xffff  }
0x2cb: {  	[tilespmem:s14+$0x300] =	vst v37;
	v36 =	vld.idx.msk [tilespmem:v16+s10+$0x0], $0xffff  }
0x2cc: {  	[tilespmem:s8+$0x300] =	vst v38;
	v37 =	vld.idx.msk [tilespmem:v7+s6+$0x0], $0xffff  }
0x2cd: {  	v38 =	vld.idx.msk [tilespmem:v7+s6+$0xFFFFFE00], $0xffff;
	[tilespmem:s9+$0x0] =	vst v33  }
0x2ce: {  	s2 =	sadd.s32 $0xF480, s26;
	v33 =	vld.idx.msk [tilespmem:v16+s10+$0xFFFFFE00], $0xffff;
	[tilespmem:s5+$0x0] =	vst v34  }
0x2cf: {  	s4 =	sadd.s32 $0xE400, s31;
	s5 =	sor.u32 s29, s2;
	s2 =	sor.u32 s30, s2;
	v34 =	vld.idx.msk [tilespmem:v25+s0+$0xFFFFFE00], $0xffff;
	[tilespmem:s17+$0x0] =	vst v32  }
0x2d0: {  	s9 =	sor.u32 s7, s4;
	s4 =	sor.u32 s3, s4;
	[tilespmem:s2+$0x0] =	vst v35;
	v32 =	vld.idx.msk [tilespmem:v30+s28+$0xFFFFFE00], $0xffff  }
0x2d1: {  	[tilespmem:s4+$0x0] =	vst v36;
	v36 =	vld.idx.msk [tilespmem:v26+s0+$0x0], $0xffff  }
0x2d2: {  	[tilespmem:s14+$0x380] =	vst v37;
	v37 =	vld.idx.msk [tilespmem:v17+s10+$0x0], $0xffff  }
0x2d3: {  	[tilespmem:s8+$0x380] =	vst v38;
	v38 =	vld.idx.msk [tilespmem:v8+s6+$0x0], $0xffff  }
0x2d4: {  	v39 =	vld.idx.msk [tilespmem:v8+s6+$0xFFFFFE00], $0xffff;
	[tilespmem:s9+$0x0] =	vst v33  }
0x2d5: {  	s2 =	sadd.s32 $0xF500, s26;
	s4 =	sadd.s32 $0xE480, s31;
	v35 =	vld.idx.msk [tilespmem:v17+s10+$0xFFFFFE00], $0xffff;
	[tilespmem:s5+$0x0] =	vst v34  }
.Ltmp4:
0x2d6: {  	s8 =	sor.u32 s29, s2;
	s5 =	sor.u32 s30, s2;
	v33 =	vld.idx.msk [tilespmem:v26+s0+$0xFFFFFE00], $0xffff;
	[tilespmem:s12+$0x0] =	vst v32;
	(pc) =	sbr.rel @p0 .LBB2_9-.Ltmp4, $4  }
0x2d7: {  	s9 =	sadd.s32 $0xD400, s13;
	s2 =	sor.u32 s7, s4;
	s4 =	sor.u32 s3, s4;
	[tilespmem:s5+$0x0] =	vst v36;
	v34 =	vld.idx.msk [tilespmem:v31+s28+$0xFFFFFE00], $0xffff  }
0x2d8: {  	s5 =	sor.u32 s23, s9;
	s9 =	sor.u32 s22, s9;
	s28 =	smov.u32 s0;
	[tilespmem:s4+$0x0] =	vst v37;
	v32 =	vld.idx.msk [tilespmem:v27+s0+$0x0], $0xffff  }
0x2d9: {  	s0 =	smov.u32 s10;
	[tilespmem:s9+$0x0] =	vst v38;
	v36 =	vld.idx.msk [tilespmem:v18+s10+$0x0], $0xffff;
	s10 =	smov.u32 s6  }
0x2da: {  	s6 =	sadd.s32 $0x400, s6;
	[tilespmem:s5+$0x0] =	vst v39;
	v37 =	vld.idx.msk [tilespmem:v9+s10+$0x0], $0xffff  }
0x2db: {  	_ =	sdelay $0x3  }
0x2dc: {  	v38 =	vld.idx.msk [tilespmem:v9+s10+$0xFFFFFE00], $0xffff;
	_ =	sdelay $0x1  }
0x2dd: {  	s4 =	sadd.s32 $0xD480, s13  }
0x2de: {  	s5 =	sor.u32 s22, s4  }
0x2df: {  	s4 =	sor.u32 s23, s4;
	[tilespmem:s5+$0x0] =	vst v37  }
0x2e0: {  	v37 =	vld.idx.msk [tilespmem:v10+s10+$0x0], $0xffff;
	[tilespmem:s4+$0x0] =	vst v38  }
0x2e1: {  	v38 =	vld.idx.msk [tilespmem:v10+s10+$0xFFFFFE00], $0xffff;
	_ =	sdelay $0x1  }
0x2e2: {  	s14 =	sadd.s32 $0xD500, s13  }
0x2e3: {  	s15 =	sor.u32 s22, s14  }
0x2e4: {  	s4 =	sor.u32 s23, s14;
	[tilespmem:s15+$0x0] =	vst v37  }
0x2e5: {  	v37 =	vld.idx.msk [tilespmem:v11+s10+$0x0], $0xffff;
	[tilespmem:s4+$0x0] =	vst v38  }
0x2e6: {  	v38 =	vld.idx.msk [tilespmem:v11+s10+$0xFFFFFE00], $0xffff;
	_ =	sdelay $0x1  }
0x2e7: {  	s16 =	sadd.s32 $0xD580, s13  }
0x2e8: {  	s17 =	sor.u32 s22, s16  }
0x2e9: {  	s4 =	sor.u32 s23, s16;
	[tilespmem:s17+$0x0] =	vst v37  }
0x2ea: {  	v37 =	vld.idx.msk [tilespmem:v12+s10+$0x0], $0xffff;
	[tilespmem:s4+$0x0] =	vst v38  }
0x2eb: {  	v38 =	vld.idx.msk [tilespmem:v12+s10+$0xFFFFFE00], $0xffff;
	_ =	sdelay $0x1  }
0x2ec: {  	s18 =	sadd.s32 $0xD600, s13  }
0x2ed: {  	s19 =	sor.u32 s22, s18  }
0x2ee: {  	s4 =	sor.u32 s23, s18;
	[tilespmem:s19+$0x0] =	vst v37  }
0x2ef: {  	v37 =	vld.idx.msk [tilespmem:v13+s10+$0x0], $0xffff;
	[tilespmem:s4+$0x0] =	vst v38  }
0x2f0: {  	v38 =	vld.idx.msk [tilespmem:v13+s10+$0xFFFFFE00], $0xffff;
	_ =	sdelay $0x1  }
0x2f1: {  	s20 =	sadd.s32 $0xD680, s13  }
0x2f2: {  	s21 =	sor.u32 s22, s20  }
0x2f3: {  	s4 =	sor.u32 s23, s20;
	[tilespmem:s21+$0x0] =	vst v37  }
0x2f4: {  	v37 =	vld.idx.msk [tilespmem:v14+s10+$0x0], $0xffff;
	[tilespmem:s4+$0x0] =	vst v38  }
0x2f5: {  	v38 =	vld.idx.msk [tilespmem:v14+s10+$0xFFFFFE00], $0xffff;
	_ =	sdelay $0x1  }
0x2f6: {  	s5 =	sadd.s32 $0xD700, s13  }
0x2f7: {  	s6 =	sor.u32 s22, s5  }
0x2f8: {  	s4 =	sor.u32 s23, s5;
	[tilespmem:s6+$0x0] =	vst v37  }
0x2f9: {  	v37 =	vld.idx.msk [tilespmem:v15+s10+$0x0], $0xffff;
	[tilespmem:s4+$0x0] =	vst v38  }
0x2fa: {  	v38 =	vld.idx.msk [tilespmem:v15+s10+$0xFFFFFE00], $0xffff;
	_ =	sdelay $0x1  }
0x2fb: {  	s9 =	sadd.s32 $0xD780, s13  }
0x2fc: {  	s12 =	sor.u32 s22, s9  }
0x2fd: {  	s4 =	sor.u32 s23, s9;
	[tilespmem:s12+$0x0] =	vst v37  }
0x2fe: {  	v37 =	vld.idx.msk [tilespmem:v16+s10+$0x0], $0xffff;
	[tilespmem:s4+$0x0] =	vst v38  }
0x2ff: {  	v38 =	vld.idx.msk [tilespmem:v16+s10+$0xFFFFFE00], $0xffff;
	_ =	sdelay $0x1  }
0x300: {  	s14 =	sadd.s32 $0xE400, s13  }
0x301: {  	s15 =	sor.u32 s22, s14  }
0x302: {  	s4 =	sor.u32 s23, s14;
	[tilespmem:s15+$0x0] =	vst v37  }
0x303: {  	v37 =	vld.idx.msk [tilespmem:v17+s10+$0x0], $0xffff;
	[tilespmem:s4+$0x0] =	vst v38  }
0x304: {  	v38 =	vld.idx.msk [tilespmem:v17+s10+$0xFFFFFE00], $0xffff;
	_ =	sdelay $0x1  }
0x305: {  	[tilespmem:s2+$0x0] =	vst v35;
	s16 =	sadd.s32 $0xE480, s13  }
0x306: {  	v35 =	vld.idx.msk [tilespmem:v18+s0+$0xFFFFFE00], $0xffff;
	s17 =	sor.u32 s22, s16  }
0x307: {  	s4 =	sor.u32 s23, s16;
	[tilespmem:s17+$0x0] =	vst v37  }
0x308: {  	s18 =	sadd.s32 $0xE500, s31;
	v37 =	vld.idx.msk [tilespmem:v18+s10+$0x0], $0xffff;
	[tilespmem:s4+$0x0] =	vst v38  }
0x309: {  	s19 =	sor.u32 s3, s18;
	v38 =	vld.idx.msk [tilespmem:v18+s10+$0xFFFFFE00], $0xffff  }
0x30a: {  	s2 =	sor.u32 s7, s18;
	[tilespmem:s19+$0x0] =	vst v36  }
0x30b: {  	[tilespmem:s2+$0x0] =	vst v35;
	s20 =	sadd.s32 $0xE500, s13;
	v36 =	vld.idx.msk [tilespmem:v19+s0+$0x0], $0xffff  }
0x30c: {  	v35 =	vld.idx.msk [tilespmem:v19+s0+$0xFFFFFE00], $0xffff;
	s21 =	sor.u32 s22, s20  }
0x30d: {  	s4 =	sor.u32 s23, s20;
	[tilespmem:s21+$0x0] =	vst v37  }
0x30e: {  	s5 =	sadd.s32 $0xE580, s31;
	v37 =	vld.idx.msk [tilespmem:v19+s10+$0x0], $0xffff;
	[tilespmem:s4+$0x0] =	vst v38  }
0x30f: {  	s6 =	sor.u32 s3, s5;
	v38 =	vld.idx.msk [tilespmem:v19+s10+$0xFFFFFE00], $0xffff  }
0x310: {  	s2 =	sor.u32 s7, s5;
	[tilespmem:s6+$0x0] =	vst v36  }
0x311: {  	[tilespmem:s2+$0x0] =	vst v35;
	s9 =	sadd.s32 $0xE580, s13;
	v36 =	vld.idx.msk [tilespmem:v20+s0+$0x0], $0xffff  }
0x312: {  	v35 =	vld.idx.msk [tilespmem:v20+s0+$0xFFFFFE00], $0xffff;
	s12 =	sor.u32 s22, s9  }
0x313: {  	s4 =	sor.u32 s23, s9;
	[tilespmem:s12+$0x0] =	vst v37  }
0x314: {  	s14 =	sadd.s32 $0xE600, s31;
	v37 =	vld.idx.msk [tilespmem:v20+s10+$0x0], $0xffff;
	[tilespmem:s4+$0x0] =	vst v38  }
0x315: {  	s15 =	sor.u32 s3, s14;
	v38 =	vld.idx.msk [tilespmem:v20+s10+$0xFFFFFE00], $0xffff  }
0x316: {  	s2 =	sor.u32 s7, s14;
	[tilespmem:s15+$0x0] =	vst v36  }
0x317: {  	[tilespmem:s2+$0x0] =	vst v35;
	s16 =	sadd.s32 $0xE600, s13;
	v36 =	vld.idx.msk [tilespmem:v21+s0+$0x0], $0xffff  }
0x318: {  	v35 =	vld.idx.msk [tilespmem:v21+s0+$0xFFFFFE00], $0xffff;
	s17 =	sor.u32 s22, s16  }
0x319: {  	s4 =	sor.u32 s23, s16;
	[tilespmem:s17+$0x0] =	vst v37  }
0x31a: {  	s18 =	sadd.s32 $0xE680, s31;
	v37 =	vld.idx.msk [tilespmem:v21+s10+$0x0], $0xffff;
	[tilespmem:s4+$0x0] =	vst v38  }
0x31b: {  	s19 =	sor.u32 s3, s18;
	v38 =	vld.idx.msk [tilespmem:v21+s10+$0xFFFFFE00], $0xffff  }
0x31c: {  	s2 =	sor.u32 s7, s18;
	[tilespmem:s19+$0x0] =	vst v36  }
0x31d: {  	[tilespmem:s2+$0x0] =	vst v35;
	s20 =	sadd.s32 $0xE680, s13;
	v36 =	vld.idx.msk [tilespmem:v22+s0+$0x0], $0xffff  }
0x31e: {  	v35 =	vld.idx.msk [tilespmem:v22+s0+$0xFFFFFE00], $0xffff;
	s21 =	sor.u32 s22, s20  }
0x31f: {  	s4 =	sor.u32 s23, s20;
	[tilespmem:s21+$0x0] =	vst v37  }
0x320: {  	[tilespmem:s4+$0x0] =	vst v38;
	s4 =	sadd.s32 $0xE700, s31  }
0x321: {  	v37 =	vld.idx.msk [tilespmem:v22+s10+$0x0], $0xffff;
	s5 =	sor.u32 s3, s4  }
0x322: {  	v38 =	vld.idx.msk [tilespmem:v22+s10+$0xFFFFFE00], $0xffff;
	s2 =	sor.u32 s7, s4;
	[tilespmem:s5+$0x0] =	vst v36  }
0x323: {  	[tilespmem:s2+$0x0] =	vst v35;
	v36 =	vld.idx.msk [tilespmem:v23+s0+$0x0], $0xffff  }
0x324: {  	s6 =	sadd.s32 $0xE700, s13;
	v35 =	vld.idx.msk [tilespmem:v23+s0+$0xFFFFFE00], $0xffff  }
0x325: {  	s9 =	sor.u32 s22, s6  }
0x326: {  	s12 =	sadd.s32 $0xE780, s31;
	s4 =	sor.u32 s23, s6;
	[tilespmem:s9+$0x0] =	vst v37  }
0x327: {  	s14 =	sor.u32 s3, s12;
	v37 =	vld.idx.msk [tilespmem:v23+s10+$0x0], $0xffff;
	[tilespmem:s4+$0x0] =	vst v38  }
0x328: {  	s2 =	sor.u32 s7, s12;
	v38 =	vld.idx.msk [tilespmem:v23+s10+$0xFFFFFE00], $0xffff;
	[tilespmem:s14+$0x0] =	vst v36  }
0x329: {  	[tilespmem:s2+$0x0] =	vst v35;
	v36 =	vld.idx.msk [tilespmem:v24+s0+$0x0], $0xffff  }
0x32a: {  	s15 =	sadd.s32 $0xE780, s13;
	v35 =	vld.idx.msk [tilespmem:v24+s0+$0xFFFFFE00], $0xffff  }
0x32b: {  	s16 =	sor.u32 s22, s15  }
0x32c: {  	s17 =	sadd.s32 $0xF400, s31;
	s4 =	sor.u32 s23, s15;
	[tilespmem:s16+$0x0] =	vst v37  }
0x32d: {  	s18 =	sor.u32 s3, s17;
	v37 =	vld.idx.msk [tilespmem:v24+s10+$0x0], $0xffff;
	[tilespmem:s4+$0x0] =	vst v38  }
0x32e: {  	s2 =	sor.u32 s7, s17;
	v38 =	vld.idx.msk [tilespmem:v24+s10+$0xFFFFFE00], $0xffff;
	[tilespmem:s18+$0x0] =	vst v36  }
0x32f: {  	[tilespmem:s2+$0x0] =	vst v35;
	v36 =	vld.idx.msk [tilespmem:v25+s0+$0x0], $0xffff  }
0x330: {  	s19 =	sadd.s32 $0xF400, s13;
	v35 =	vld.idx.msk [tilespmem:v25+s0+$0xFFFFFE00], $0xffff  }
0x331: {  	s20 =	sor.u32 s22, s19  }
0x332: {  	s21 =	sadd.s32 $0xF480, s31;
	s4 =	sor.u32 s23, s19;
	[tilespmem:s20+$0x0] =	vst v37  }
0x333: {  	s5 =	sor.u32 s3, s21;
	v37 =	vld.idx.msk [tilespmem:v25+s10+$0x0], $0xffff;
	[tilespmem:s4+$0x0] =	vst v38  }
0x334: {  	s2 =	sor.u32 s7, s21;
	v38 =	vld.idx.msk [tilespmem:v25+s10+$0xFFFFFE00], $0xffff;
	[tilespmem:s5+$0x0] =	vst v36  }
0x335: {  	[tilespmem:s2+$0x0] =	vst v35;
	v52 =	vld.idx.msk [tilespmem:v26+s0+$0x0], $0xffff  }
0x336: {  	[tilespmem:s8+$0x0] =	vst v33;
	s6 =	sadd.s32 $0xF480, s13;
	v53 =	vld.idx.msk [tilespmem:v26+s0+$0xFFFFFE00], $0xffff  }
0x337: {  	[tilespmem:s1+$0x0] =	vst v34;
	s9 =	sor.u32 s22, s6  }
0x338: {  	v55 =	vld.idx.msk [tilespmem:v27+s28+$0xFFFFFE00], $0xffff;
	s12 =	sor.u32 s23, s6;
	s14 =	sadd.s32 $0xF500, s31;
	[tilespmem:s9+$0x0] =	vst v37  }
0x339: {  	s15 =	sor.u32 s3, s14;
	[tilespmem:s12+$0x0] =	vst v38;
	v37 =	vld.idx.msk [tilespmem:v26+s10+$0x0], $0xffff  }
0x33a: {  	s18 =	sadd.s32 $0xF580, s26;
	s2 =	sor.u32 s7, s14;
	v54 =	vld.idx.msk [tilespmem:v26+s10+$0xFFFFFE00], $0xffff;
	[tilespmem:s15+$0x0] =	vst v52  }
0x33b: {  	s19 =	sor.u32 s30, s18;
	[tilespmem:s2+$0x0] =	vst v53;
	v35 =	vld.idx.msk [tilespmem:v27+s0+$0x0], $0xffff  }
0x33c: {  	s16 =	sadd.s32 $0xF500, s13;
	[tilespmem:s19+$0x0] =	vst v32;
	s20 =	sor.u32 s29, s18;
	v36 =	vld.idx.msk [tilespmem:v27+s0+$0xFFFFFE00], $0xffff  }
0x33d: {  	s17 =	sor.u32 s22, s16;
	v58 =	vld.idx.msk [tilespmem:v28+s28+$0x0], $0xffff;
	[tilespmem:s20+$0x0] =	vst v55  }
0x33e: {  	s1 =	sor.u32 s23, s16;
	s21 =	sadd.s32 $0xF580, s31;
	v34 =	vld.idx.msk [tilespmem:v28+s28+$0xFFFFFE00], $0xffff;
	[tilespmem:s17+$0x0] =	vst v37  }
0x33f: {  	s4 =	sor.u32 s3, s21;
	[tilespmem:s1+$0x0] =	vst v54;
	v56 =	vld.idx.msk [tilespmem:v27+s10+$0x0], $0xffff  }
0x340: {  	s5 =	sor.u32 s7, s21;
	s9 =	sadd.s32 $0xF600, s26;
	v57 =	vld.idx.msk [tilespmem:v27+s10+$0xFFFFFE00], $0xffff;
	[tilespmem:s4+$0x0] =	vst v35  }
0x341: {  	s12 =	sor.u32 s30, s9;
	[tilespmem:s5+$0x0] =	vst v36;
	v35 =	vld.idx.msk [tilespmem:v28+s0+$0x0], $0xffff  }
0x342: {  	s6 =	sadd.s32 $0xF580, s13;
	[tilespmem:s12+$0x0] =	vst v58;
	s1 =	sor.u32 s29, s9;
	v59 =	vld.idx.msk [tilespmem:v28+s0+$0xFFFFFE00], $0xffff  }
0x343: {  	s8 =	sor.u32 s22, s6;
	v37 =	vld.idx.msk [tilespmem:v29+s28+$0x0], $0xffff;
	[tilespmem:s1+$0x0] =	vst v34  }
0x344: {  	s14 =	sadd.s32 $0xF600, s31;
	s2 =	sor.u32 s23, s6;
	v34 =	vld.idx.msk [tilespmem:v29+s28+$0xFFFFFE00], $0xffff;
	[tilespmem:s8+$0x0] =	vst v56  }
0x345: {  	s15 =	sor.u32 s3, s14;
	[tilespmem:s2+$0x0] =	vst v57;
	v60 =	vld.idx.msk [tilespmem:v28+s10+$0x0], $0xffff  }
0x346: {  	s18 =	sadd.s32 $0xF680, s26;
	s2 =	sor.u32 s7, s14;
	v61 =	vld.idx.msk [tilespmem:v28+s10+$0xFFFFFE00], $0xffff;
	[tilespmem:s15+$0x0] =	vst v35  }
0x347: {  	s19 =	sor.u32 s30, s18;
	[tilespmem:s2+$0x0] =	vst v59;
	v35 =	vld.idx.msk [tilespmem:v29+s0+$0x0], $0xffff  }
0x348: {  	s16 =	sadd.s32 $0xF600, s13;
	[tilespmem:s19+$0x0] =	vst v37;
	s2 =	sor.u32 s29, s18;
	v62 =	vld.idx.msk [tilespmem:v29+s0+$0xFFFFFE00], $0xffff  }
0x349: {  	s17 =	sor.u32 s22, s16;
	v37 =	vld.idx.msk [tilespmem:v30+s28+$0x0], $0xffff;
	[tilespmem:s2+$0x0] =	vst v34  }
0x34a: {  	s20 =	sadd.s32 $0xF680, s31;
	s1 =	sor.u32 s23, s16;
	v34 =	vld.idx.msk [tilespmem:v30+s28+$0xFFFFFE00], $0xffff;
	[tilespmem:s17+$0x0] =	vst v60  }
0x34b: {  	s21 =	sor.u32 s3, s20;
	[tilespmem:s1+$0x0] =	vst v61;
	v63 =	vld.idx.msk [tilespmem:v29+s10+$0x0], $0xffff  }
0x34c: {  	s6 =	sadd.s32 $0xF700, s26;
	s1 =	sor.u32 s7, s20;
	v36 =	vld.idx.msk [tilespmem:v29+s10+$0xFFFFFE00], $0xffff;
	[tilespmem:s21+$0x0] =	vst v35  }
0x34d: {  	s8 =	sor.u32 s30, s6;
	[tilespmem:s1+$0x0] =	vst v62;
	v35 =	vld.idx.msk [tilespmem:v30+s0+$0x0], $0xffff  }
0x34e: {  	s4 =	sadd.s32 $0xF680, s13;
	[tilespmem:s8+$0x0] =	vst v37;
	s1 =	sor.u32 s29, s6;
	v32 =	vld.idx.msk [tilespmem:v30+s0+$0xFFFFFE00], $0xffff  }
0x34f: {  	s5 =	sor.u32 s22, s4;
	v37 =	vld.idx.msk [tilespmem:v31+s28+$0x0], $0xffff;
	[tilespmem:s1+$0x0] =	vst v34  }
0x350: {  	s9 =	sadd.s32 $0xF700, s31;
	s2 =	sor.u32 s23, s4;
	v34 =	vld.idx.msk [tilespmem:v31+s28+$0xFFFFFE00], $0xffff;
	[tilespmem:s5+$0x0] =	vst v63  }
0x351: {  	s12 =	sor.u32 s3, s9;
	[tilespmem:s2+$0x0] =	vst v36;
	v33 =	vld.idx.msk [tilespmem:v30+s10+$0x0], $0xffff  }
0x352: {  	s16 =	sadd.s32 $0xF780, s26;
	s2 =	sor.u32 s7, s9;
	v36 =	vld.idx.msk [tilespmem:v30+s10+$0xFFFFFE00], $0xffff;
	[tilespmem:s12+$0x0] =	vst v35  }
0x353: {  	s17 =	sor.u32 s30, s16;
	[tilespmem:s2+$0x0] =	vst v32;
	v35 =	vld.idx.msk [tilespmem:v31+s0+$0x0], $0xffff  }
0x354: {  	s14 =	sadd.s32 $0xF700, s13;
	[tilespmem:s17+$0x0] =	vst v37;
	v32 =	vld.idx.msk [tilespmem:v31+s0+$0xFFFFFE00], $0xffff;
	s0 =	sor.u32 s29, s16  }
0x355: {  	s15 =	sor.u32 s22, s14;
	[tilespmem:s0+$0x0] =	vst v34  }
0x356: {  	s18 =	sadd.s32 $0xF780, s31;
	s1 =	sor.u32 s23, s14;
	[tilespmem:s15+$0x0] =	vst v33  }
0x357: {  	s19 =	sor.u32 s3, s18;
	[tilespmem:s1+$0x0] =	vst v36;
	v33 =	vld.idx.msk [tilespmem:v31+s10+$0x0], $0xffff  }
0x358: {  	s24 =	sadd.s32 $0x1, s24;
	s1 =	sor.u32 s7, s18;
	v36 =	vld.idx.msk [tilespmem:v31+s10+$0xFFFFFE00], $0xffff;
	[tilespmem:s19+$0x0] =	vst v35  }
0x359: {  	p0 =	sne.s32 s24, $0x19;
	s20 =	sadd.s32 $0xF780, s13;
	[tilespmem:s1+$0x0] =	vst v32  }
.Ltmp5:
0x35a: {  	s21 =	sshll.u32 s25, $0x13;
	s25 =	rddreg [dreg:$0x8];
	(pc) =	sbr.rel @p0 .LBB2_2-.Ltmp5, $4  }
0x35b: {  	s31 =	simm.s32 $0xC400;
	s22 =	sor.u32 s22, s20;
	s2 =	sor.u32 s25, s21  }
0x35c: {  	s28 =	rddreg [dreg:$0x1];
	s0 =	sor.u32 s23, s20;
	[tilespmem:s22+$0x0] =	vst v33;
	s26 =	sshrl.u32 s2, $0x3  }
0x35d: {  	s30 =	simm.s32 $0x20000;
	s29 =	simm.s32 $0x1000;
	[tilespmem:s0+$0x0] =	vst v36;
	s0 =	sadd.s32 s28, s26  }
0x35e: {  	[hbm4b:s0+s29] =	stream.strided.scatter [tilespmem:s31], [sflag:$0x4], $0x4000, s30, s29, $0x38;
	[tilespmem:$0x10400] =	vst v63  }
0x35f: {  	s0 =	simm.s32 $0x3  }
0x360: {  	_ =	swait.ge [sflag:s0], $0x4000  }
0x361: {  	[sflag:s0] =	ssyncset.done $0x0  }
0x362: {  	s1 =	simm.s32 $0x4;
	[sflag:s0] =	ssyncadd.s32 $0xFFFFC000  }
0x363: {  	_ =	swait.ge [sflag:s1], $0x4000  }
0x364: {  	s2 =	rddreg [dreg:$0xa]  }
0x365: {  	s31 =	rddreg [dreg:$0x9];
	s2 =	sadd.s32 $0x1, s2  }
0x366: {  	p0 =	sne.s32 s2, s31  }
.Ltmp6:
0x367: {  	_ = 	snop;
	(pc) =	sbr.rel @p0 .LBB2_1-.Ltmp6, $3  }
0x368: {  	_ =	sdelay $0x1  }
0x369: {  	[sflag:s1] =	ssyncset.done $0x0  }
0x36a: {  	[sflag:s1] =	ssyncadd.s32 $0xFFFFC000  }
0x36b: {  	_ =	sfence.sel $0x180000  }
0x36c: {  	[bflag:$0x0] =	sbarrier.arrive $0xFFFF  }
0x36d: {  	_ =	strace $0x90000047  }
0x36e: {  	s0 =	stileid.u32;
	[bflag:$0x2] =	sbarrier.arrive $0xFFFF  }
0x36f: {  	p0 =	sne.s32 s0, $0x0;
	s0 =	rddreg [dreg:$0x2]  }
0x370: {  	s0 =	sadd.s32 @!p0 $0x100000, s0  }
0x371: {  	[sflag:s0] =	ssyncadd.tile.s32 @!p0 $0x1;
	_ =	shalt  }
.Lfunc_end2:
_tile_overlayer_lowered:
.L_overlay_start_2:
0x372: {  	(tag) =	ssettag $0x2  }
0x373: {  	s0 =	rddreg [dreg:$0x0];
	s2 =	stileid.u32  }
0x374: {  	s1 =	rddreg [dreg:$0x1];
	p0 =	sne.s32 s2, $0x0  }
0x375: {  	s3 =	rddreg [dreg:$0x2];
	[bflag:$0x3] =	sbarrier.arrive $0xFFFF;
	s2 =	simm.s32 @!p0 $0x1C05  }
0x376: {  	[timem:s3], [sflag:s2] =	dma.local @!p0 [hbm:s0], s1  }
0x377: {  	s0 =	simm.s32 @!p0 $0x5  }
0x378: {  	_ =	swait.ge @!p0 [sflag:s0], s1  }
0x379: {  	s1 =	ssub.s32 @!p0 $0x0, s1;
	[sflag:s0] =	ssyncset.done @!p0 $0x0  }
0x37a: {  	[sflag:s0] =	ssyncadd.s32 @!p0 s1  }
0x37b: {  	[bflag:$0x3] =	sbarrier.arrive $0xFFFF  }
0x37c: {  	_ =	shalt  }

</sc_bundles>
